<compile_context>
chip_gen: v7x
topology: tpu7x:2x2x1
jax: 0.10.2.dev20260603
libtpu: 0.0.44.dev20260713+nightly
codegen_flags: <defaults>
</compile_context>

<pallas_src>
import jax
import jax.numpy as jnp
from jax import lax
from jax.experimental import pallas as pl
from jax.experimental.pallas import tpu as pltpu
from jax.experimental.pallas import tpu_sc as plsc

B, L, CH, NCH = 4, 256, 96, 6
PADLEN = 272
NW = 32
ROWS_PER_W = (B * L) // NW
WORKERS_PER_B = NW // B


def _sc_body(padded_hbm, legal_hbm, out_hbm,
             padbuf, colmtab, legalbuf, outbuf, sem0, sem1):
    wid = lax.axis_index("s") * 2 + lax.axis_index("c")
    b = wid // WORKERS_PER_B
    i0 = (wid % WORKERS_PER_B) * ROWS_PER_W

    lv = lax.iota(jnp.int32, 16)
    lm8 = lv < 8
    selrow = (lv & 7) < 4
    c4 = lv & 3
    t3 = 3 - c4
    t5 = 5 - c4
    one = jnp.full((16,), 1.0, jnp.float32)
    zero = jnp.zeros((16,), jnp.float32)

    offi = [jnp.where(lm8, 5, 0) if c == 0
            else jnp.where(lm8, 2 * c - 1, 2 * c) for c in range(NCH)]
    offj = [jnp.where(lm8, 5, 10) if c == 0
            else jnp.where(lm8, 11 - 2 * c, 10 - 2 * c) for c in range(NCH)]
    koff = [jnp.where(lm8, -1000, -7) if c == 0
            else jnp.where(lm8, 4 * c - 9, 4 * c - 7) for c in range(NCH)]

    pltpu.sync_copy(padded_hbm.at[b], padbuf)
    pltpu.sync_copy(legal_hbm.at[b, pl.ds(i0, ROWS_PER_W)],
                    legalbuf.at[:, pl.ds(0, L)])

    def build_tables(j, carry):
        jsplat = jnp.full((16,), j, jnp.int32)
        for c in range(NCH):
            bj = plsc.load_gather(padbuf, [jsplat + offj[c]])
            v = jnp.where(selrow, (bj == t3) | (bj == t5), bj == c4)
            vf = v.astype(jnp.float32)
            if c == 0:
                vf = jnp.where(lv < 4, one, vf)
            colmtab[j, pl.ds(16 * c, 16)] = vf
        return carry

    lax.fori_loop(0, L, build_tables, 0)

    def one_row(r, slot, sem):
        i = i0 + r
        isplat = jnp.full((16,), i, jnp.int32)
        rowms, thrs = [], []
        for c in range(NCH):
            bi = plsc.load_gather(padbuf, [isplat + offi[c]])
            v = jnp.where(selrow, bi == c4, (bi == t3) | (bi == t5))
            vf = v.astype(jnp.float32)
            if c == 0:
                vf = jnp.where((lv >= 4) & lm8, one, vf)
            rowms.append(vf)
            thrs.append(isplat + koff[c])

        @pl.when(r >= 2)
        def _drain():
            pltpu.make_async_copy(outbuf.at[slot], out_hbm.at[b, i], sem).wait()

        obuf = outbuf.at[slot]

        def grp_body(g, inner):
            j0 = g * 16
            for jj in range(16):
                for c in range(NCH):
                    obuf[j0 + jj, pl.ds(16 * c, 16)] = rowms[c]
            return inner

        def grp_body_unused(g, inner):
            j0 = g * 16
            lgv16 = legalbuf[r, pl.ds(j0, 16)]
            all_masked = (j0 + 15) < (i - 6)
            all_open = j0 > (i + 13)

            @pl.when(all_masked)
            def _a():
                for jj in range(16):
                    j = j0 + jj
                    cm0 = colmtab[j, pl.ds(0, 16)]
                    obuf[j, pl.ds(0, 16)] = jnp.where(lm8, rowms[0] * cm0, zero)
                    for c in range(1, NCH):
                        obuf[j, pl.ds(16 * c, 16)] = zero

            @pl.when(all_open)
            def _c():
                for jj in range(16):
                    j = j0 + jj
                    lgv = jnp.full((16,), lgv16[jj], jnp.float32)
                    lm0 = jnp.where(lm8, one, lgv)
                    for c in range(NCH):
                        cm = colmtab[j, pl.ds(16 * c, 16)]
                        obuf[j, pl.ds(16 * c, 16)] = (
                            rowms[c] * (lm0 if c == 0 else lgv)) * cm

            @pl.when(jnp.logical_not(all_masked | all_open))
            def _b():
                for jj in range(16):
                    j = j0 + jj
                    lgv = jnp.full((16,), lgv16[jj], jnp.float32)
                    lm0 = jnp.where(lm8, one, lgv)
                    jv = jnp.full((16,), j, jnp.int32)
                    for c in range(NCH):
                        cm = colmtab[j, pl.ds(16 * c, 16)]
                        rowlg = rowms[c] * (lm0 if c == 0 else lgv)
                        obuf[j, pl.ds(16 * c, 16)] = jnp.where(
                            jv > thrs[c], rowlg * cm, zero)
            return inner

        lax.fori_loop(0, 16, grp_body, 0)
        pltpu.async_copy(outbuf.at[slot], out_hbm.at[b, i], sem)

    def pair_body(p, carry):
        one_row(2 * p, 0, sem0)
        one_row(2 * p + 1, 1, sem1)
        return carry

    lax.fori_loop(0, ROWS_PER_W // 2, pair_body, 0)
    pltpu.make_async_copy(outbuf.at[0], out_hbm.at[b, i0], sem0).wait()
    pltpu.make_async_copy(outbuf.at[1], out_hbm.at[b, i0], sem1).wait()


def kernel(seq_indices, legal_mask):
    padded = jnp.pad(seq_indices.astype(jnp.int32), ((0, 0), (5, 11)),
                     constant_values=1000)
    padded = jnp.where(padded >= 4, 1000, padded)
    f = pl.kernel(
        _sc_body,
        out_type=jax.ShapeDtypeStruct((B, L, L, CH), jnp.float32),
        mesh=plsc.VectorSubcoreMesh(core_axis_name="c", subcore_axis_name="s"),
        compiler_params=pltpu.CompilerParams(needs_layout_passes=False),
        scratch_types=[
            pltpu.VMEM((PADLEN,), jnp.int32),
            pltpu.VMEM((L, CH), jnp.float32),
            pltpu.VMEM((ROWS_PER_W, PADLEN), jnp.float32),
            pltpu.VMEM((2, L, CH), jnp.float32),
            pltpu.SemaphoreType.DMA,
            pltpu.SemaphoreType.DMA,
        ],
    )
    return f(padded, legal_mask)

# --- scband reference (transcript-rebuilt; emitter-appended) ---
"""Pipeline reference for scband-helix-center-masked-prior-generator-3264175145149 (READ-ONLY COPY).

The authoritative reference and input builder live on the scoring server;
editing this copy changes nothing except your own understanding.
"""

import jax, jax.numpy as jnp
import numpy as np

K = 5
MIN_DIST = 3

def _embedding_table():
    # torch.eye(5)[:4].T -> [5,4]; rows 0..3 = identity basis, row 4 (pad) = zeros
    return jnp.concatenate([jnp.eye(4, dtype=jnp.float32), jnp.zeros((1, 4), dtype=jnp.float32)], axis=0)

def _canonical_lookup():
    # Canonical Watson-Crick + wobble pairs with A=0, C=1, G=2, U=3, pad=4
    tab = np.zeros((5, 5), dtype=bool)
    for a, b in [(0, 3), (3, 0), (1, 2), (2, 1), (2, 3), (3, 2)]:
        tab[a, b] = True
    return jnp.asarray(tab)

def setup_inputs(seed: int = 0) -> dict:
    key = jax.random.key(seed)
    k1, k2 = jax.random.split(key)
    B, L = 4, 256
    seq_indices = jax.random.randint(k1, (B, L), 0, 4, dtype=jnp.int64 if jax.config.jax_enable_x64 else jnp.int32).astype(jnp.int32)
    legal_mask = jax.random.uniform(k2, (B, L, L), dtype=jnp.float32)
    return {"seq_indices": seq_indices, "legal_mask": legal_mask}

def reference(seq_indices, legal_mask):
    emb = _embedding_table()
    canonical = _canonical_lookup()
    B, L = seq_indices.shape
    one_hot = jnp.take(emb, seq_indices, axis=0)  # [B, L, 4]
    rows = jnp.broadcast_to(one_hot[:, :, None, :], (B, L, L, 4))
    cols = jnp.broadcast_to(one_hot[:, None, :, :], (B, L, L, 4))
    base_info = jnp.concatenate([rows, cols], axis=-1)  # [B, L, L, 8]
    padded_seq = jnp.pad(seq_indices, ((0, 0), (K, K)), constant_values=4)
    flat_padded = padded_seq.reshape(-1)
    k_offsets = jnp.arange(-K, K + 1).reshape(1, 1, 1, -1)
    i_idx = jnp.arange(L).reshape(1, L, 1, 1)
    j_idx = jnp.arange(L).reshape(1, 1, L, 1)
    ik_rel = i_idx + K + k_offsets
    jk_rel = j_idx + K - k_offsets
    stride = L + 2 * K
    batch_offsets = (jnp.arange(B) * stride).reshape(B, 1, 1, 1)
    ik_global = jnp.broadcast_to(ik_rel + batch_offsets, (B, L, L, 2 * K + 1))
    jk_global = jnp.broadcast_to(jk_rel + batch_offsets, (B, L, L, 2 * K + 1))
    bases_ik = jnp.take(flat_padded, ik_global, axis=0)
    bases_jk = jnp.take(flat_padded, jk_global, axis=0)
    dist_matrix = (j_idx - i_idx).squeeze(-1)  # [1, L, L]
    mask_dist = dist_matrix[..., None] > (MIN_DIST + 2 * k_offsets)
    mask_canonical = canonical[bases_ik, bases_jk]
    final_mask = (mask_dist & mask_canonical).astype(jnp.float32)
    feat_ik = jnp.take(emb, bases_ik, axis=0)
    feat_jk = jnp.take(emb, bases_jk, axis=0)
    feat_stack = jnp.concatenate([feat_ik, feat_jk], axis=-1)
    feat_stack = feat_stack * final_mask[..., None]
    feat_stack = feat_stack.reshape(B, L, L, -1)
    feat_stack = feat_stack * legal_mask[..., None]
    result = jnp.concatenate([base_info, feat_stack], axis=-1)
    return result

if __name__ == "__main__":
    import jax
    _d = setup_inputs()
    print(jax.jit(kernel)(*tuple(_d.values())))

</pallas_src>

<mosaic_0001>
#map = affine_map<(d0, d1) -> (0, 0)>
#map1 = affine_map<(d0, d1) -> (0, 0, 0)>
#map2 = affine_map<(d0, d1) -> (0, 0, 0, 0)>
module attributes {stable_mosaic.version = 14 : i64} {
  func.func @_sc_body(%arg0: i32, %arg1: i32, %arg2: memref<4x272xi32, #tpu.memory_space<hbm>>, %arg3: memref<4x256x256xf32, #tpu.memory_space<hbm>>, %arg4: memref<4x256x256x96xf32, #tpu.memory_space<hbm>>, %arg5: memref<272xi32, #tpu.memory_space<vmem>>, %arg6: memref<256x96xf32, #tpu.memory_space<vmem>>, %arg7: memref<32x272xf32, #tpu.memory_space<vmem>>, %arg8: memref<2x256x96xf32, #tpu.memory_space<vmem>>, %arg9: memref<!tpu.dma_semaphore, #tpu.memory_space<semaphore_mem>>, %arg10: memref<!tpu.dma_semaphore, #tpu.memory_space<semaphore_mem>>) attributes {dimension_semantics = [#tpu.dimension_semantics<core_parallel>, #tpu.dimension_semantics<subcore_parallel>], iteration_bounds = array<i64: 2, 16>, scalar_prefetch = 0 : i64, scratch_operands = 6 : i64, tpu.core_type = #tpu.core_type<sc_vector_subcore>, window_params = [{transform_indices = #map}, {transform_indices = #map1}, {transform_indices = #map2}]} {
    %mul3A = arith.constant 2 : i32
    %mul3A_0 = arith.muli %arg1, %mul3A : i32
    %add3A = arith.addi %mul3A_0, %arg0 : i32
    %jit3A = arith.constant 8 : i32
    %div3A = arith.divsi %add3A, %jit3A : i32
    %sign3A = arith.constant 0 : i32
    %sign3A_1 = arith.cmpi sgt, %add3A, %sign3A : i32
    %sign3A_2 = arith.extui %sign3A_1 : i1 to i32
    %sign3A_3 = arith.constant 0 : i32
    %sign3A_4 = arith.cmpi slt, %add3A, %sign3A_3 : i32
    %sign3A_5 = arith.extui %sign3A_4 : i1 to i32
    %sign3A_6 = arith.subi %sign3A_2, %sign3A_5 : i32
    %sign3A_7 = arith.constant 0 : i32
    %sign3A_8 = arith.cmpi sgt, %jit3A, %sign3A_7 : i32
    %sign3A_9 = arith.extui %sign3A_8 : i1 to i32
    %sign3A_10 = arith.constant 0 : i32
    %sign3A_11 = arith.cmpi slt, %jit3A, %sign3A_10 : i32
    %sign3A_12 = arith.extui %sign3A_11 : i1 to i32
    %sign3A_13 = arith.subi %sign3A_9, %sign3A_12 : i32
    %ne3A = arith.cmpi ne, %sign3A_6, %sign3A_13 : i32
    %rem3A = arith.remsi %add3A, %jit3A : i32
    %ne3A_14 = arith.constant 0 : i32
    %ne3A_15 = arith.cmpi ne, %rem3A, %ne3A_14 : i32
    %and3A = arith.andi %ne3A, %ne3A_15 : i1
    %sub3A = arith.constant 1 : i32
    %sub3A_16 = arith.subi %div3A, %sub3A : i32
    %select_n3A = arith.select %and3A, %sub3A_16, %div3A : i32
    %jit3A_17 = arith.constant 8 : i32
    %eq3A = arith.constant 0 : i32
    %eq3A_18 = arith.cmpi eq, %jit3A_17, %eq3A : i32
    %jit3A_19 = arith.constant 1 : i32
    %select_n3A_20 = arith.select %eq3A_18, %jit3A_19, %jit3A_17 : i32
    %rem3A_21 = arith.remsi %add3A, %select_n3A_20 : i32
    %ne3A_22 = arith.constant 0 : i32
    %ne3A_23 = arith.cmpi ne, %rem3A_21, %ne3A_22 : i32
    %lt3A = arith.constant 0 : i32
    %lt3A_24 = arith.cmpi slt, %rem3A_21, %lt3A : i32
    %lt3A_25 = arith.constant 0 : i32
    %lt3A_26 = arith.cmpi slt, %select_n3A_20, %lt3A_25 : i32
    %ne3A_27 = arith.xori %lt3A_24, %lt3A_26 : i1
    %and3A_28 = arith.andi %ne3A_27, %ne3A_23 : i1
    %add3A_29 = arith.addi %rem3A_21, %select_n3A_20 : i32
    %select_n3A_30 = arith.select %and3A_28, %add3A_29, %rem3A_21 : i32
    %mul3A_31 = arith.constant 32 : i32
    %mul3A_32 = arith.muli %select_n3A_30, %mul3A_31 : i32
    %iota3A = tpu.iota {dimensions = array<i32: 0>} : vector<16xi32>
    %lt3A_33 = arith.constant 8 : i32
    %lt3A_34 = vector.broadcast %lt3A_33 : i32 to vector<16xi32>
    %lt3A_35 = arith.cmpi slt, %iota3A, %lt3A_34 : vector<16xi32>
    %and3A_36 = arith.constant 7 : i32
    %and3A_37 = vector.broadcast %and3A_36 : i32 to vector<16xi32>
    %and3A_38 = arith.andi %iota3A, %and3A_37 : vector<16xi32>
    %lt3A_39 = arith.constant 4 : i32
    %lt3A_40 = vector.broadcast %lt3A_39 : i32 to vector<16xi32>
    %lt3A_41 = arith.cmpi slt, %and3A_38, %lt3A_40 : vector<16xi32>
    %and3A_42 = arith.constant 3 : i32
    %and3A_43 = vector.broadcast %and3A_42 : i32 to vector<16xi32>
    %and3A_44 = arith.andi %iota3A, %and3A_43 : vector<16xi32>
    %sub3A_45 = arith.constant 3 : i32
    %sub3A_46 = vector.broadcast %sub3A_45 : i32 to vector<16xi32>
    %sub3A_47 = arith.subi %sub3A_46, %and3A_44 : vector<16xi32>
    %sub3A_48 = arith.constant 5 : i32
    %sub3A_49 = vector.broadcast %sub3A_48 : i32 to vector<16xi32>
    %sub3A_50 = arith.subi %sub3A_49, %and3A_44 : vector<16xi32>
    %broadcast_in_dim3A = arith.constant 1.000000e+00 : f32
    %broadcast_in_dim3A_51 = vector.broadcast %broadcast_in_dim3A : f32 to vector<16xf32>
    %broadcast_in_dim3A_52 = arith.constant 0.000000e+00 : f32
    %broadcast_in_dim3A_53 = vector.broadcast %broadcast_in_dim3A_52 : f32 to vector<16xf32>
    %jit3A_54 = arith.constant 5 : i32
    %jit3A_55 = arith.constant 0 : i32
    %broadcast_in_dim3A_56 = vector.broadcast %jit3A_54 : i32 to vector<16xi32>
    %broadcast_in_dim3A_57 = vector.broadcast %jit3A_55 : i32 to vector<16xi32>
    %select_n3A_58 = arith.select %lt3A_35, %broadcast_in_dim3A_56, %broadcast_in_dim3A_57 : vector<16xi1>, vector<16xi32>
    %jit3A_59 = arith.constant 1 : i32
    %jit3A_60 = arith.constant 2 : i32
    %broadcast_in_dim3A_61 = vector.broadcast %jit3A_59 : i32 to vector<16xi32>
    %broadcast_in_dim3A_62 = vector.broadcast %jit3A_60 : i32 to vector<16xi32>
    %select_n3A_63 = arith.select %lt3A_35, %broadcast_in_dim3A_61, %broadcast_in_dim3A_62 : vector<16xi1>, vector<16xi32>
    %jit3A_64 = arith.constant 3 : i32
    %jit3A_65 = arith.constant 4 : i32
    %broadcast_in_dim3A_66 = vector.broadcast %jit3A_64 : i32 to vector<16xi32>
    %broadcast_in_dim3A_67 = vector.broadcast %jit3A_65 : i32 to vector<16xi32>
    %select_n3A_68 = arith.select %lt3A_35, %broadcast_in_dim3A_66, %broadcast_in_dim3A_67 : vector<16xi1>, vector<16xi32>
    %jit3A_69 = arith.constant 5 : i32
    %jit3A_70 = arith.constant 6 : i32
    %broadcast_in_dim3A_71 = vector.broadcast %jit3A_69 : i32 to vector<16xi32>
    %broadcast_in_dim3A_72 = vector.broadcast %jit3A_70 : i32 to vector<16xi32>
    %select_n3A_73 = arith.select %lt3A_35, %broadcast_in_dim3A_71, %broadcast_in_dim3A_72 : vector<16xi1>, vector<16xi32>
    %jit3A_74 = arith.constant 7 : i32
    %jit3A_75 = arith.constant 8 : i32
    %broadcast_in_dim3A_76 = vector.broadcast %jit3A_74 : i32 to vector<16xi32>
    %broadcast_in_dim3A_77 = vector.broadcast %jit3A_75 : i32 to vector<16xi32>
    %select_n3A_78 = arith.select %lt3A_35, %broadcast_in_dim3A_76, %broadcast_in_dim3A_77 : vector<16xi1>, vector<16xi32>
    %jit3A_79 = arith.constant 9 : i32
    %jit3A_80 = arith.constant 10 : i32
    %broadcast_in_dim3A_81 = vector.broadcast %jit3A_79 : i32 to vector<16xi32>
    %broadcast_in_dim3A_82 = vector.broadcast %jit3A_80 : i32 to vector<16xi32>
    %select_n3A_83 = arith.select %lt3A_35, %broadcast_in_dim3A_81, %broadcast_in_dim3A_82 : vector<16xi1>, vector<16xi32>
    %jit3A_84 = arith.constant 5 : i32
    %jit3A_85 = arith.constant 10 : i32
    %broadcast_in_dim3A_86 = vector.broadcast %jit3A_84 : i32 to vector<16xi32>
    %broadcast_in_dim3A_87 = vector.broadcast %jit3A_85 : i32 to vector<16xi32>
    %select_n3A_88 = arith.select %lt3A_35, %broadcast_in_dim3A_86, %broadcast_in_dim3A_87 : vector<16xi1>, vector<16xi32>
    %jit3A_89 = arith.constant 9 : i32
    %jit3A_90 = arith.constant 8 : i32
    %broadcast_in_dim3A_91 = vector.broadcast %jit3A_89 : i32 to vector<16xi32>
    %broadcast_in_dim3A_92 = vector.broadcast %jit3A_90 : i32 to vector<16xi32>
    %select_n3A_93 = arith.select %lt3A_35, %broadcast_in_dim3A_91, %broadcast_in_dim3A_92 : vector<16xi1>, vector<16xi32>
    %jit3A_94 = arith.constant 7 : i32
    %jit3A_95 = arith.constant 6 : i32
    %broadcast_in_dim3A_96 = vector.broadcast %jit3A_94 : i32 to vector<16xi32>
    %broadcast_in_dim3A_97 = vector.broadcast %jit3A_95 : i32 to vector<16xi32>
    %select_n3A_98 = arith.select %lt3A_35, %broadcast_in_dim3A_96, %broadcast_in_dim3A_97 : vector<16xi1>, vector<16xi32>
    %jit3A_99 = arith.constant 5 : i32
    %jit3A_100 = arith.constant 4 : i32
    %broadcast_in_dim3A_101 = vector.broadcast %jit3A_99 : i32 to vector<16xi32>
    %broadcast_in_dim3A_102 = vector.broadcast %jit3A_100 : i32 to vector<16xi32>
    %select_n3A_103 = arith.select %lt3A_35, %broadcast_in_dim3A_101, %broadcast_in_dim3A_102 : vector<16xi1>, vector<16xi32>
    %jit3A_104 = arith.constant 3 : i32
    %jit3A_105 = arith.constant 2 : i32
    %broadcast_in_dim3A_106 = vector.broadcast %jit3A_104 : i32 to vector<16xi32>
    %broadcast_in_dim3A_107 = vector.broadcast %jit3A_105 : i32 to vector<16xi32>
    %select_n3A_108 = arith.select %lt3A_35, %broadcast_in_dim3A_106, %broadcast_in_dim3A_107 : vector<16xi1>, vector<16xi32>
    %jit3A_109 = arith.constant 1 : i32
    %jit3A_110 = arith.constant 0 : i32
    %broadcast_in_dim3A_111 = vector.broadcast %jit3A_109 : i32 to vector<16xi32>
    %broadcast_in_dim3A_112 = vector.broadcast %jit3A_110 : i32 to vector<16xi32>
    %select_n3A_113 = arith.select %lt3A_35, %broadcast_in_dim3A_111, %broadcast_in_dim3A_112 : vector<16xi1>, vector<16xi32>
    %jit3A_114 = arith.constant -1000 : i32
    %jit3A_115 = arith.constant -7 : i32
    %broadcast_in_dim3A_116 = vector.broadcast %jit3A_114 : i32 to vector<16xi32>
    %broadcast_in_dim3A_117 = vector.broadcast %jit3A_115 : i32 to vector<16xi32>
    %select_n3A_118 = arith.select %lt3A_35, %broadcast_in_dim3A_116, %broadcast_in_dim3A_117 : vector<16xi1>, vector<16xi32>
    %jit3A_119 = arith.constant -5 : i32
    %jit3A_120 = arith.constant -3 : i32
    %broadcast_in_dim3A_121 = vector.broadcast %jit3A_119 : i32 to vector<16xi32>
    %broadcast_in_dim3A_122 = vector.broadcast %jit3A_120 : i32 to vector<16xi32>
    %select_n3A_123 = arith.select %lt3A_35, %broadcast_in_dim3A_121, %broadcast_in_dim3A_122 : vector<16xi1>, vector<16xi32>
    %jit3A_124 = arith.constant -1 : i32
    %jit3A_125 = arith.constant 1 : i32
    %broadcast_in_dim3A_126 = vector.broadcast %jit3A_124 : i32 to vector<16xi32>
    %broadcast_in_dim3A_127 = vector.broadcast %jit3A_125 : i32 to vector<16xi32>
    %select_n3A_128 = arith.select %lt3A_35, %broadcast_in_dim3A_126, %broadcast_in_dim3A_127 : vector<16xi1>, vector<16xi32>
    %jit3A_129 = arith.constant 3 : i32
    %jit3A_130 = arith.constant 5 : i32
    %broadcast_in_dim3A_131 = vector.broadcast %jit3A_129 : i32 to vector<16xi32>
    %broadcast_in_dim3A_132 = vector.broadcast %jit3A_130 : i32 to vector<16xi32>
    %select_n3A_133 = arith.select %lt3A_35, %broadcast_in_dim3A_131, %broadcast_in_dim3A_132 : vector<16xi1>, vector<16xi32>
    %jit3A_134 = arith.constant 7 : i32
    %jit3A_135 = arith.constant 9 : i32
    %broadcast_in_dim3A_136 = vector.broadcast %jit3A_134 : i32 to vector<16xi32>
    %broadcast_in_dim3A_137 = vector.broadcast %jit3A_135 : i32 to vector<16xi32>
    %select_n3A_138 = arith.select %lt3A_35, %broadcast_in_dim3A_136, %broadcast_in_dim3A_137 : vector<16xi1>, vector<16xi32>
    %jit3A_139 = arith.constant 11 : i32
    %jit3A_140 = arith.constant 13 : i32
    %broadcast_in_dim3A_141 = vector.broadcast %jit3A_139 : i32 to vector<16xi32>
    %broadcast_in_dim3A_142 = vector.broadcast %jit3A_140 : i32 to vector<16xi32>
    %select_n3A_143 = arith.select %lt3A_35, %broadcast_in_dim3A_141, %broadcast_in_dim3A_142 : vector<16xi1>, vector<16xi32>
    "tpu.region"() ({
      %run_scoped3A = tpu.sem_alloc : memref<!tpu.dma_semaphore, #tpu.memory_space<semaphore_mem>>
      %dma_start3A = arith.constant 0 : i32
      %dma_start3A_188 = tpu.memref_slice %arg2[%select_n3A, %dma_start3A] : memref<4x272xi32, #tpu.memory_space<hbm>> -> memref<1x272xi32, #tpu.memory_space<hbm>>
      %dma_start3A_189 = tpu.memref_squeeze %dma_start3A_188 : memref<1x272xi32, #tpu.memory_space<hbm>> -> memref<272xi32, #tpu.memory_space<hbm>>
      %dma_start3A_190 = arith.constant 0 : i32
      %dma_start3A_191 = tpu.memref_slice %arg2[%select_n3A, %dma_start3A_190] : memref<4x272xi32, #tpu.memory_space<hbm>> -> memref<1x272xi32, #tpu.memory_space<hbm>>
      %dma_start3A_192 = tpu.memref_squeeze %dma_start3A_191 : memref<1x272xi32, #tpu.memory_space<hbm>> -> memref<272xi32, #tpu.memory_space<hbm>>
      tpu.enqueue_dma source(%dma_start3A_192 : memref<272xi32, #tpu.memory_space<hbm>>) target(%arg5 : memref<272xi32, #tpu.memory_space<vmem>>) target_semaphore(%run_scoped3A : memref<!tpu.dma_semaphore, #tpu.memory_space<semaphore_mem>>)
      %dma_wait3A_193 = arith.constant 0 : i32
      %dma_wait3A_194 = tpu.memref_slice %arg2[%select_n3A, %dma_wait3A_193] : memref<4x272xi32, #tpu.memory_space<hbm>> -> memref<1x272xi32, #tpu.memory_space<hbm>>
      %dma_wait3A_195 = tpu.memref_squeeze %dma_wait3A_194 : memref<1x272xi32, #tpu.memory_space<hbm>> -> memref<272xi32, #tpu.memory_space<hbm>>
      %dma_wait3A_196 = arith.constant 0 : i32
      %dma_wait3A_197 = tpu.memref_slice %arg2[%select_n3A, %dma_wait3A_196] : memref<4x272xi32, #tpu.memory_space<hbm>> -> memref<1x272xi32, #tpu.memory_space<hbm>>
      %dma_wait3A_198 = tpu.memref_squeeze %dma_wait3A_197 : memref<1x272xi32, #tpu.memory_space<hbm>> -> memref<272xi32, #tpu.memory_space<hbm>>
      tpu.wait_dma2 semaphore(%run_scoped3A : memref<!tpu.dma_semaphore, #tpu.memory_space<semaphore_mem>>) src(%dma_wait3A_198 : memref<272xi32, #tpu.memory_space<hbm>>) dst(%arg5 : memref<272xi32, #tpu.memory_space<vmem>>)
      tpu.yield
    }) : () -> ()
    "tpu.region"() ({
      %run_scoped3A = tpu.sem_alloc : memref<!tpu.dma_semaphore, #tpu.memory_space<semaphore_mem>>
      %dma_start3A = arith.constant 0 : i32
      %dma_start3A_188 = arith.constant 0 : i32
      %dma_start3A_189 = tpu.memref_slice %arg7[%dma_start3A, %dma_start3A_188] : memref<32x272xf32, #tpu.memory_space<vmem>> -> memref<32x256xf32, #tpu.memory_space<vmem>>
      %dma_start3A_190 = arith.constant 0 : i32
      %dma_start3A_191 = tpu.memref_slice %arg3[%select_n3A, %mul3A_32, %dma_start3A_190] : memref<4x256x256xf32, #tpu.memory_space<hbm>> -> memref<1x32x256xf32, #tpu.memory_space<hbm>>
      %dma_start3A_192 = tpu.memref_squeeze %dma_start3A_191 : memref<1x32x256xf32, #tpu.memory_space<hbm>> -> memref<32x256xf32, #tpu.memory_space<hbm>>
      %dma_start3A_193 = arith.constant 0 : i32
      %dma_start3A_194 = arith.constant 0 : i32
      %dma_start3A_195 = tpu.memref_slice %arg7[%dma_start3A_193, %dma_start3A_194] : memref<32x272xf32, #tpu.memory_space<vmem>> -> memref<32x256xf32, #tpu.memory_space<vmem>>
      %dma_start3A_196 = arith.constant 0 : i32
      %dma_start3A_197 = tpu.memref_slice %arg3[%select_n3A, %mul3A_32, %dma_start3A_196] : memref<4x256x256xf32, #tpu.memory_space<hbm>> -> memref<1x32x256xf32, #tpu.memory_space<hbm>>
      %dma_start3A_198 = tpu.memref_squeeze %dma_start3A_197 : memref<1x32x256xf32, #tpu.memory_space<hbm>> -> memref<32x256xf32, #tpu.memory_space<hbm>>
      tpu.enqueue_dma source(%dma_start3A_198 : memref<32x256xf32, #tpu.memory_space<hbm>>) target(%dma_start3A_195 : memref<32x256xf32, #tpu.memory_space<vmem>>) target_semaphore(%run_scoped3A : memref<!tpu.dma_semaphore, #tpu.memory_space<semaphore_mem>>)
      %dma_wait3A_199 = arith.constant 0 : i32
      %dma_wait3A_200 = arith.constant 0 : i32
      %dma_wait3A_201 = tpu.memref_slice %arg7[%dma_wait3A_199, %dma_wait3A_200] : memref<32x272xf32, #tpu.memory_space<vmem>> -> memref<32x256xf32, #tpu.memory_space<vmem>>
      %dma_wait3A_202 = arith.constant 0 : i32
      %dma_wait3A_203 = tpu.memref_slice %arg3[%select_n3A, %mul3A_32, %dma_wait3A_202] : memref<4x256x256xf32, #tpu.memory_space<hbm>> -> memref<1x32x256xf32, #tpu.memory_space<hbm>>
      %dma_wait3A_204 = tpu.memref_squeeze %dma_wait3A_203 : memref<1x32x256xf32, #tpu.memory_space<hbm>> -> memref<32x256xf32, #tpu.memory_space<hbm>>
      %dma_wait3A_205 = arith.constant 0 : i32
      %dma_wait3A_206 = arith.constant 0 : i32
      %dma_wait3A_207 = tpu.memref_slice %arg7[%dma_wait3A_205, %dma_wait3A_206] : memref<32x272xf32, #tpu.memory_space<vmem>> -> memref<32x256xf32, #tpu.memory_space<vmem>>
      %dma_wait3A_208 = arith.constant 0 : i32
      %dma_wait3A_209 = tpu.memref_slice %arg3[%select_n3A, %mul3A_32, %dma_wait3A_208] : memref<4x256x256xf32, #tpu.memory_space<hbm>> -> memref<1x32x256xf32, #tpu.memory_space<hbm>>
      %dma_wait3A_210 = tpu.memref_squeeze %dma_wait3A_209 : memref<1x32x256xf32, #tpu.memory_space<hbm>> -> memref<32x256xf32, #tpu.memory_space<hbm>>
      tpu.wait_dma2 semaphore(%run_scoped3A : memref<!tpu.dma_semaphore, #tpu.memory_space<semaphore_mem>>) src(%dma_wait3A_210 : memref<32x256xf32, #tpu.memory_space<hbm>>) dst(%dma_wait3A_207 : memref<32x256xf32, #tpu.memory_space<vmem>>)
      tpu.yield
    }) : () -> ()
    %scan3A = arith.constant 0 : i32
    %scan3A_144 = arith.constant 0 : i32
    %scan3A_145 = arith.constant 256 : i32
    %scan3A_146 = arith.addi %scan3A_144, %scan3A_145 : i32
    %scan3A_147 = arith.constant 1 : i32
    scf.for %scan3A_188 = %scan3A_144 to %scan3A_146 step %scan3A_147  : i32 {
      %broadcast_in_dim3A_189 = vector.broadcast %scan3A_188 : i32 to vector<16xi32>
      %add3A_190 = arith.addi %broadcast_in_dim3A_189, %select_n3A_88 : vector<16xi32>
      %gather3A = tpu.vector_load_idx %arg5[%add3A_190] : memref<272xi32, #tpu.memory_space<vmem>>[vector<16xi32>], vector<16xi32>,
      %eq3A_191 = arith.cmpi eq, %gather3A, %sub3A_47 : vector<16xi32>
      %eq3A_192 = arith.cmpi eq, %gather3A, %sub3A_50 : vector<16xi32>
      %or3A = arith.ori %eq3A_191, %eq3A_192 : vector<16xi1>
      %eq3A_193 = arith.cmpi eq, %gather3A, %and3A_44 : vector<16xi32>
      %select_n3A_194 = arith.select %lt3A_41, %or3A, %eq3A_193 : vector<16xi1>, vector<16xi1>
      %convert_element_type3A = arith.extui %select_n3A_194 : vector<16xi1> to vector<16xi32>
      %convert_element_type3A_195 = arith.sitofp %convert_element_type3A : vector<16xi32> to vector<16xf32>
      %lt3A_196 = arith.constant 4 : i32
      %lt3A_197 = vector.broadcast %lt3A_196 : i32 to vector<16xi32>
      %lt3A_198 = arith.cmpi slt, %iota3A, %lt3A_197 : vector<16xi32>
      %select_n3A_199 = arith.select %lt3A_198, %broadcast_in_dim3A_51, %convert_element_type3A_195 : vector<16xi1>, vector<16xf32>
      %swap3A = arith.index_cast %scan3A_188 : i32 to index
      %swap3A_200 = arith.constant 0 : index
      %swap3A_201 = tpu.vector_load %arg6[%swap3A, %swap3A_200] {strides = array<i32>} : memref<256x96xf32, #tpu.memory_space<vmem>>, vector<16xf32>,
      tpu.vector_store %arg6[%swap3A, %swap3A_200], %select_n3A_199 {strides = array<i32>} : memref<256x96xf32, #tpu.memory_space<vmem>>, vector<16xf32>,
      %add3A_202 = arith.addi %broadcast_in_dim3A_189, %select_n3A_93 : vector<16xi32>
      %gather3A_203 = tpu.vector_load_idx %arg5[%add3A_202] : memref<272xi32, #tpu.memory_space<vmem>>[vector<16xi32>], vector<16xi32>,
      %eq3A_204 = arith.cmpi eq, %gather3A_203, %sub3A_47 : vector<16xi32>
      %eq3A_205 = arith.cmpi eq, %gather3A_203, %sub3A_50 : vector<16xi32>
      %or3A_206 = arith.ori %eq3A_204, %eq3A_205 : vector<16xi1>
      %eq3A_207 = arith.cmpi eq, %gather3A_203, %and3A_44 : vector<16xi32>
      %select_n3A_208 = arith.select %lt3A_41, %or3A_206, %eq3A_207 : vector<16xi1>, vector<16xi1>
      %convert_element_type3A_209 = arith.extui %select_n3A_208 : vector<16xi1> to vector<16xi32>
      %convert_element_type3A_210 = arith.sitofp %convert_element_type3A_209 : vector<16xi32> to vector<16xf32>
      %swap3A_211 = arith.index_cast %scan3A_188 : i32 to index
      %swap3A_212 = arith.constant 16 : index
      %swap3A_213 = tpu.vector_load %arg6[%swap3A_211, %swap3A_212] {strides = array<i32>} : memref<256x96xf32, #tpu.memory_space<vmem>>, vector<16xf32>,
      tpu.vector_store %arg6[%swap3A_211, %swap3A_212], %convert_element_type3A_210 {strides = array<i32>} : memref<256x96xf32, #tpu.memory_space<vmem>>, vector<16xf32>,
      %add3A_214 = arith.addi %broadcast_in_dim3A_189, %select_n3A_98 : vector<16xi32>
      %gather3A_215 = tpu.vector_load_idx %arg5[%add3A_214] : memref<272xi32, #tpu.memory_space<vmem>>[vector<16xi32>], vector<16xi32>,
      %eq3A_216 = arith.cmpi eq, %gather3A_215, %sub3A_47 : vector<16xi32>
      %eq3A_217 = arith.cmpi eq, %gather3A_215, %sub3A_50 : vector<16xi32>
      %or3A_218 = arith.ori %eq3A_216, %eq3A_217 : vector<16xi1>
      %eq3A_219 = arith.cmpi eq, %gather3A_215, %and3A_44 : vector<16xi32>
      %select_n3A_220 = arith.select %lt3A_41, %or3A_218, %eq3A_219 : vector<16xi1>, vector<16xi1>
      %convert_element_type3A_221 = arith.extui %select_n3A_220 : vector<16xi1> to vector<16xi32>
      %convert_element_type3A_222 = arith.sitofp %convert_element_type3A_221 : vector<16xi32> to vector<16xf32>
      %swap3A_223 = arith.index_cast %scan3A_188 : i32 to index
      %swap3A_224 = arith.constant 32 : index
      %swap3A_225 = tpu.vector_load %arg6[%swap3A_223, %swap3A_224] {strides = array<i32>} : memref<256x96xf32, #tpu.memory_space<vmem>>, vector<16xf32>,
      tpu.vector_store %arg6[%swap3A_223, %swap3A_224], %convert_element_type3A_222 {strides = array<i32>} : memref<256x96xf32, #tpu.memory_space<vmem>>, vector<16xf32>,
      %add3A_226 = arith.addi %broadcast_in_dim3A_189, %select_n3A_103 : vector<16xi32>
      %gather3A_227 = tpu.vector_load_idx %arg5[%add3A_226] : memref<272xi32, #tpu.memory_space<vmem>>[vector<16xi32>], vector<16xi32>,
      %eq3A_228 = arith.cmpi eq, %gather3A_227, %sub3A_47 : vector<16xi32>
      %eq3A_229 = arith.cmpi eq, %gather3A_227, %sub3A_50 : vector<16xi32>
      %or3A_230 = arith.ori %eq3A_228, %eq3A_229 : vector<16xi1>
      %eq3A_231 = arith.cmpi eq, %gather3A_227, %and3A_44 : vector<16xi32>
      %select_n3A_232 = arith.select %lt3A_41, %or3A_230, %eq3A_231 : vector<16xi1>, vector<16xi1>
      %convert_element_type3A_233 = arith.extui %select_n3A_232 : vector<16xi1> to vector<16xi32>
      %convert_element_type3A_234 = arith.sitofp %convert_element_type3A_233 : vector<16xi32> to vector<16xf32>
      %swap3A_235 = arith.index_cast %scan3A_188 : i32 to index
      %swap3A_236 = arith.constant 48 : index
      %swap3A_237 = tpu.vector_load %arg6[%swap3A_235, %swap3A_236] {strides = array<i32>} : memref<256x96xf32, #tpu.memory_space<vmem>>, vector<16xf32>,
      tpu.vector_store %arg6[%swap3A_235, %swap3A_236], %convert_element_type3A_234 {strides = array<i32>} : memref<256x96xf32, #tpu.memory_space<vmem>>, vector<16xf32>,
      %add3A_238 = arith.addi %broadcast_in_dim3A_189, %select_n3A_108 : vector<16xi32>
      %gather3A_239 = tpu.vector_load_idx %arg5[%add3A_238] : memref<272xi32, #tpu.memory_space<vmem>>[vector<16xi32>], vector<16xi32>,
      %eq3A_240 = arith.cmpi eq, %gather3A_239, %sub3A_47 : vector<16xi32>
      %eq3A_241 = arith.cmpi eq, %gather3A_239, %sub3A_50 : vector<16xi32>
      %or3A_242 = arith.ori %eq3A_240, %eq3A_241 : vector<16xi1>
      %eq3A_243 = arith.cmpi eq, %gather3A_239, %and3A_44 : vector<16xi32>
      %select_n3A_244 = arith.select %lt3A_41, %or3A_242, %eq3A_243 : vector<16xi1>, vector<16xi1>
      %convert_element_type3A_245 = arith.extui %select_n3A_244 : vector<16xi1> to vector<16xi32>
      %convert_element_type3A_246 = arith.sitofp %convert_element_type3A_245 : vector<16xi32> to vector<16xf32>
      %swap3A_247 = arith.index_cast %scan3A_188 : i32 to index
      %swap3A_248 = arith.constant 64 : index
      %swap3A_249 = tpu.vector_load %arg6[%swap3A_247, %swap3A_248] {strides = array<i32>} : memref<256x96xf32, #tpu.memory_space<vmem>>, vector<16xf32>,
      tpu.vector_store %arg6[%swap3A_247, %swap3A_248], %convert_element_type3A_246 {strides = array<i32>} : memref<256x96xf32, #tpu.memory_space<vmem>>, vector<16xf32>,
      %add3A_250 = arith.addi %broadcast_in_dim3A_189, %select_n3A_113 : vector<16xi32>
      %gather3A_251 = tpu.vector_load_idx %arg5[%add3A_250] : memref<272xi32, #tpu.memory_space<vmem>>[vector<16xi32>], vector<16xi32>,
      %eq3A_252 = arith.cmpi eq, %gather3A_251, %sub3A_47 : vector<16xi32>
      %eq3A_253 = arith.cmpi eq, %gather3A_251, %sub3A_50 : vector<16xi32>
      %or3A_254 = arith.ori %eq3A_252, %eq3A_253 : vector<16xi1>
      %eq3A_255 = arith.cmpi eq, %gather3A_251, %and3A_44 : vector<16xi32>
      %select_n3A_256 = arith.select %lt3A_41, %or3A_254, %eq3A_255 : vector<16xi1>, vector<16xi1>
      %convert_element_type3A_257 = arith.extui %select_n3A_256 : vector<16xi1> to vector<16xi32>
      %convert_element_type3A_258 = arith.sitofp %convert_element_type3A_257 : vector<16xi32> to vector<16xf32>
      %swap3A_259 = arith.index_cast %scan3A_188 : i32 to index
      %swap3A_260 = arith.constant 80 : index
      %swap3A_261 = tpu.vector_load %arg6[%swap3A_259, %swap3A_260] {strides = array<i32>} : memref<256x96xf32, #tpu.memory_space<vmem>>, vector<16xf32>,
      tpu.vector_store %arg6[%swap3A_259, %swap3A_260], %convert_element_type3A_258 {strides = array<i32>} : memref<256x96xf32, #tpu.memory_space<vmem>>, vector<16xf32>,
    }
    %scan3A_148 = arith.constant 256 : i32
    %scan3A_149 = arith.constant 0 : i32
    %scan3A_150 = arith.constant 0 : i32
    %scan3A_151 = arith.constant 16 : i32
    %scan3A_152 = arith.addi %scan3A_150, %scan3A_151 : i32
    %scan3A_153 = arith.constant 1 : i32
    scf.for %scan3A_188 = %scan3A_150 to %scan3A_152 step %scan3A_153  : i32 {
      %mul3A_189 = arith.constant 2 : i32
      %mul3A_190 = arith.muli %mul3A_189, %scan3A_188 : i32
      %add3A_191 = arith.addi %mul3A_32, %mul3A_190 : i32
      %broadcast_in_dim3A_192 = vector.broadcast %add3A_191 : i32 to vector<16xi32>
      %add3A_193 = arith.addi %broadcast_in_dim3A_192, %select_n3A_58 : vector<16xi32>
      %gather3A = tpu.vector_load_idx %arg5[%add3A_193] : memref<272xi32, #tpu.memory_space<vmem>>[vector<16xi32>], vector<16xi32>,
      %eq3A_194 = arith.cmpi eq, %gather3A, %and3A_44 : vector<16xi32>
      %eq3A_195 = arith.cmpi eq, %gather3A, %sub3A_47 : vector<16xi32>
      %eq3A_196 = arith.cmpi eq, %gather3A, %sub3A_50 : vector<16xi32>
      %or3A = arith.ori %eq3A_195, %eq3A_196 : vector<16xi1>
      %select_n3A_197 = arith.select %lt3A_41, %eq3A_194, %or3A : vector<16xi1>, vector<16xi1>
      %convert_element_type3A = arith.extui %select_n3A_197 : vector<16xi1> to vector<16xi32>
      %convert_element_type3A_198 = arith.sitofp %convert_element_type3A : vector<16xi32> to vector<16xf32>
      %ge3A = arith.constant 4 : i32
      %ge3A_199 = vector.broadcast %ge3A : i32 to vector<16xi32>
      %ge3A_200 = arith.cmpi sge, %iota3A, %ge3A_199 : vector<16xi32>
      %and3A_201 = arith.andi %ge3A_200, %lt3A_35 : vector<16xi1>
      %select_n3A_202 = arith.select %and3A_201, %broadcast_in_dim3A_51, %convert_element_type3A_198 : vector<16xi1>, vector<16xf32>
      %add3A_203 = arith.addi %broadcast_in_dim3A_192, %select_n3A_118 : vector<16xi32>
      %add3A_204 = arith.addi %broadcast_in_dim3A_192, %select_n3A_63 : vector<16xi32>
      %gather3A_205 = tpu.vector_load_idx %arg5[%add3A_204] : memref<272xi32, #tpu.memory_space<vmem>>[vector<16xi32>], vector<16xi32>,
      %eq3A_206 = arith.cmpi eq, %gather3A_205, %and3A_44 : vector<16xi32>
      %eq3A_207 = arith.cmpi eq, %gather3A_205, %sub3A_47 : vector<16xi32>
      %eq3A_208 = arith.cmpi eq, %gather3A_205, %sub3A_50 : vector<16xi32>
      %or3A_209 = arith.ori %eq3A_207, %eq3A_208 : vector<16xi1>
      %select_n3A_210 = arith.select %lt3A_41, %eq3A_206, %or3A_209 : vector<16xi1>, vector<16xi1>
      %convert_element_type3A_211 = arith.extui %select_n3A_210 : vector<16xi1> to vector<16xi32>
      %convert_element_type3A_212 = arith.sitofp %convert_element_type3A_211 : vector<16xi32> to vector<16xf32>
      %add3A_213 = arith.addi %broadcast_in_dim3A_192, %select_n3A_123 : vector<16xi32>
      %add3A_214 = arith.addi %broadcast_in_dim3A_192, %select_n3A_68 : vector<16xi32>
      %gather3A_215 = tpu.vector_load_idx %arg5[%add3A_214] : memref<272xi32, #tpu.memory_space<vmem>>[vector<16xi32>], vector<16xi32>,
      %eq3A_216 = arith.cmpi eq, %gather3A_215, %and3A_44 : vector<16xi32>
      %eq3A_217 = arith.cmpi eq, %gather3A_215, %sub3A_47 : vector<16xi32>
      %eq3A_218 = arith.cmpi eq, %gather3A_215, %sub3A_50 : vector<16xi32>
      %or3A_219 = arith.ori %eq3A_217, %eq3A_218 : vector<16xi1>
      %select_n3A_220 = arith.select %lt3A_41, %eq3A_216, %or3A_219 : vector<16xi1>, vector<16xi1>
      %convert_element_type3A_221 = arith.extui %select_n3A_220 : vector<16xi1> to vector<16xi32>
      %convert_element_type3A_222 = arith.sitofp %convert_element_type3A_221 : vector<16xi32> to vector<16xf32>
      %add3A_223 = arith.addi %broadcast_in_dim3A_192, %select_n3A_128 : vector<16xi32>
      %add3A_224 = arith.addi %broadcast_in_dim3A_192, %select_n3A_73 : vector<16xi32>
      %gather3A_225 = tpu.vector_load_idx %arg5[%add3A_224] : memref<272xi32, #tpu.memory_space<vmem>>[vector<16xi32>], vector<16xi32>,
      %eq3A_226 = arith.cmpi eq, %gather3A_225, %and3A_44 : vector<16xi32>
      %eq3A_227 = arith.cmpi eq, %gather3A_225, %sub3A_47 : vector<16xi32>
      %eq3A_228 = arith.cmpi eq, %gather3A_225, %sub3A_50 : vector<16xi32>
      %or3A_229 = arith.ori %eq3A_227, %eq3A_228 : vector<16xi1>
      %select_n3A_230 = arith.select %lt3A_41, %eq3A_226, %or3A_229 : vector<16xi1>, vector<16xi1>
      %convert_element_type3A_231 = arith.extui %select_n3A_230 : vector<16xi1> to vector<16xi32>
      %convert_element_type3A_232 = arith.sitofp %convert_element_type3A_231 : vector<16xi32> to vector<16xf32>
      %add3A_233 = arith.addi %broadcast_in_dim3A_192, %select_n3A_133 : vector<16xi32>
      %add3A_234 = arith.addi %broadcast_in_dim3A_192, %select_n3A_78 : vector<16xi32>
      %gather3A_235 = tpu.vector_load_idx %arg5[%add3A_234] : memref<272xi32, #tpu.memory_space<vmem>>[vector<16xi32>], vector<16xi32>,
      %eq3A_236 = arith.cmpi eq, %gather3A_235, %and3A_44 : vector<16xi32>
      %eq3A_237 = arith.cmpi eq, %gather3A_235, %sub3A_47 : vector<16xi32>
      %eq3A_238 = arith.cmpi eq, %gather3A_235, %sub3A_50 : vector<16xi32>
      %or3A_239 = arith.ori %eq3A_237, %eq3A_238 : vector<16xi1>
      %select_n3A_240 = arith.select %lt3A_41, %eq3A_236, %or3A_239 : vector<16xi1>, vector<16xi1>
      %convert_element_type3A_241 = arith.extui %select_n3A_240 : vector<16xi1> to vector<16xi32>
      %convert_element_type3A_242 = arith.sitofp %convert_element_type3A_241 : vector<16xi32> to vector<16xf32>
      %add3A_243 = arith.addi %broadcast_in_dim3A_192, %select_n3A_138 : vector<16xi32>
      %add3A_244 = arith.addi %broadcast_in_dim3A_192, %select_n3A_83 : vector<16xi32>
      %gather3A_245 = tpu.vector_load_idx %arg5[%add3A_244] : memref<272xi32, #tpu.memory_space<vmem>>[vector<16xi32>], vector<16xi32>,
      %eq3A_246 = arith.cmpi eq, %gather3A_245, %and3A_44 : vector<16xi32>
      %eq3A_247 = arith.cmpi eq, %gather3A_245, %sub3A_47 : vector<16xi32>
      %eq3A_248 = arith.cmpi eq, %gather3A_245, %sub3A_50 : vector<16xi32>
      %or3A_249 = arith.ori %eq3A_247, %eq3A_248 : vector<16xi1>
      %select_n3A_250 = arith.select %lt3A_41, %eq3A_246, %or3A_249 : vector<16xi1>, vector<16xi1>
      %convert_element_type3A_251 = arith.extui %select_n3A_250 : vector<16xi1> to vector<16xi32>
      %convert_element_type3A_252 = arith.sitofp %convert_element_type3A_251 : vector<16xi32> to vector<16xf32>
      %add3A_253 = arith.addi %broadcast_in_dim3A_192, %select_n3A_143 : vector<16xi32>
      %ge3A_254 = arith.constant 2 : i32
      %ge3A_255 = arith.cmpi sge, %mul3A_190, %ge3A_254 : i32
      %convert_element_type3A_256 = arith.extui %ge3A_255 : i1 to i32
      %cond3A = arith.constant 0 : i32
      %cond3A_257 = arith.cmpi ne, %convert_element_type3A_256, %cond3A : i32
      scf.if %cond3A_257 {
        %dma_wait3A_381 = arith.constant 0 : i32
        %dma_wait3A_382 = arith.constant 0 : i32
        %dma_wait3A_383 = arith.constant 0 : i32
        %dma_wait3A_384 = tpu.memref_slice %arg8[%dma_wait3A_381, %dma_wait3A_382, %dma_wait3A_383] : memref<2x256x96xf32, #tpu.memory_space<vmem>> -> memref<1x256x96xf32, #tpu.memory_space<vmem>>
        %dma_wait3A_385 = tpu.memref_squeeze %dma_wait3A_384 : memref<1x256x96xf32, #tpu.memory_space<vmem>> -> memref<256x96xf32, #tpu.memory_space<vmem>>
        %dma_wait3A_386 = arith.constant 0 : i32
        %dma_wait3A_387 = arith.constant 0 : i32
        %dma_wait3A_388 = tpu.memref_slice %arg4[%select_n3A, %add3A_191, %dma_wait3A_386, %dma_wait3A_387] : memref<4x256x256x96xf32, #tpu.memory_space<hbm>> -> memref<1x1x256x96xf32, #tpu.memory_space<hbm>>
        %dma_wait3A_389 = tpu.memref_squeeze %dma_wait3A_388 : memref<1x1x256x96xf32, #tpu.memory_space<hbm>> -> memref<256x96xf32, #tpu.memory_space<hbm>>
        %dma_wait3A_390 = arith.constant 0 : i32
        %dma_wait3A_391 = arith.constant 0 : i32
        %dma_wait3A_392 = tpu.memref_slice %arg4[%select_n3A, %add3A_191, %dma_wait3A_390, %dma_wait3A_391] : memref<4x256x256x96xf32, #tpu.memory_space<hbm>> -> memref<1x1x256x96xf32, #tpu.memory_space<hbm>>
        %dma_wait3A_393 = tpu.memref_squeeze %dma_wait3A_392 : memref<1x1x256x96xf32, #tpu.memory_space<hbm>> -> memref<256x96xf32, #tpu.memory_space<hbm>>
        %dma_wait3A_394 = arith.constant 0 : i32
        %dma_wait3A_395 = arith.constant 0 : i32
        %dma_wait3A_396 = tpu.memref_slice %arg8[%dma_wait3A_381, %dma_wait3A_394, %dma_wait3A_395] : memref<2x256x96xf32, #tpu.memory_space<vmem>> -> memref<1x256x96xf32, #tpu.memory_space<vmem>>
        %dma_wait3A_397 = tpu.memref_squeeze %dma_wait3A_396 : memref<1x256x96xf32, #tpu.memory_space<vmem>> -> memref<256x96xf32, #tpu.memory_space<vmem>>
        tpu.wait_dma2 semaphore(%arg9 : memref<!tpu.dma_semaphore, #tpu.memory_space<semaphore_mem>>) src(%dma_wait3A_397 : memref<256x96xf32, #tpu.memory_space<vmem>>) dst(%dma_wait3A_393 : memref<256x96xf32, #tpu.memory_space<hbm>>)
      } else {
      }
      %scan3A_258 = arith.constant 0 : i32
      %scan3A_259 = arith.constant 0 : i32
      %scan3A_260 = arith.constant 0 : i32
      %scan3A_261 = arith.constant 16 : i32
      %scan3A_262 = arith.addi %scan3A_260, %scan3A_261 : i32
      %scan3A_263 = arith.constant 1 : i32
      scf.for %scan3A_381 = %scan3A_260 to %scan3A_262 step %scan3A_263  : i32 {
        %mul3A_382 = arith.constant 16 : i32
        %mul3A_383 = arith.muli %scan3A_381, %mul3A_382 : i32
        %add3A_384 = arith.constant 0 : i32
        %add3A_385 = arith.addi %mul3A_383, %add3A_384 : i32
        %swap3A = arith.constant 0 : i32
        %swap3A_386 = arith.constant 0 : i32
        %swap3A_387 = tpu.memref_slice %arg8[%scan3A_259, %swap3A, %swap3A_386] : memref<2x256x96xf32, #tpu.memory_space<vmem>> -> memref<1x256x96xf32, #tpu.memory_space<vmem>>
        %swap3A_388 = tpu.memref_squeeze %swap3A_387 : memref<1x256x96xf32, #tpu.memory_space<vmem>> -> memref<256x96xf32, #tpu.memory_space<vmem>>
        %swap3A_389 = arith.index_cast %add3A_385 : i32 to index
        %swap3A_390 = arith.constant 0 : index
        %swap3A_391 = tpu.vector_load %swap3A_388[%swap3A_389, %swap3A_390] {strides = array<i32>} : memref<256x96xf32, #tpu.memory_space<vmem>>, vector<16xf32>,
        tpu.vector_store %swap3A_388[%swap3A_389, %swap3A_390], %select_n3A_202 {strides = array<i32>} : memref<256x96xf32, #tpu.memory_space<vmem>>, vector<16xf32>,
        %add3A_392 = arith.constant 0 : i32
        %add3A_393 = arith.addi %mul3A_383, %add3A_392 : i32
        %swap3A_394 = arith.constant 0 : i32
        %swap3A_395 = arith.constant 0 : i32
        %swap3A_396 = tpu.memref_slice %arg8[%scan3A_259, %swap3A_394, %swap3A_395] : memref<2x256x96xf32, #tpu.memory_space<vmem>> -> memref<1x256x96xf32, #tpu.memory_space<vmem>>
        %swap3A_397 = tpu.memref_squeeze %swap3A_396 : memref<1x256x96xf32, #tpu.memory_space<vmem>> -> memref<256x96xf32, #tpu.memory_space<vmem>>
        %swap3A_398 = arith.index_cast %add3A_393 : i32 to index
        %swap3A_399 = arith.constant 16 : index
        %swap3A_400 = tpu.vector_load %swap3A_397[%swap3A_398, %swap3A_399] {strides = array<i32>} : memref<256x96xf32, #tpu.memory_space<vmem>>, vector<16xf32>,
        tpu.vector_store %swap3A_397[%swap3A_398, %swap3A_399], %convert_element_type3A_212 {strides = array<i32>} : memref<256x96xf32, #tpu.memory_space<vmem>>, vector<16xf32>,
        %add3A_401 = arith.constant 0 : i32
        %add3A_402 = arith.addi %mul3A_383, %add3A_401 : i32
        %swap3A_403 = arith.constant 0 : i32
        %swap3A_404 = arith.constant 0 : i32
        %swap3A_405 = tpu.memref_slice %arg8[%scan3A_259, %swap3A_403, %swap3A_404] : memref<2x256x96xf32, #tpu.memory_space<vmem>> -> memref<1x256x96xf32, #tpu.memory_space<vmem>>
        %swap3A_406 = tpu.memref_squeeze %swap3A_405 : memref<1x256x96xf32, #tpu.memory_space<vmem>> -> memref<256x96xf32, #tpu.memory_space<vmem>>
        %swap3A_407 = arith.index_cast %add3A_402 : i32 to index
        %swap3A_408 = arith.constant 32 : index
        %swap3A_409 = tpu.vector_load %swap3A_406[%swap3A_407, %swap3A_408] {strides = array<i32>} : memref<256x96xf32, #tpu.memory_space<vmem>>, vector<16xf32>,
        tpu.vector_store %swap3A_406[%swap3A_407, %swap3A_408], %convert_element_type3A_222 {strides = array<i32>} : memref<256x96xf32, #tpu.memory_space<vmem>>, vector<16xf32>,
        %add3A_410 = arith.constant 0 : i32
        %add3A_411 = arith.addi %mul3A_383, %add3A_410 : i32
        %swap3A_412 = arith.constant 0 : i32
        %swap3A_413 = arith.constant 0 : i32
        %swap3A_414 = tpu.memref_slice %arg8[%scan3A_259, %swap3A_412, %swap3A_413] : memref<2x256x96xf32, #tpu.memory_space<vmem>> -> memref<1x256x96xf32, #tpu.memory_space<vmem>>
        %swap3A_415 = tpu.memref_squeeze %swap3A_414 : memref<1x256x96xf32, #tpu.memory_space<vmem>> -> memref<256x96xf32, #tpu.memory_space<vmem>>
        %swap3A_416 = arith.index_cast %add3A_411 : i32 to index
        %swap3A_417 = arith.constant 48 : index
        %swap3A_418 = tpu.vector_load %swap3A_415[%swap3A_416, %swap3A_417] {strides = array<i32>} : memref<256x96xf32, #tpu.memory_space<vmem>>, vector<16xf32>,
        tpu.vector_store %swap3A_415[%swap3A_416, %swap3A_417], %convert_element_type3A_232 {strides = array<i32>} : memref<256x96xf32, #tpu.memory_space<vmem>>, vector<16xf32>,
        %add3A_419 = arith.constant 0 : i32
        %add3A_420 = arith.addi %mul3A_383, %add3A_419 : i32
        %swap3A_421 = arith.constant 0 : i32
        %swap3A_422 = arith.constant 0 : i32
        %swap3A_423 = tpu.memref_slice %arg8[%scan3A_259, %swap3A_421, %swap3A_422] : memref<2x256x96xf32, #tpu.memory_space<vmem>> -> memref<1x256x96xf32, #tpu.memory_space<vmem>>
        %swap3A_424 = tpu.memref_squeeze %swap3A_423 : memref<1x256x96xf32, #tpu.memory_space<vmem>> -> memref<256x96xf32, #tpu.memory_space<vmem>>
        %swap3A_425 = arith.index_cast %add3A_420 : i32 to index
        %swap3A_426 = arith.constant 64 : index
        %swap3A_427 = tpu.vector_load %swap3A_424[%swap3A_425, %swap3A_426] {strides = array<i32>} : memref<256x96xf32, #tpu.memory_space<vmem>>, vector<16xf32>,
        tpu.vector_store %swap3A_424[%swap3A_425, %swap3A_426], %convert_element_type3A_242 {strides = array<i32>} : memref<256x96xf32, #tpu.memory_space<vmem>>, vector<16xf32>,
        %add3A_428 = arith.constant 0 : i32
        %add3A_429 = arith.addi %mul3A_383, %add3A_428 : i32
        %swap3A_430 = arith.constant 0 : i32
        %swap3A_431 = arith.constant 0 : i32
        %swap3A_432 = tpu.memref_slice %arg8[%scan3A_259, %swap3A_430, %swap3A_431] : memref<2x256x96xf32, #tpu.memory_space<vmem>> -> memref<1x256x96xf32, #tpu.memory_space<vmem>>
        %swap3A_433 = tpu.memref_squeeze %swap3A_432 : memref<1x256x96xf32, #tpu.memory_space<vmem>> -> memref<256x96xf32, #tpu.memory_space<vmem>>
        %swap3A_434 = arith.index_cast %add3A_429 : i32 to index
        %swap3A_435 = arith.constant 80 : index
        %swap3A_436 = tpu.vector_load %swap3A_433[%swap3A_434, %swap3A_435] {strides = array<i32>} : memref<256x96xf32, #tpu.memory_space<vmem>>, vector<16xf32>,
        tpu.vector_store %swap3A_433[%swap3A_434, %swap3A_435], %convert_element_type3A_252 {strides = array<i32>} : memref<256x96xf32, #tpu.memory_space<vmem>>, vector<16xf32>,
        %add3A_437 = arith.constant 1 : i32
        %add3A_438 = arith.addi %mul3A_383, %add3A_437 : i32
        %swap3A_439 = arith.constant 0 : i32
        %swap3A_440 = arith.constant 0 : i32
        %swap3A_441 = tpu.memref_slice %arg8[%scan3A_259, %swap3A_439, %swap3A_440] : memref<2x256x96xf32, #tpu.memory_space<vmem>> -> memref<1x256x96xf32, #tpu.memory_space<vmem>>
        %swap3A_442 = tpu.memref_squeeze %swap3A_441 : memref<1x256x96xf32, #tpu.memory_space<vmem>> -> memref<256x96xf32, #tpu.memory_space<vmem>>
        %swap3A_443 = arith.index_cast %add3A_438 : i32 to index
        %swap3A_444 = arith.constant 0 : index
        %swap3A_445 = tpu.vector_load %swap3A_442[%swap3A_443, %swap3A_444] {strides = array<i32>} : memref<256x96xf32, #tpu.memory_space<vmem>>, vector<16xf32>,
        tpu.vector_store %swap3A_442[%swap3A_443, %swap3A_444], %select_n3A_202 {strides = array<i32>} : memref<256x96xf32, #tpu.memory_space<vmem>>, vector<16xf32>,
        %add3A_446 = arith.constant 1 : i32
        %add3A_447 = arith.addi %mul3A_383, %add3A_446 : i32
        %swap3A_448 = arith.constant 0 : i32
        %swap3A_449 = arith.constant 0 : i32
        %swap3A_450 = tpu.memref_slice %arg8[%scan3A_259, %swap3A_448, %swap3A_449] : memref<2x256x96xf32, #tpu.memory_space<vmem>> -> memref<1x256x96xf32, #tpu.memory_space<vmem>>
        %swap3A_451 = tpu.memref_squeeze %swap3A_450 : memref<1x256x96xf32, #tpu.memory_space<vmem>> -> memref<256x96xf32, #tpu.memory_space<vmem>>
        %swap3A_452 = arith.index_cast %add3A_447 : i32 to index
        %swap3A_453 = arith.constant 16 : index
        %swap3A_454 = tpu.vector_load %swap3A_451[%swap3A_452, %swap3A_453] {strides = array<i32>} : memref<256x96xf32, #tpu.memory_space<vmem>>, vector<16xf32>,
        tpu.vector_store %swap3A_451[%swap3A_452, %swap3A_453], %convert_element_type3A_212 {strides = array<i32>} : memref<256x96xf32, #tpu.memory_space<vmem>>, vector<16xf32>,
        %add3A_455 = arith.constant 1 : i32
        %add3A_456 = arith.addi %mul3A_383, %add3A_455 : i32
        %swap3A_457 = arith.constant 0 : i32
        %swap3A_458 = arith.constant 0 : i32
        %swap3A_459 = tpu.memref_slice %arg8[%scan3A_259, %swap3A_457, %swap3A_458] : memref<2x256x96xf32, #tpu.memory_space<vmem>> -> memref<1x256x96xf32, #tpu.memory_space<vmem>>
        %swap3A_460 = tpu.memref_squeeze %swap3A_459 : memref<1x256x96xf32, #tpu.memory_space<vmem>> -> memref<256x96xf32, #tpu.memory_space<vmem>>
        %swap3A_461 = arith.index_cast %add3A_456 : i32 to index
        %swap3A_462 = arith.constant 32 : index
        %swap3A_463 = tpu.vector_load %swap3A_460[%swap3A_461, %swap3A_462] {strides = array<i32>} : memref<256x96xf32, #tpu.memory_space<vmem>>, vector<16xf32>,
        tpu.vector_store %swap3A_460[%swap3A_461, %swap3A_462], %convert_element_type3A_222 {strides = array<i32>} : memref<256x96xf32, #tpu.memory_space<vmem>>, vector<16xf32>,
        %add3A_464 = arith.constant 1 : i32
        %add3A_465 = arith.addi %mul3A_383, %add3A_464 : i32
        %swap3A_466 = arith.constant 0 : i32
        %swap3A_467 = arith.constant 0 : i32
        %swap3A_468 = tpu.memref_slice %arg8[%scan3A_259, %swap3A_466, %swap3A_467] : memref<2x256x96xf32, #tpu.memory_space<vmem>> -> memref<1x256x96xf32, #tpu.memory_space<vmem>>
        %swap3A_469 = tpu.memref_squeeze %swap3A_468 : memref<1x256x96xf32, #tpu.memory_space<vmem>> -> memref<256x96xf32, #tpu.memory_space<vmem>>
        %swap3A_470 = arith.index_cast %add3A_465 : i32 to index
        %swap3A_471 = arith.constant 48 : index
        %swap3A_472 = tpu.vector_load %swap3A_469[%swap3A_470, %swap3A_471] {strides = array<i32>} : memref<256x96xf32, #tpu.memory_space<vmem>>, vector<16xf32>,
        tpu.vector_store %swap3A_469[%swap3A_470, %swap3A_471], %convert_element_type3A_232 {strides = array<i32>} : memref<256x96xf32, #tpu.memory_space<vmem>>, vector<16xf32>,
        %add3A_473 = arith.constant 1 : i32
        %add3A_474 = arith.addi %mul3A_383, %add3A_473 : i32
        %swap3A_475 = arith.constant 0 : i32
        %swap3A_476 = arith.constant 0 : i32
        %swap3A_477 = tpu.memref_slice %arg8[%scan3A_259, %swap3A_475, %swap3A_476] : memref<2x256x96xf32, #tpu.memory_space<vmem>> -> memref<1x256x96xf32, #tpu.memory_space<vmem>>
        %swap3A_478 = tpu.memref_squeeze %swap3A_477 : memref<1x256x96xf32, #tpu.memory_space<vmem>> -> memref<256x96xf32, #tpu.memory_space<vmem>>
        %swap3A_479 = arith.index_cast %add3A_474 : i32 to index
        %swap3A_480 = arith.constant 64 : index
        %swap3A_481 = tpu.vector_load %swap3A_478[%swap3A_479, %swap3A_480] {strides = array<i32>} : memref<256x96xf32, #tpu.memory_space<vmem>>, vector<16xf32>,
        tpu.vector_store %swap3A_478[%swap3A_479, %swap3A_480], %convert_element_type3A_242 {strides = array<i32>} : memref<256x96xf32, #tpu.memory_space<vmem>>, vector<16xf32>,
        %add3A_482 = arith.constant 1 : i32
        %add3A_483 = arith.addi %mul3A_383, %add3A_482 : i32
        %swap3A_484 = arith.constant 0 : i32
        %swap3A_485 = arith.constant 0 : i32
        %swap3A_486 = tpu.memref_slice %arg8[%scan3A_259, %swap3A_484, %swap3A_485] : memref<2x256x96xf32, #tpu.memory_space<vmem>> -> memref<1x256x96xf32, #tpu.memory_space<vmem>>
        %swap3A_487 = tpu.memref_squeeze %swap3A_486 : memref<1x256x96xf32, #tpu.memory_space<vmem>> -> memref<256x96xf32, #tpu.memory_space<vmem>>
        %swap3A_488 = arith.index_cast %add3A_483 : i32 to index
        %swap3A_489 = arith.constant 80 : index
        %swap3A_490 = tpu.vector_load %swap3A_487[%swap3A_488, %swap3A_489] {strides = array<i32>} : memref<256x96xf32, #tpu.memory_space<vmem>>, vector<16xf32>,
        tpu.vector_store %swap3A_487[%swap3A_488, %swap3A_489], %convert_element_type3A_252 {strides = array<i32>} : memref<256x96xf32, #tpu.memory_space<vmem>>, vector<16xf32>,
        %add3A_491 = arith.constant 2 : i32
        %add3A_492 = arith.addi %mul3A_383, %add3A_491 : i32
        %swap3A_493 = arith.constant 0 : i32
        %swap3A_494 = arith.constant 0 : i32
        %swap3A_495 = tpu.memref_slice %arg8[%scan3A_259, %swap3A_493, %swap3A_494] : memref<2x256x96xf32, #tpu.memory_space<vmem>> -> memref<1x256x96xf32, #tpu.memory_space<vmem>>
        %swap3A_496 = tpu.memref_squeeze %swap3A_495 : memref<1x256x96xf32, #tpu.memory_space<vmem>> -> memref<256x96xf32, #tpu.memory_space<vmem>>
        %swap3A_497 = arith.index_cast %add3A_492 : i32 to index
        %swap3A_498 = arith.constant 0 : index
        %swap3A_499 = tpu.vector_load %swap3A_496[%swap3A_497, %swap3A_498] {strides = array<i32>} : memref<256x96xf32, #tpu.memory_space<vmem>>, vector<16xf32>,
        tpu.vector_store %swap3A_496[%swap3A_497, %swap3A_498], %select_n3A_202 {strides = array<i32>} : memref<256x96xf32, #tpu.memory_space<vmem>>, vector<16xf32>,
        %add3A_500 = arith.constant 2 : i32
        %add3A_501 = arith.addi %mul3A_383, %add3A_500 : i32
        %swap3A_502 = arith.constant 0 : i32
        %swap3A_503 = arith.constant 0 : i32
        %swap3A_504 = tpu.memref_slice %arg8[%scan3A_259, %swap3A_502, %swap3A_503] : memref<2x256x96xf32, #tpu.memory_space<vmem>> -> memref<1x256x96xf32, #tpu.memory_space<vmem>>
        %swap3A_505 = tpu.memref_squeeze %swap3A_504 : memref<1x256x96xf32, #tpu.memory_space<vmem>> -> memref<256x96xf32, #tpu.memory_space<vmem>>
        %swap3A_506 = arith.index_cast %add3A_501 : i32 to index
        %swap3A_507 = arith.constant 16 : index
        %swap3A_508 = tpu.vector_load %swap3A_505[%swap3A_506, %swap3A_507] {strides = array<i32>} : memref<256x96xf32, #tpu.memory_space<vmem>>, vector<16xf32>,
        tpu.vector_store %swap3A_505[%swap3A_506, %swap3A_507], %convert_element_type3A_212 {strides = array<i32>} : memref<256x96xf32, #tpu.memory_space<vmem>>, vector<16xf32>,
        %add3A_509 = arith.constant 2 : i32
        %add3A_510 = arith.addi %mul3A_383, %add3A_509 : i32
        %swap3A_511 = arith.constant 0 : i32
        %swap3A_512 = arith.constant 0 : i32
        %swap3A_513 = tpu.memref_slice %arg8[%scan3A_259, %swap3A_511, %swap3A_512] : memref<2x256x96xf32, #tpu.memory_space<vmem>> -> memref<1x256x96xf32, #tpu.memory_space<vmem>>
        %swap3A_514 = tpu.memref_squeeze %swap3A_513 : memref<1x256x96xf32, #tpu.memory_space<vmem>> -> memref<256x96xf32, #tpu.memory_space<vmem>>
        %swap3A_515 = arith.index_cast %add3A_510 : i32 to index
        %swap3A_516 = arith.constant 32 : index
        %swap3A_517 = tpu.vector_load %swap3A_514[%swap3A_515, %swap3A_516] {strides = array<i32>} : memref<256x96xf32, #tpu.memory_space<vmem>>, vector<16xf32>,
        tpu.vector_store %swap3A_514[%swap3A_515, %swap3A_516], %convert_element_type3A_222 {strides = array<i32>} : memref<256x96xf32, #tpu.memory_space<vmem>>, vector<16xf32>,
        %add3A_518 = arith.constant 2 : i32
        %add3A_519 = arith.addi %mul3A_383, %add3A_518 : i32
        %swap3A_520 = arith.constant 0 : i32
        %swap3A_521 = arith.constant 0 : i32
        %swap3A_522 = tpu.memref_slice %arg8[%scan3A_259, %swap3A_520, %swap3A_521] : memref<2x256x96xf32, #tpu.memory_space<vmem>> -> memref<1x256x96xf32, #tpu.memory_space<vmem>>
        %swap3A_523 = tpu.memref_squeeze %swap3A_522 : memref<1x256x96xf32, #tpu.memory_space<vmem>> -> memref<256x96xf32, #tpu.memory_space<vmem>>
        %swap3A_524 = arith.index_cast %add3A_519 : i32 to index
        %swap3A_525 = arith.constant 48 : index
        %swap3A_526 = tpu.vector_load %swap3A_523[%swap3A_524, %swap3A_525] {strides = array<i32>} : memref<256x96xf32, #tpu.memory_space<vmem>>, vector<16xf32>,
        tpu.vector_store %swap3A_523[%swap3A_524, %swap3A_525], %convert_element_type3A_232 {strides = array<i32>} : memref<256x96xf32, #tpu.memory_space<vmem>>, vector<16xf32>,
        %add3A_527 = arith.constant 2 : i32
        %add3A_528 = arith.addi %mul3A_383, %add3A_527 : i32
        %swap3A_529 = arith.constant 0 : i32
        %swap3A_530 = arith.constant 0 : i32
        %swap3A_531 = tpu.memref_slice %arg8[%scan3A_259, %swap3A_529, %swap3A_530] : memref<2x256x96xf32, #tpu.memory_space<vmem>> -> memref<1x256x96xf32, #tpu.memory_space<vmem>>
        %swap3A_532 = tpu.memref_squeeze %swap3A_531 : memref<1x256x96xf32, #tpu.memory_space<vmem>> -> memref<256x96xf32, #tpu.memory_space<vmem>>
        %swap3A_533 = arith.index_cast %add3A_528 : i32 to index
        %swap3A_534 = arith.constant 64 : index
        %swap3A_535 = tpu.vector_load %swap3A_532[%swap3A_533, %swap3A_534] {strides = array<i32>} : memref<256x96xf32, #tpu.memory_space<vmem>>, vector<16xf32>,
        tpu.vector_store %swap3A_532[%swap3A_533, %swap3A_534], %convert_element_type3A_242 {strides = array<i32>} : memref<256x96xf32, #tpu.memory_space<vmem>>, vector<16xf32>,
        %add3A_536 = arith.constant 2 : i32
        %add3A_537 = arith.addi %mul3A_383, %add3A_536 : i32
        %swap3A_538 = arith.constant 0 : i32
        %swap3A_539 = arith.constant 0 : i32
        %swap3A_540 = tpu.memref_slice %arg8[%scan3A_259, %swap3A_538, %swap3A_539] : memref<2x256x96xf32, #tpu.memory_space<vmem>> -> memref<1x256x96xf32, #tpu.memory_space<vmem>>
        %swap3A_541 = tpu.memref_squeeze %swap3A_540 : memref<1x256x96xf32, #tpu.memory_space<vmem>> -> memref<256x96xf32, #tpu.memory_space<vmem>>
        %swap3A_542 = arith.index_cast %add3A_537 : i32 to index
        %swap3A_543 = arith.constant 80 : index
        %swap3A_544 = tpu.vector_load %swap3A_541[%swap3A_542, %swap3A_543] {strides = array<i32>} : memref<256x96xf32, #tpu.memory_space<vmem>>, vector<16xf32>,
        tpu.vector_store %swap3A_541[%swap3A_542, %swap3A_543], %convert_element_type3A_252 {strides = array<i32>} : memref<256x96xf32, #tpu.memory_space<vmem>>, vector<16xf32>,
        %add3A_545 = arith.constant 3 : i32
        %add3A_546 = arith.addi %mul3A_383, %add3A_545 : i32
        %swap3A_547 = arith.constant 0 : i32
        %swap3A_548 = arith.constant 0 : i32
        %swap3A_549 = tpu.memref_slice %arg8[%scan3A_259, %swap3A_547, %swap3A_548] : memref<2x256x96xf32, #tpu.memory_space<vmem>> -> memref<1x256x96xf32, #tpu.memory_space<vmem>>
        %swap3A_550 = tpu.memref_squeeze %swap3A_549 : memref<1x256x96xf32, #tpu.memory_space<vmem>> -> memref<256x96xf32, #tpu.memory_space<vmem>>
        %swap3A_551 = arith.index_cast %add3A_546 : i32 to index
        %swap3A_552 = arith.constant 0 : index
        %swap3A_553 = tpu.vector_load %swap3A_550[%swap3A_551, %swap3A_552] {strides = array<i32>} : memref<256x96xf32, #tpu.memory_space<vmem>>, vector<16xf32>,
        tpu.vector_store %swap3A_550[%swap3A_551, %swap3A_552], %select_n3A_202 {strides = array<i32>} : memref<256x96xf32, #tpu.memory_space<vmem>>, vector<16xf32>,
        %add3A_554 = arith.constant 3 : i32
        %add3A_555 = arith.addi %mul3A_383, %add3A_554 : i32
        %swap3A_556 = arith.constant 0 : i32
        %swap3A_557 = arith.constant 0 : i32
        %swap3A_558 = tpu.memref_slice %arg8[%scan3A_259, %swap3A_556, %swap3A_557] : memref<2x256x96xf32, #tpu.memory_space<vmem>> -> memref<1x256x96xf32, #tpu.memory_space<vmem>>
        %swap3A_559 = tpu.memref_squeeze %swap3A_558 : memref<1x256x96xf32, #tpu.memory_space<vmem>> -> memref<256x96xf32, #tpu.memory_space<vmem>>
        %swap3A_560 = arith.index_cast %add3A_555 : i32 to index
        %swap3A_561 = arith.constant 16 : index
        %swap3A_562 = tpu.vector_load %swap3A_559[%swap3A_560, %swap3A_561] {strides = array<i32>} : memref<256x96xf32, #tpu.memory_space<vmem>>, vector<16xf32>,
        tpu.vector_store %swap3A_559[%swap3A_560, %swap3A_561], %convert_element_type3A_212 {strides = array<i32>} : memref<256x96xf32, #tpu.memory_space<vmem>>, vector<16xf32>,
        %add3A_563 = arith.constant 3 : i32
        %add3A_564 = arith.addi %mul3A_383, %add3A_563 : i32
        %swap3A_565 = arith.constant 0 : i32
        %swap3A_566 = arith.constant 0 : i32
        %swap3A_567 = tpu.memref_slice %arg8[%scan3A_259, %swap3A_565, %swap3A_566] : memref<2x256x96xf32, #tpu.memory_space<vmem>> -> memref<1x256x96xf32, #tpu.memory_space<vmem>>
        %swap3A_568 = tpu.memref_squeeze %swap3A_567 : memref<1x256x96xf32, #tpu.memory_space<vmem>> -> memref<256x96xf32, #tpu.memory_space<vmem>>
        %swap3A_569 = arith.index_cast %add3A_564 : i32 to index
        %swap3A_570 = arith.constant 32 : index
        %swap3A_571 = tpu.vector_load %swap3A_568[%swap3A_569, %swap3A_570] {strides = array<i32>} : memref<256x96xf32, #tpu.memory_space<vmem>>, vector<16xf32>,
        tpu.vector_store %swap3A_568[%swap3A_569, %swap3A_570], %convert_element_type3A_222 {strides = array<i32>} : memref<256x96xf32, #tpu.memory_space<vmem>>, vector<16xf32>,
        %add3A_572 = arith.constant 3 : i32
        %add3A_573 = arith.addi %mul3A_383, %add3A_572 : i32
        %swap3A_574 = arith.constant 0 : i32
        %swap3A_575 = arith.constant 0 : i32
        %swap3A_576 = tpu.memref_slice %arg8[%scan3A_259, %swap3A_574, %swap3A_575] : memref<2x256x96xf32, #tpu.memory_space<vmem>> -> memref<1x256x96xf32, #tpu.memory_space<vmem>>
        %swap3A_577 = tpu.memref_squeeze %swap3A_576 : memref<1x256x96xf32, #tpu.memory_space<vmem>> -> memref<256x96xf32, #tpu.memory_space<vmem>>
        %swap3A_578 = arith.index_cast %add3A_573 : i32 to index
        %swap3A_579 = arith.constant 48 : index
        %swap3A_580 = tpu.vector_load %swap3A_577[%swap3A_578, %swap3A_579] {strides = array<i32>} : memref<256x96xf32, #tpu.memory_space<vmem>>, vector<16xf32>,
        tpu.vector_store %swap3A_577[%swap3A_578, %swap3A_579], %convert_element_type3A_232 {strides = array<i32>} : memref<256x96xf32, #tpu.memory_space<vmem>>, vector<16xf32>,
        %add3A_581 = arith.constant 3 : i32
        %add3A_582 = arith.addi %mul3A_383, %add3A_581 : i32
        %swap3A_583 = arith.constant 0 : i32
        %swap3A_584 = arith.constant 0 : i32
        %swap3A_585 = tpu.memref_slice %arg8[%scan3A_259, %swap3A_583, %swap3A_584] : memref<2x256x96xf32, #tpu.memory_space<vmem>> -> memref<1x256x96xf32, #tpu.memory_space<vmem>>
        %swap3A_586 = tpu.memref_squeeze %swap3A_585 : memref<1x256x96xf32, #tpu.memory_space<vmem>> -> memref<256x96xf32, #tpu.memory_space<vmem>>
        %swap3A_587 = arith.index_cast %add3A_582 : i32 to index
        %swap3A_588 = arith.constant 64 : index
        %swap3A_589 = tpu.vector_load %swap3A_586[%swap3A_587, %swap3A_588] {strides = array<i32>} : memref<256x96xf32, #tpu.memory_space<vmem>>, vector<16xf32>,
        tpu.vector_store %swap3A_586[%swap3A_587, %swap3A_588], %convert_element_type3A_242 {strides = array<i32>} : memref<256x96xf32, #tpu.memory_space<vmem>>, vector<16xf32>,
        %add3A_590 = arith.constant 3 : i32
        %add3A_591 = arith.addi %mul3A_383, %add3A_590 : i32
        %swap3A_592 = arith.constant 0 : i32
        %swap3A_593 = arith.constant 0 : i32
        %swap3A_594 = tpu.memref_slice %arg8[%scan3A_259, %swap3A_592, %swap3A_593] : memref<2x256x96xf32, #tpu.memory_space<vmem>> -> memref<1x256x96xf32, #tpu.memory_space<vmem>>
        %swap3A_595 = tpu.memref_squeeze %swap3A_594 : memref<1x256x96xf32, #tpu.memory_space<vmem>> -> memref<256x96xf32, #tpu.memory_space<vmem>>
        %swap3A_596 = arith.index_cast %add3A_591 : i32 to index
        %swap3A_597 = arith.constant 80 : index
        %swap3A_598 = tpu.vector_load %swap3A_595[%swap3A_596, %swap3A_597] {strides = array<i32>} : memref<256x96xf32, #tpu.memory_space<vmem>>, vector<16xf32>,
        tpu.vector_store %swap3A_595[%swap3A_596, %swap3A_597], %convert_element_type3A_252 {strides = array<i32>} : memref<256x96xf32, #tpu.memory_space<vmem>>, vector<16xf32>,
        %add3A_599 = arith.constant 4 : i32
        %add3A_600 = arith.addi %mul3A_383, %add3A_599 : i32
        %swap3A_601 = arith.constant 0 : i32
        %swap3A_602 = arith.constant 0 : i32
        %swap3A_603 = tpu.memref_slice %arg8[%scan3A_259, %swap3A_601, %swap3A_602] : memref<2x256x96xf32, #tpu.memory_space<vmem>> -> memref<1x256x96xf32, #tpu.memory_space<vmem>>
        %swap3A_604 = tpu.memref_squeeze %swap3A_603 : memref<1x256x96xf32, #tpu.memory_space<vmem>> -> memref<256x96xf32, #tpu.memory_space<vmem>>
        %swap3A_605 = arith.index_cast %add3A_600 : i32 to index
        %swap3A_606 = arith.constant 0 : index
        %swap3A_607 = tpu.vector_load %swap3A_604[%swap3A_605, %swap3A_606] {strides = array<i32>} : memref<256x96xf32, #tpu.memory_space<vmem>>, vector<16xf32>,
        tpu.vector_store %swap3A_604[%swap3A_605, %swap3A_606], %select_n3A_202 {strides = array<i32>} : memref<256x96xf32, #tpu.memory_space<vmem>>, vector<16xf32>,
        %add3A_608 = arith.constant 4 : i32
        %add3A_609 = arith.addi %mul3A_383, %add3A_608 : i32
        %swap3A_610 = arith.constant 0 : i32
        %swap3A_611 = arith.constant 0 : i32
        %swap3A_612 = tpu.memref_slice %arg8[%scan3A_259, %swap3A_610, %swap3A_611] : memref<2x256x96xf32, #tpu.memory_space<vmem>> -> memref<1x256x96xf32, #tpu.memory_space<vmem>>
        %swap3A_613 = tpu.memref_squeeze %swap3A_612 : memref<1x256x96xf32, #tpu.memory_space<vmem>> -> memref<256x96xf32, #tpu.memory_space<vmem>>
        %swap3A_614 = arith.index_cast %add3A_609 : i32 to index
        %swap3A_615 = arith.constant 16 : index
        %swap3A_616 = tpu.vector_load %swap3A_613[%swap3A_614, %swap3A_615] {strides = array<i32>} : memref<256x96xf32, #tpu.memory_space<vmem>>, vector<16xf32>,
        tpu.vector_store %swap3A_613[%swap3A_614, %swap3A_615], %convert_element_type3A_212 {strides = array<i32>} : memref<256x96xf32, #tpu.memory_space<vmem>>, vector<16xf32>,
        %add3A_617 = arith.constant 4 : i32
        %add3A_618 = arith.addi %mul3A_383, %add3A_617 : i32
        %swap3A_619 = arith.constant 0 : i32
        %swap3A_620 = arith.constant 0 : i32
        %swap3A_621 = tpu.memref_slice %arg8[%scan3A_259, %swap3A_619, %swap3A_620] : memref<2x256x96xf32, #tpu.memory_space<vmem>> -> memref<1x256x96xf32, #tpu.memory_space<vmem>>
        %swap3A_622 = tpu.memref_squeeze %swap3A_621 : memref<1x256x96xf32, #tpu.memory_space<vmem>> -> memref<256x96xf32, #tpu.memory_space<vmem>>
        %swap3A_623 = arith.index_cast %add3A_618 : i32 to index
        %swap3A_624 = arith.constant 32 : index
        %swap3A_625 = tpu.vector_load %swap3A_622[%swap3A_623, %swap3A_624] {strides = array<i32>} : memref<256x96xf32, #tpu.memory_space<vmem>>, vector<16xf32>,
        tpu.vector_store %swap3A_622[%swap3A_623, %swap3A_624], %convert_element_type3A_222 {strides = array<i32>} : memref<256x96xf32, #tpu.memory_space<vmem>>, vector<16xf32>,
        %add3A_626 = arith.constant 4 : i32
        %add3A_627 = arith.addi %mul3A_383, %add3A_626 : i32
        %swap3A_628 = arith.constant 0 : i32
        %swap3A_629 = arith.constant 0 : i32
        %swap3A_630 = tpu.memref_slice %arg8[%scan3A_259, %swap3A_628, %swap3A_629] : memref<2x256x96xf32, #tpu.memory_space<vmem>> -> memref<1x256x96xf32, #tpu.memory_space<vmem>>
        %swap3A_631 = tpu.memref_squeeze %swap3A_630 : memref<1x256x96xf32, #tpu.memory_space<vmem>> -> memref<256x96xf32, #tpu.memory_space<vmem>>
        %swap3A_632 = arith.index_cast %add3A_627 : i32 to index
        %swap3A_633 = arith.constant 48 : index
        %swap3A_634 = tpu.vector_load %swap3A_631[%swap3A_632, %swap3A_633] {strides = array<i32>} : memref<256x96xf32, #tpu.memory_space<vmem>>, vector<16xf32>,
        tpu.vector_store %swap3A_631[%swap3A_632, %swap3A_633], %convert_element_type3A_232 {strides = array<i32>} : memref<256x96xf32, #tpu.memory_space<vmem>>, vector<16xf32>,
        %add3A_635 = arith.constant 4 : i32
        %add3A_636 = arith.addi %mul3A_383, %add3A_635 : i32
        %swap3A_637 = arith.constant 0 : i32
        %swap3A_638 = arith.constant 0 : i32
        %swap3A_639 = tpu.memref_slice %arg8[%scan3A_259, %swap3A_637, %swap3A_638] : memref<2x256x96xf32, #tpu.memory_space<vmem>> -> memref<1x256x96xf32, #tpu.memory_space<vmem>>
        %swap3A_640 = tpu.memref_squeeze %swap3A_639 : memref<1x256x96xf32, #tpu.memory_space<vmem>> -> memref<256x96xf32, #tpu.memory_space<vmem>>
        %swap3A_641 = arith.index_cast %add3A_636 : i32 to index
        %swap3A_642 = arith.constant 64 : index
        %swap3A_643 = tpu.vector_load %swap3A_640[%swap3A_641, %swap3A_642] {strides = array<i32>} : memref<256x96xf32, #tpu.memory_space<vmem>>, vector<16xf32>,
        tpu.vector_store %swap3A_640[%swap3A_641, %swap3A_642], %convert_element_type3A_242 {strides = array<i32>} : memref<256x96xf32, #tpu.memory_space<vmem>>, vector<16xf32>,
        %add3A_644 = arith.constant 4 : i32
        %add3A_645 = arith.addi %mul3A_383, %add3A_644 : i32
        %swap3A_646 = arith.constant 0 : i32
        %swap3A_647 = arith.constant 0 : i32
        %swap3A_648 = tpu.memref_slice %arg8[%scan3A_259, %swap3A_646, %swap3A_647] : memref<2x256x96xf32, #tpu.memory_space<vmem>> -> memref<1x256x96xf32, #tpu.memory_space<vmem>>
        %swap3A_649 = tpu.memref_squeeze %swap3A_648 : memref<1x256x96xf32, #tpu.memory_space<vmem>> -> memref<256x96xf32, #tpu.memory_space<vmem>>
        %swap3A_650 = arith.index_cast %add3A_645 : i32 to index
        %swap3A_651 = arith.constant 80 : index
        %swap3A_652 = tpu.vector_load %swap3A_649[%swap3A_650, %swap3A_651] {strides = array<i32>} : memref<256x96xf32, #tpu.memory_space<vmem>>, vector<16xf32>,
        tpu.vector_store %swap3A_649[%swap3A_650, %swap3A_651], %convert_element_type3A_252 {strides = array<i32>} : memref<256x96xf32, #tpu.memory_space<vmem>>, vector<16xf32>,
        %add3A_653 = arith.constant 5 : i32
        %add3A_654 = arith.addi %mul3A_383, %add3A_653 : i32
        %swap3A_655 = arith.constant 0 : i32
        %swap3A_656 = arith.constant 0 : i32
        %swap3A_657 = tpu.memref_slice %arg8[%scan3A_259, %swap3A_655, %swap3A_656] : memref<2x256x96xf32, #tpu.memory_space<vmem>> -> memref<1x256x96xf32, #tpu.memory_space<vmem>>
        %swap3A_658 = tpu.memref_squeeze %swap3A_657 : memref<1x256x96xf32, #tpu.memory_space<vmem>> -> memref<256x96xf32, #tpu.memory_space<vmem>>
        %swap3A_659 = arith.index_cast %add3A_654 : i32 to index
        %swap3A_660 = arith.constant 0 : index
        %swap3A_661 = tpu.vector_load %swap3A_658[%swap3A_659, %swap3A_660] {strides = array<i32>} : memref<256x96xf32, #tpu.memory_space<vmem>>, vector<16xf32>,
        tpu.vector_store %swap3A_658[%swap3A_659, %swap3A_660], %select_n3A_202 {strides = array<i32>} : memref<256x96xf32, #tpu.memory_space<vmem>>, vector<16xf32>,
        %add3A_662 = arith.constant 5 : i32
        %add3A_663 = arith.addi %mul3A_383, %add3A_662 : i32
        %swap3A_664 = arith.constant 0 : i32
        %swap3A_665 = arith.constant 0 : i32
        %swap3A_666 = tpu.memref_slice %arg8[%scan3A_259, %swap3A_664, %swap3A_665] : memref<2x256x96xf32, #tpu.memory_space<vmem>> -> memref<1x256x96xf32, #tpu.memory_space<vmem>>
        %swap3A_667 = tpu.memref_squeeze %swap3A_666 : memref<1x256x96xf32, #tpu.memory_space<vmem>> -> memref<256x96xf32, #tpu.memory_space<vmem>>
        %swap3A_668 = arith.index_cast %add3A_663 : i32 to index
        %swap3A_669 = arith.constant 16 : index
        %swap3A_670 = tpu.vector_load %swap3A_667[%swap3A_668, %swap3A_669] {strides = array<i32>} : memref<256x96xf32, #tpu.memory_space<vmem>>, vector<16xf32>,
        tpu.vector_store %swap3A_667[%swap3A_668, %swap3A_669], %convert_element_type3A_212 {strides = array<i32>} : memref<256x96xf32, #tpu.memory_space<vmem>>, vector<16xf32>,
        %add3A_671 = arith.constant 5 : i32
        %add3A_672 = arith.addi %mul3A_383, %add3A_671 : i32
        %swap3A_673 = arith.constant 0 : i32
        %swap3A_674 = arith.constant 0 : i32
        %swap3A_675 = tpu.memref_slice %arg8[%scan3A_259, %swap3A_673, %swap3A_674] : memref<2x256x96xf32, #tpu.memory_space<vmem>> -> memref<1x256x96xf32, #tpu.memory_space<vmem>>
        %swap3A_676 = tpu.memref_squeeze %swap3A_675 : memref<1x256x96xf32, #tpu.memory_space<vmem>> -> memref<256x96xf32, #tpu.memory_space<vmem>>
        %swap3A_677 = arith.index_cast %add3A_672 : i32 to index
        %swap3A_678 = arith.constant 32 : index
        %swap3A_679 = tpu.vector_load %swap3A_676[%swap3A_677, %swap3A_678] {strides = array<i32>} : memref<256x96xf32, #tpu.memory_space<vmem>>, vector<16xf32>,
        tpu.vector_store %swap3A_676[%swap3A_677, %swap3A_678], %convert_element_type3A_222 {strides = array<i32>} : memref<256x96xf32, #tpu.memory_space<vmem>>, vector<16xf32>,
        %add3A_680 = arith.constant 5 : i32
        %add3A_681 = arith.addi %mul3A_383, %add3A_680 : i32
        %swap3A_682 = arith.constant 0 : i32
        %swap3A_683 = arith.constant 0 : i32
        %swap3A_684 = tpu.memref_slice %arg8[%scan3A_259, %swap3A_682, %swap3A_683] : memref<2x256x96xf32, #tpu.memory_space<vmem>> -> memref<1x256x96xf32, #tpu.memory_space<vmem>>
        %swap3A_685 = tpu.memref_squeeze %swap3A_684 : memref<1x256x96xf32, #tpu.memory_space<vmem>> -> memref<256x96xf32, #tpu.memory_space<vmem>>
        %swap3A_686 = arith.index_cast %add3A_681 : i32 to index
        %swap3A_687 = arith.constant 48 : index
        %swap3A_688 = tpu.vector_load %swap3A_685[%swap3A_686, %swap3A_687] {strides = array<i32>} : memref<256x96xf32, #tpu.memory_space<vmem>>, vector<16xf32>,
        tpu.vector_store %swap3A_685[%swap3A_686, %swap3A_687], %convert_element_type3A_232 {strides = array<i32>} : memref<256x96xf32, #tpu.memory_space<vmem>>, vector<16xf32>,
        %add3A_689 = arith.constant 5 : i32
        %add3A_690 = arith.addi %mul3A_383, %add3A_689 : i32
        %swap3A_691 = arith.constant 0 : i32
        %swap3A_692 = arith.constant 0 : i32
        %swap3A_693 = tpu.memref_slice %arg8[%scan3A_259, %swap3A_691, %swap3A_692] : memref<2x256x96xf32, #tpu.memory_space<vmem>> -> memref<1x256x96xf32, #tpu.memory_space<vmem>>
        %swap3A_694 = tpu.memref_squeeze %swap3A_693 : memref<1x256x96xf32, #tpu.memory_space<vmem>> -> memref<256x96xf32, #tpu.memory_space<vmem>>
        %swap3A_695 = arith.index_cast %add3A_690 : i32 to index
        %swap3A_696 = arith.constant 64 : index
        %swap3A_697 = tpu.vector_load %swap3A_694[%swap3A_695, %swap3A_696] {strides = array<i32>} : memref<256x96xf32, #tpu.memory_space<vmem>>, vector<16xf32>,
        tpu.vector_store %swap3A_694[%swap3A_695, %swap3A_696], %convert_element_type3A_242 {strides = array<i32>} : memref<256x96xf32, #tpu.memory_space<vmem>>, vector<16xf32>,
        %add3A_698 = arith.constant 5 : i32
        %add3A_699 = arith.addi %mul3A_383, %add3A_698 : i32
        %swap3A_700 = arith.constant 0 : i32
        %swap3A_701 = arith.constant 0 : i32
        %swap3A_702 = tpu.memref_slice %arg8[%scan3A_259, %swap3A_700, %swap3A_701] : memref<2x256x96xf32, #tpu.memory_space<vmem>> -> memref<1x256x96xf32, #tpu.memory_space<vmem>>
        %swap3A_703 = tpu.memref_squeeze %swap3A_702 : memref<1x256x96xf32, #tpu.memory_space<vmem>> -> memref<256x96xf32, #tpu.memory_space<vmem>>
        %swap3A_704 = arith.index_cast %add3A_699 : i32 to index
        %swap3A_705 = arith.constant 80 : index
        %swap3A_706 = tpu.vector_load %swap3A_703[%swap3A_704, %swap3A_705] {strides = array<i32>} : memref<256x96xf32, #tpu.memory_space<vmem>>, vector<16xf32>,
        tpu.vector_store %swap3A_703[%swap3A_704, %swap3A_705], %convert_element_type3A_252 {strides = array<i32>} : memref<256x96xf32, #tpu.memory_space<vmem>>, vector<16xf32>,
        %add3A_707 = arith.constant 6 : i32
        %add3A_708 = arith.addi %mul3A_383, %add3A_707 : i32
        %swap3A_709 = arith.constant 0 : i32
        %swap3A_710 = arith.constant 0 : i32
        %swap3A_711 = tpu.memref_slice %arg8[%scan3A_259, %swap3A_709, %swap3A_710] : memref<2x256x96xf32, #tpu.memory_space<vmem>> -> memref<1x256x96xf32, #tpu.memory_space<vmem>>
        %swap3A_712 = tpu.memref_squeeze %swap3A_711 : memref<1x256x96xf32, #tpu.memory_space<vmem>> -> memref<256x96xf32, #tpu.memory_space<vmem>>
        %swap3A_713 = arith.index_cast %add3A_708 : i32 to index
        %swap3A_714 = arith.constant 0 : index
        %swap3A_715 = tpu.vector_load %swap3A_712[%swap3A_713, %swap3A_714] {strides = array<i32>} : memref<256x96xf32, #tpu.memory_space<vmem>>, vector<16xf32>,
        tpu.vector_store %swap3A_712[%swap3A_713, %swap3A_714], %select_n3A_202 {strides = array<i32>} : memref<256x96xf32, #tpu.memory_space<vmem>>, vector<16xf32>,
        %add3A_716 = arith.constant 6 : i32
        %add3A_717 = arith.addi %mul3A_383, %add3A_716 : i32
        %swap3A_718 = arith.constant 0 : i32
        %swap3A_719 = arith.constant 0 : i32
        %swap3A_720 = tpu.memref_slice %arg8[%scan3A_259, %swap3A_718, %swap3A_719] : memref<2x256x96xf32, #tpu.memory_space<vmem>> -> memref<1x256x96xf32, #tpu.memory_space<vmem>>
        %swap3A_721 = tpu.memref_squeeze %swap3A_720 : memref<1x256x96xf32, #tpu.memory_space<vmem>> -> memref<256x96xf32, #tpu.memory_space<vmem>>
        %swap3A_722 = arith.index_cast %add3A_717 : i32 to index
        %swap3A_723 = arith.constant 16 : index
        %swap3A_724 = tpu.vector_load %swap3A_721[%swap3A_722, %swap3A_723] {strides = array<i32>} : memref<256x96xf32, #tpu.memory_space<vmem>>, vector<16xf32>,
        tpu.vector_store %swap3A_721[%swap3A_722, %swap3A_723], %convert_element_type3A_212 {strides = array<i32>} : memref<256x96xf32, #tpu.memory_space<vmem>>, vector<16xf32>,
        %add3A_725 = arith.constant 6 : i32
        %add3A_726 = arith.addi %mul3A_383, %add3A_725 : i32
        %swap3A_727 = arith.constant 0 : i32
        %swap3A_728 = arith.constant 0 : i32
        %swap3A_729 = tpu.memref_slice %arg8[%scan3A_259, %swap3A_727, %swap3A_728] : memref<2x256x96xf32, #tpu.memory_space<vmem>> -> memref<1x256x96xf32, #tpu.memory_space<vmem>>
        %swap3A_730 = tpu.memref_squeeze %swap3A_729 : memref<1x256x96xf32, #tpu.memory_space<vmem>> -> memref<256x96xf32, #tpu.memory_space<vmem>>
        %swap3A_731 = arith.index_cast %add3A_726 : i32 to index
        %swap3A_732 = arith.constant 32 : index
        %swap3A_733 = tpu.vector_load %swap3A_730[%swap3A_731, %swap3A_732] {strides = array<i32>} : memref<256x96xf32, #tpu.memory_space<vmem>>, vector<16xf32>,
        tpu.vector_store %swap3A_730[%swap3A_731, %swap3A_732], %convert_element_type3A_222 {strides = array<i32>} : memref<256x96xf32, #tpu.memory_space<vmem>>, vector<16xf32>,
        %add3A_734 = arith.constant 6 : i32
        %add3A_735 = arith.addi %mul3A_383, %add3A_734 : i32
        %swap3A_736 = arith.constant 0 : i32
        %swap3A_737 = arith.constant 0 : i32
        %swap3A_738 = tpu.memref_slice %arg8[%scan3A_259, %swap3A_736, %swap3A_737] : memref<2x256x96xf32, #tpu.memory_space<vmem>> -> memref<1x256x96xf32, #tpu.memory_space<vmem>>
        %swap3A_739 = tpu.memref_squeeze %swap3A_738 : memref<1x256x96xf32, #tpu.memory_space<vmem>> -> memref<256x96xf32, #tpu.memory_space<vmem>>
        %swap3A_740 = arith.index_cast %add3A_735 : i32 to index
        %swap3A_741 = arith.constant 48 : index
        %swap3A_742 = tpu.vector_load %swap3A_739[%swap3A_740, %swap3A_741] {strides = array<i32>} : memref<256x96xf32, #tpu.memory_space<vmem>>, vector<16xf32>,
        tpu.vector_store %swap3A_739[%swap3A_740, %swap3A_741], %convert_element_type3A_232 {strides = array<i32>} : memref<256x96xf32, #tpu.memory_space<vmem>>, vector<16xf32>,
        %add3A_743 = arith.constant 6 : i32
        %add3A_744 = arith.addi %mul3A_383, %add3A_743 : i32
        %swap3A_745 = arith.constant 0 : i32
        %swap3A_746 = arith.constant 0 : i32
        %swap3A_747 = tpu.memref_slice %arg8[%scan3A_259, %swap3A_745, %swap3A_746] : memref<2x256x96xf32, #tpu.memory_space<vmem>> -> memref<1x256x96xf32, #tpu.memory_space<vmem>>
        %swap3A_748 = tpu.memref_squeeze %swap3A_747 : memref<1x256x96xf32, #tpu.memory_space<vmem>> -> memref<256x96xf32, #tpu.memory_space<vmem>>
        %swap3A_749 = arith.index_cast %add3A_744 : i32 to index
        %swap3A_750 = arith.constant 64 : index
        %swap3A_751 = tpu.vector_load %swap3A_748[%swap3A_749, %swap3A_750] {strides = array<i32>} : memref<256x96xf32, #tpu.memory_space<vmem>>, vector<16xf32>,
        tpu.vector_store %swap3A_748[%swap3A_749, %swap3A_750], %convert_element_type3A_242 {strides = array<i32>} : memref<256x96xf32, #tpu.memory_space<vmem>>, vector<16xf32>,
        %add3A_752 = arith.constant 6 : i32
        %add3A_753 = arith.addi %mul3A_383, %add3A_752 : i32
        %swap3A_754 = arith.constant 0 : i32
        %swap3A_755 = arith.constant 0 : i32
        %swap3A_756 = tpu.memref_slice %arg8[%scan3A_259, %swap3A_754, %swap3A_755] : memref<2x256x96xf32, #tpu.memory_space<vmem>> -> memref<1x256x96xf32, #tpu.memory_space<vmem>>
        %swap3A_757 = tpu.memref_squeeze %swap3A_756 : memref<1x256x96xf32, #tpu.memory_space<vmem>> -> memref<256x96xf32, #tpu.memory_space<vmem>>
        %swap3A_758 = arith.index_cast %add3A_753 : i32 to index
        %swap3A_759 = arith.constant 80 : index
        %swap3A_760 = tpu.vector_load %swap3A_757[%swap3A_758, %swap3A_759] {strides = array<i32>} : memref<256x96xf32, #tpu.memory_space<vmem>>, vector<16xf32>,
        tpu.vector_store %swap3A_757[%swap3A_758, %swap3A_759], %convert_element_type3A_252 {strides = array<i32>} : memref<256x96xf32, #tpu.memory_space<vmem>>, vector<16xf32>,
        %add3A_761 = arith.constant 7 : i32
        %add3A_762 = arith.addi %mul3A_383, %add3A_761 : i32
        %swap3A_763 = arith.constant 0 : i32
        %swap3A_764 = arith.constant 0 : i32
        %swap3A_765 = tpu.memref_slice %arg8[%scan3A_259, %swap3A_763, %swap3A_764] : memref<2x256x96xf32, #tpu.memory_space<vmem>> -> memref<1x256x96xf32, #tpu.memory_space<vmem>>
        %swap3A_766 = tpu.memref_squeeze %swap3A_765 : memref<1x256x96xf32, #tpu.memory_space<vmem>> -> memref<256x96xf32, #tpu.memory_space<vmem>>
        %swap3A_767 = arith.index_cast %add3A_762 : i32 to index
        %swap3A_768 = arith.constant 0 : index
        %swap3A_769 = tpu.vector_load %swap3A_766[%swap3A_767, %swap3A_768] {strides = array<i32>} : memref<256x96xf32, #tpu.memory_space<vmem>>, vector<16xf32>,
        tpu.vector_store %swap3A_766[%swap3A_767, %swap3A_768], %select_n3A_202 {strides = array<i32>} : memref<256x96xf32, #tpu.memory_space<vmem>>, vector<16xf32>,
        %add3A_770 = arith.constant 7 : i32
        %add3A_771 = arith.addi %mul3A_383, %add3A_770 : i32
        %swap3A_772 = arith.constant 0 : i32
        %swap3A_773 = arith.constant 0 : i32
        %swap3A_774 = tpu.memref_slice %arg8[%scan3A_259, %swap3A_772, %swap3A_773] : memref<2x256x96xf32, #tpu.memory_space<vmem>> -> memref<1x256x96xf32, #tpu.memory_space<vmem>>
        %swap3A_775 = tpu.memref_squeeze %swap3A_774 : memref<1x256x96xf32, #tpu.memory_space<vmem>> -> memref<256x96xf32, #tpu.memory_space<vmem>>
        %swap3A_776 = arith.index_cast %add3A_771 : i32 to index
        %swap3A_777 = arith.constant 16 : index
        %swap3A_778 = tpu.vector_load %swap3A_775[%swap3A_776, %swap3A_777] {strides = array<i32>} : memref<256x96xf32, #tpu.memory_space<vmem>>, vector<16xf32>,
        tpu.vector_store %swap3A_775[%swap3A_776, %swap3A_777], %convert_element_type3A_212 {strides = array<i32>} : memref<256x96xf32, #tpu.memory_space<vmem>>, vector<16xf32>,
        %add3A_779 = arith.constant 7 : i32
        %add3A_780 = arith.addi %mul3A_383, %add3A_779 : i32
        %swap3A_781 = arith.constant 0 : i32
        %swap3A_782 = arith.constant 0 : i32
        %swap3A_783 = tpu.memref_slice %arg8[%scan3A_259, %swap3A_781, %swap3A_782] : memref<2x256x96xf32, #tpu.memory_space<vmem>> -> memref<1x256x96xf32, #tpu.memory_space<vmem>>
        %swap3A_784 = tpu.memref_squeeze %swap3A_783 : memref<1x256x96xf32, #tpu.memory_space<vmem>> -> memref<256x96xf32, #tpu.memory_space<vmem>>
        %swap3A_785 = arith.index_cast %add3A_780 : i32 to index
        %swap3A_786 = arith.constant 32 : index
        %swap3A_787 = tpu.vector_load %swap3A_784[%swap3A_785, %swap3A_786] {strides = array<i32>} : memref<256x96xf32, #tpu.memory_space<vmem>>, vector<16xf32>,
        tpu.vector_store %swap3A_784[%swap3A_785, %swap3A_786], %convert_element_type3A_222 {strides = array<i32>} : memref<256x96xf32, #tpu.memory_space<vmem>>, vector<16xf32>,
        %add3A_788 = arith.constant 7 : i32
        %add3A_789 = arith.addi %mul3A_383, %add3A_788 : i32
        %swap3A_790 = arith.constant 0 : i32
        %swap3A_791 = arith.constant 0 : i32
        %swap3A_792 = tpu.memref_slice %arg8[%scan3A_259, %swap3A_790, %swap3A_791] : memref<2x256x96xf32, #tpu.memory_space<vmem>> -> memref<1x256x96xf32, #tpu.memory_space<vmem>>
        %swap3A_793 = tpu.memref_squeeze %swap3A_792 : memref<1x256x96xf32, #tpu.memory_space<vmem>> -> memref<256x96xf32, #tpu.memory_space<vmem>>
        %swap3A_794 = arith.index_cast %add3A_789 : i32 to index
        %swap3A_795 = arith.constant 48 : index
        %swap3A_796 = tpu.vector_load %swap3A_793[%swap3A_794, %swap3A_795] {strides = array<i32>} : memref<256x96xf32, #tpu.memory_space<vmem>>, vector<16xf32>,
        tpu.vector_store %swap3A_793[%swap3A_794, %swap3A_795], %convert_element_type3A_232 {strides = array<i32>} : memref<256x96xf32, #tpu.memory_space<vmem>>, vector<16xf32>,
        %add3A_797 = arith.constant 7 : i32
        %add3A_798 = arith.addi %mul3A_383, %add3A_797 : i32
        %swap3A_799 = arith.constant 0 : i32
        %swap3A_800 = arith.constant 0 : i32
        %swap3A_801 = tpu.memref_slice %arg8[%scan3A_259, %swap3A_799, %swap3A_800] : memref<2x256x96xf32, #tpu.memory_space<vmem>> -> memref<1x256x96xf32, #tpu.memory_space<vmem>>
        %swap3A_802 = tpu.memref_squeeze %swap3A_801 : memref<1x256x96xf32, #tpu.memory_space<vmem>> -> memref<256x96xf32, #tpu.memory_space<vmem>>
        %swap3A_803 = arith.index_cast %add3A_798 : i32 to index
        %swap3A_804 = arith.constant 64 : index
        %swap3A_805 = tpu.vector_load %swap3A_802[%swap3A_803, %swap3A_804] {strides = array<i32>} : memref<256x96xf32, #tpu.memory_space<vmem>>, vector<16xf32>,
        tpu.vector_store %swap3A_802[%swap3A_803, %swap3A_804], %convert_element_type3A_242 {strides = array<i32>} : memref<256x96xf32, #tpu.memory_space<vmem>>, vector<16xf32>,
        %add3A_806 = arith.constant 7 : i32
        %add3A_807 = arith.addi %mul3A_383, %add3A_806 : i32
        %swap3A_808 = arith.constant 0 : i32
        %swap3A_809 = arith.constant 0 : i32
        %swap3A_810 = tpu.memref_slice %arg8[%scan3A_259, %swap3A_808, %swap3A_809] : memref<2x256x96xf32, #tpu.memory_space<vmem>> -> memref<1x256x96xf32, #tpu.memory_space<vmem>>
        %swap3A_811 = tpu.memref_squeeze %swap3A_810 : memref<1x256x96xf32, #tpu.memory_space<vmem>> -> memref<256x96xf32, #tpu.memory_space<vmem>>
        %swap3A_812 = arith.index_cast %add3A_807 : i32 to index
        %swap3A_813 = arith.constant 80 : index
        %swap3A_814 = tpu.vector_load %swap3A_811[%swap3A_812, %swap3A_813] {strides = array<i32>} : memref<256x96xf32, #tpu.memory_space<vmem>>, vector<16xf32>,
        tpu.vector_store %swap3A_811[%swap3A_812, %swap3A_813], %convert_element_type3A_252 {strides = array<i32>} : memref<256x96xf32, #tpu.memory_space<vmem>>, vector<16xf32>,
        %add3A_815 = arith.constant 8 : i32
        %add3A_816 = arith.addi %mul3A_383, %add3A_815 : i32
        %swap3A_817 = arith.constant 0 : i32
        %swap3A_818 = arith.constant 0 : i32
        %swap3A_819 = tpu.memref_slice %arg8[%scan3A_259, %swap3A_817, %swap3A_818] : memref<2x256x96xf32, #tpu.memory_space<vmem>> -> memref<1x256x96xf32, #tpu.memory_space<vmem>>
        %swap3A_820 = tpu.memref_squeeze %swap3A_819 : memref<1x256x96xf32, #tpu.memory_space<vmem>> -> memref<256x96xf32, #tpu.memory_space<vmem>>
        %swap3A_821 = arith.index_cast %add3A_816 : i32 to index
        %swap3A_822 = arith.constant 0 : index
        %swap3A_823 = tpu.vector_load %swap3A_820[%swap3A_821, %swap3A_822] {strides = array<i32>} : memref<256x96xf32, #tpu.memory_space<vmem>>, vector<16xf32>,
        tpu.vector_store %swap3A_820[%swap3A_821, %swap3A_822], %select_n3A_202 {strides = array<i32>} : memref<256x96xf32, #tpu.memory_space<vmem>>, vector<16xf32>,
        %add3A_824 = arith.constant 8 : i32
        %add3A_825 = arith.addi %mul3A_383, %add3A_824 : i32
        %swap3A_826 = arith.constant 0 : i32
        %swap3A_827 = arith.constant 0 : i32
        %swap3A_828 = tpu.memref_slice %arg8[%scan3A_259, %swap3A_826, %swap3A_827] : memref<2x256x96xf32, #tpu.memory_space<vmem>> -> memref<1x256x96xf32, #tpu.memory_space<vmem>>
        %swap3A_829 = tpu.memref_squeeze %swap3A_828 : memref<1x256x96xf32, #tpu.memory_space<vmem>> -> memref<256x96xf32, #tpu.memory_space<vmem>>
        %swap3A_830 = arith.index_cast %add3A_825 : i32 to index
        %swap3A_831 = arith.constant 16 : index
        %swap3A_832 = tpu.vector_load %swap3A_829[%swap3A_830, %swap3A_831] {strides = array<i32>} : memref<256x96xf32, #tpu.memory_space<vmem>>, vector<16xf32>,
        tpu.vector_store %swap3A_829[%swap3A_830, %swap3A_831], %convert_element_type3A_212 {strides = array<i32>} : memref<256x96xf32, #tpu.memory_space<vmem>>, vector<16xf32>,
        %add3A_833 = arith.constant 8 : i32
        %add3A_834 = arith.addi %mul3A_383, %add3A_833 : i32
        %swap3A_835 = arith.constant 0 : i32
        %swap3A_836 = arith.constant 0 : i32
        %swap3A_837 = tpu.memref_slice %arg8[%scan3A_259, %swap3A_835, %swap3A_836] : memref<2x256x96xf32, #tpu.memory_space<vmem>> -> memref<1x256x96xf32, #tpu.memory_space<vmem>>
        %swap3A_838 = tpu.memref_squeeze %swap3A_837 : memref<1x256x96xf32, #tpu.memory_space<vmem>> -> memref<256x96xf32, #tpu.memory_space<vmem>>
        %swap3A_839 = arith.index_cast %add3A_834 : i32 to index
        %swap3A_840 = arith.constant 32 : index
        %swap3A_841 = tpu.vector_load %swap3A_838[%swap3A_839, %swap3A_840] {strides = array<i32>} : memref<256x96xf32, #tpu.memory_space<vmem>>, vector<16xf32>,
        tpu.vector_store %swap3A_838[%swap3A_839, %swap3A_840], %convert_element_type3A_222 {strides = array<i32>} : memref<256x96xf32, #tpu.memory_space<vmem>>, vector<16xf32>,
        %add3A_842 = arith.constant 8 : i32
        %add3A_843 = arith.addi %mul3A_383, %add3A_842 : i32
        %swap3A_844 = arith.constant 0 : i32
        %swap3A_845 = arith.constant 0 : i32
        %swap3A_846 = tpu.memref_slice %arg8[%scan3A_259, %swap3A_844, %swap3A_845] : memref<2x256x96xf32, #tpu.memory_space<vmem>> -> memref<1x256x96xf32, #tpu.memory_space<vmem>>
        %swap3A_847 = tpu.memref_squeeze %swap3A_846 : memref<1x256x96xf32, #tpu.memory_space<vmem>> -> memref<256x96xf32, #tpu.memory_space<vmem>>
        %swap3A_848 = arith.index_cast %add3A_843 : i32 to index
        %swap3A_849 = arith.constant 48 : index
        %swap3A_850 = tpu.vector_load %swap3A_847[%swap3A_848, %swap3A_849] {strides = array<i32>} : memref<256x96xf32, #tpu.memory_space<vmem>>, vector<16xf32>,
        tpu.vector_store %swap3A_847[%swap3A_848, %swap3A_849], %convert_element_type3A_232 {strides = array<i32>} : memref<256x96xf32, #tpu.memory_space<vmem>>, vector<16xf32>,
        %add3A_851 = arith.constant 8 : i32
        %add3A_852 = arith.addi %mul3A_383, %add3A_851 : i32
        %swap3A_853 = arith.constant 0 : i32
        %swap3A_854 = arith.constant 0 : i32
        %swap3A_855 = tpu.memref_slice %arg8[%scan3A_259, %swap3A_853, %swap3A_854] : memref<2x256x96xf32, #tpu.memory_space<vmem>> -> memref<1x256x96xf32, #tpu.memory_space<vmem>>
        %swap3A_856 = tpu.memref_squeeze %swap3A_855 : memref<1x256x96xf32, #tpu.memory_space<vmem>> -> memref<256x96xf32, #tpu.memory_space<vmem>>
        %swap3A_857 = arith.index_cast %add3A_852 : i32 to index
        %swap3A_858 = arith.constant 64 : index
        %swap3A_859 = tpu.vector_load %swap3A_856[%swap3A_857, %swap3A_858] {strides = array<i32>} : memref<256x96xf32, #tpu.memory_space<vmem>>, vector<16xf32>,
        tpu.vector_store %swap3A_856[%swap3A_857, %swap3A_858], %convert_element_type3A_242 {strides = array<i32>} : memref<256x96xf32, #tpu.memory_space<vmem>>, vector<16xf32>,
        %add3A_860 = arith.constant 8 : i32
        %add3A_861 = arith.addi %mul3A_383, %add3A_860 : i32
        %swap3A_862 = arith.constant 0 : i32
        %swap3A_863 = arith.constant 0 : i32
        %swap3A_864 = tpu.memref_slice %arg8[%scan3A_259, %swap3A_862, %swap3A_863] : memref<2x256x96xf32, #tpu.memory_space<vmem>> -> memref<1x256x96xf32, #tpu.memory_space<vmem>>
        %swap3A_865 = tpu.memref_squeeze %swap3A_864 : memref<1x256x96xf32, #tpu.memory_space<vmem>> -> memref<256x96xf32, #tpu.memory_space<vmem>>
        %swap3A_866 = arith.index_cast %add3A_861 : i32 to index
        %swap3A_867 = arith.constant 80 : index
        %swap3A_868 = tpu.vector_load %swap3A_865[%swap3A_866, %swap3A_867] {strides = array<i32>} : memref<256x96xf32, #tpu.memory_space<vmem>>, vector<16xf32>,
        tpu.vector_store %swap3A_865[%swap3A_866, %swap3A_867], %convert_element_type3A_252 {strides = array<i32>} : memref<256x96xf32, #tpu.memory_space<vmem>>, vector<16xf32>,
        %add3A_869 = arith.constant 9 : i32
        %add3A_870 = arith.addi %mul3A_383, %add3A_869 : i32
        %swap3A_871 = arith.constant 0 : i32
        %swap3A_872 = arith.constant 0 : i32
        %swap3A_873 = tpu.memref_slice %arg8[%scan3A_259, %swap3A_871, %swap3A_872] : memref<2x256x96xf32, #tpu.memory_space<vmem>> -> memref<1x256x96xf32, #tpu.memory_space<vmem>>
        %swap3A_874 = tpu.memref_squeeze %swap3A_873 : memref<1x256x96xf32, #tpu.memory_space<vmem>> -> memref<256x96xf32, #tpu.memory_space<vmem>>
        %swap3A_875 = arith.index_cast %add3A_870 : i32 to index
        %swap3A_876 = arith.constant 0 : index
        %swap3A_877 = tpu.vector_load %swap3A_874[%swap3A_875, %swap3A_876] {strides = array<i32>} : memref<256x96xf32, #tpu.memory_space<vmem>>, vector<16xf32>,
        tpu.vector_store %swap3A_874[%swap3A_875, %swap3A_876], %select_n3A_202 {strides = array<i32>} : memref<256x96xf32, #tpu.memory_space<vmem>>, vector<16xf32>,
        %add3A_878 = arith.constant 9 : i32
        %add3A_879 = arith.addi %mul3A_383, %add3A_878 : i32
        %swap3A_880 = arith.constant 0 : i32
        %swap3A_881 = arith.constant 0 : i32
        %swap3A_882 = tpu.memref_slice %arg8[%scan3A_259, %swap3A_880, %swap3A_881] : memref<2x256x96xf32, #tpu.memory_space<vmem>> -> memref<1x256x96xf32, #tpu.memory_space<vmem>>
        %swap3A_883 = tpu.memref_squeeze %swap3A_882 : memref<1x256x96xf32, #tpu.memory_space<vmem>> -> memref<256x96xf32, #tpu.memory_space<vmem>>
        %swap3A_884 = arith.index_cast %add3A_879 : i32 to index
        %swap3A_885 = arith.constant 16 : index
        %swap3A_886 = tpu.vector_load %swap3A_883[%swap3A_884, %swap3A_885] {strides = array<i32>} : memref<256x96xf32, #tpu.memory_space<vmem>>, vector<16xf32>,
        tpu.vector_store %swap3A_883[%swap3A_884, %swap3A_885], %convert_element_type3A_212 {strides = array<i32>} : memref<256x96xf32, #tpu.memory_space<vmem>>, vector<16xf32>,
        %add3A_887 = arith.constant 9 : i32
        %add3A_888 = arith.addi %mul3A_383, %add3A_887 : i32
        %swap3A_889 = arith.constant 0 : i32
        %swap3A_890 = arith.constant 0 : i32
        %swap3A_891 = tpu.memref_slice %arg8[%scan3A_259, %swap3A_889, %swap3A_890] : memref<2x256x96xf32, #tpu.memory_space<vmem>> -> memref<1x256x96xf32, #tpu.memory_space<vmem>>
        %swap3A_892 = tpu.memref_squeeze %swap3A_891 : memref<1x256x96xf32, #tpu.memory_space<vmem>> -> memref<256x96xf32, #tpu.memory_space<vmem>>
        %swap3A_893 = arith.index_cast %add3A_888 : i32 to index
        %swap3A_894 = arith.constant 32 : index
        %swap3A_895 = tpu.vector_load %swap3A_892[%swap3A_893, %swap3A_894] {strides = array<i32>} : memref<256x96xf32, #tpu.memory_space<vmem>>, vector<16xf32>,
        tpu.vector_store %swap3A_892[%swap3A_893, %swap3A_894], %convert_element_type3A_222 {strides = array<i32>} : memref<256x96xf32, #tpu.memory_space<vmem>>, vector<16xf32>,
        %add3A_896 = arith.constant 9 : i32
        %add3A_897 = arith.addi %mul3A_383, %add3A_896 : i32
        %swap3A_898 = arith.constant 0 : i32
        %swap3A_899 = arith.constant 0 : i32
        %swap3A_900 = tpu.memref_slice %arg8[%scan3A_259, %swap3A_898, %swap3A_899] : memref<2x256x96xf32, #tpu.memory_space<vmem>> -> memref<1x256x96xf32, #tpu.memory_space<vmem>>
        %swap3A_901 = tpu.memref_squeeze %swap3A_900 : memref<1x256x96xf32, #tpu.memory_space<vmem>> -> memref<256x96xf32, #tpu.memory_space<vmem>>
        %swap3A_902 = arith.index_cast %add3A_897 : i32 to index
        %swap3A_903 = arith.constant 48 : index
        %swap3A_904 = tpu.vector_load %swap3A_901[%swap3A_902, %swap3A_903] {strides = array<i32>} : memref<256x96xf32, #tpu.memory_space<vmem>>, vector<16xf32>,
        tpu.vector_store %swap3A_901[%swap3A_902, %swap3A_903], %convert_element_type3A_232 {strides = array<i32>} : memref<256x96xf32, #tpu.memory_space<vmem>>, vector<16xf32>,
        %add3A_905 = arith.constant 9 : i32
        %add3A_906 = arith.addi %mul3A_383, %add3A_905 : i32
        %swap3A_907 = arith.constant 0 : i32
        %swap3A_908 = arith.constant 0 : i32
        %swap3A_909 = tpu.memref_slice %arg8[%scan3A_259, %swap3A_907, %swap3A_908] : memref<2x256x96xf32, #tpu.memory_space<vmem>> -> memref<1x256x96xf32, #tpu.memory_space<vmem>>
        %swap3A_910 = tpu.memref_squeeze %swap3A_909 : memref<1x256x96xf32, #tpu.memory_space<vmem>> -> memref<256x96xf32, #tpu.memory_space<vmem>>
        %swap3A_911 = arith.index_cast %add3A_906 : i32 to index
        %swap3A_912 = arith.constant 64 : index
        %swap3A_913 = tpu.vector_load %swap3A_910[%swap3A_911, %swap3A_912] {strides = array<i32>} : memref<256x96xf32, #tpu.memory_space<vmem>>, vector<16xf32>,
        tpu.vector_store %swap3A_910[%swap3A_911, %swap3A_912], %convert_element_type3A_242 {strides = array<i32>} : memref<256x96xf32, #tpu.memory_space<vmem>>, vector<16xf32>,
        %add3A_914 = arith.constant 9 : i32
        %add3A_915 = arith.addi %mul3A_383, %add3A_914 : i32
        %swap3A_916 = arith.constant 0 : i32
        %swap3A_917 = arith.constant 0 : i32
        %swap3A_918 = tpu.memref_slice %arg8[%scan3A_259, %swap3A_916, %swap3A_917] : memref<2x256x96xf32, #tpu.memory_space<vmem>> -> memref<1x256x96xf32, #tpu.memory_space<vmem>>
        %swap3A_919 = tpu.memref_squeeze %swap3A_918 : memref<1x256x96xf32, #tpu.memory_space<vmem>> -> memref<256x96xf32, #tpu.memory_space<vmem>>
        %swap3A_920 = arith.index_cast %add3A_915 : i32 to index
        %swap3A_921 = arith.constant 80 : index
        %swap3A_922 = tpu.vector_load %swap3A_919[%swap3A_920, %swap3A_921] {strides = array<i32>} : memref<256x96xf32, #tpu.memory_space<vmem>>, vector<16xf32>,
        tpu.vector_store %swap3A_919[%swap3A_920, %swap3A_921], %convert_element_type3A_252 {strides = array<i32>} : memref<256x96xf32, #tpu.memory_space<vmem>>, vector<16xf32>,
        %add3A_923 = arith.constant 10 : i32
        %add3A_924 = arith.addi %mul3A_383, %add3A_923 : i32
        %swap3A_925 = arith.constant 0 : i32
        %swap3A_926 = arith.constant 0 : i32
        %swap3A_927 = tpu.memref_slice %arg8[%scan3A_259, %swap3A_925, %swap3A_926] : memref<2x256x96xf32, #tpu.memory_space<vmem>> -> memref<1x256x96xf32, #tpu.memory_space<vmem>>
        %swap3A_928 = tpu.memref_squeeze %swap3A_927 : memref<1x256x96xf32, #tpu.memory_space<vmem>> -> memref<256x96xf32, #tpu.memory_space<vmem>>
        %swap3A_929 = arith.index_cast %add3A_924 : i32 to index
        %swap3A_930 = arith.constant 0 : index
        %swap3A_931 = tpu.vector_load %swap3A_928[%swap3A_929, %swap3A_930] {strides = array<i32>} : memref<256x96xf32, #tpu.memory_space<vmem>>, vector<16xf32>,
        tpu.vector_store %swap3A_928[%swap3A_929, %swap3A_930], %select_n3A_202 {strides = array<i32>} : memref<256x96xf32, #tpu.memory_space<vmem>>, vector<16xf32>,
        %add3A_932 = arith.constant 10 : i32
        %add3A_933 = arith.addi %mul3A_383, %add3A_932 : i32
        %swap3A_934 = arith.constant 0 : i32
        %swap3A_935 = arith.constant 0 : i32
        %swap3A_936 = tpu.memref_slice %arg8[%scan3A_259, %swap3A_934, %swap3A_935] : memref<2x256x96xf32, #tpu.memory_space<vmem>> -> memref<1x256x96xf32, #tpu.memory_space<vmem>>
        %swap3A_937 = tpu.memref_squeeze %swap3A_936 : memref<1x256x96xf32, #tpu.memory_space<vmem>> -> memref<256x96xf32, #tpu.memory_space<vmem>>
        %swap3A_938 = arith.index_cast %add3A_933 : i32 to index
        %swap3A_939 = arith.constant 16 : index
        %swap3A_940 = tpu.vector_load %swap3A_937[%swap3A_938, %swap3A_939] {strides = array<i32>} : memref<256x96xf32, #tpu.memory_space<vmem>>, vector<16xf32>,
        tpu.vector_store %swap3A_937[%swap3A_938, %swap3A_939], %convert_element_type3A_212 {strides = array<i32>} : memref<256x96xf32, #tpu.memory_space<vmem>>, vector<16xf32>,
        %add3A_941 = arith.constant 10 : i32
        %add3A_942 = arith.addi %mul3A_383, %add3A_941 : i32
        %swap3A_943 = arith.constant 0 : i32
        %swap3A_944 = arith.constant 0 : i32
        %swap3A_945 = tpu.memref_slice %arg8[%scan3A_259, %swap3A_943, %swap3A_944] : memref<2x256x96xf32, #tpu.memory_space<vmem>> -> memref<1x256x96xf32, #tpu.memory_space<vmem>>
        %swap3A_946 = tpu.memref_squeeze %swap3A_945 : memref<1x256x96xf32, #tpu.memory_space<vmem>> -> memref<256x96xf32, #tpu.memory_space<vmem>>
        %swap3A_947 = arith.index_cast %add3A_942 : i32 to index
        %swap3A_948 = arith.constant 32 : index
        %swap3A_949 = tpu.vector_load %swap3A_946[%swap3A_947, %swap3A_948] {strides = array<i32>} : memref<256x96xf32, #tpu.memory_space<vmem>>, vector<16xf32>,
        tpu.vector_store %swap3A_946[%swap3A_947, %swap3A_948], %convert_element_type3A_222 {strides = array<i32>} : memref<256x96xf32, #tpu.memory_space<vmem>>, vector<16xf32>,
        %add3A_950 = arith.constant 10 : i32
        %add3A_951 = arith.addi %mul3A_383, %add3A_950 : i32
        %swap3A_952 = arith.constant 0 : i32
        %swap3A_953 = arith.constant 0 : i32
        %swap3A_954 = tpu.memref_slice %arg8[%scan3A_259, %swap3A_952, %swap3A_953] : memref<2x256x96xf32, #tpu.memory_space<vmem>> -> memref<1x256x96xf32, #tpu.memory_space<vmem>>
        %swap3A_955 = tpu.memref_squeeze %swap3A_954 : memref<1x256x96xf32, #tpu.memory_space<vmem>> -> memref<256x96xf32, #tpu.memory_space<vmem>>
        %swap3A_956 = arith.index_cast %add3A_951 : i32 to index
        %swap3A_957 = arith.constant 48 : index
        %swap3A_958 = tpu.vector_load %swap3A_955[%swap3A_956, %swap3A_957] {strides = array<i32>} : memref<256x96xf32, #tpu.memory_space<vmem>>, vector<16xf32>,
        tpu.vector_store %swap3A_955[%swap3A_956, %swap3A_957], %convert_element_type3A_232 {strides = array<i32>} : memref<256x96xf32, #tpu.memory_space<vmem>>, vector<16xf32>,
        %add3A_959 = arith.constant 10 : i32
        %add3A_960 = arith.addi %mul3A_383, %add3A_959 : i32
        %swap3A_961 = arith.constant 0 : i32
        %swap3A_962 = arith.constant 0 : i32
        %swap3A_963 = tpu.memref_slice %arg8[%scan3A_259, %swap3A_961, %swap3A_962] : memref<2x256x96xf32, #tpu.memory_space<vmem>> -> memref<1x256x96xf32, #tpu.memory_space<vmem>>
        %swap3A_964 = tpu.memref_squeeze %swap3A_963 : memref<1x256x96xf32, #tpu.memory_space<vmem>> -> memref<256x96xf32, #tpu.memory_space<vmem>>
        %swap3A_965 = arith.index_cast %add3A_960 : i32 to index
        %swap3A_966 = arith.constant 64 : index
        %swap3A_967 = tpu.vector_load %swap3A_964[%swap3A_965, %swap3A_966] {strides = array<i32>} : memref<256x96xf32, #tpu.memory_space<vmem>>, vector<16xf32>,
        tpu.vector_store %swap3A_964[%swap3A_965, %swap3A_966], %convert_element_type3A_242 {strides = array<i32>} : memref<256x96xf32, #tpu.memory_space<vmem>>, vector<16xf32>,
        %add3A_968 = arith.constant 10 : i32
        %add3A_969 = arith.addi %mul3A_383, %add3A_968 : i32
        %swap3A_970 = arith.constant 0 : i32
        %swap3A_971 = arith.constant 0 : i32
        %swap3A_972 = tpu.memref_slice %arg8[%scan3A_259, %swap3A_970, %swap3A_971] : memref<2x256x96xf32, #tpu.memory_space<vmem>> -> memref<1x256x96xf32, #tpu.memory_space<vmem>>
        %swap3A_973 = tpu.memref_squeeze %swap3A_972 : memref<1x256x96xf32, #tpu.memory_space<vmem>> -> memref<256x96xf32, #tpu.memory_space<vmem>>
        %swap3A_974 = arith.index_cast %add3A_969 : i32 to index
        %swap3A_975 = arith.constant 80 : index
        %swap3A_976 = tpu.vector_load %swap3A_973[%swap3A_974, %swap3A_975] {strides = array<i32>} : memref<256x96xf32, #tpu.memory_space<vmem>>, vector<16xf32>,
        tpu.vector_store %swap3A_973[%swap3A_974, %swap3A_975], %convert_element_type3A_252 {strides = array<i32>} : memref<256x96xf32, #tpu.memory_space<vmem>>, vector<16xf32>,
        %add3A_977 = arith.constant 11 : i32
        %add3A_978 = arith.addi %mul3A_383, %add3A_977 : i32
        %swap3A_979 = arith.constant 0 : i32
        %swap3A_980 = arith.constant 0 : i32
        %swap3A_981 = tpu.memref_slice %arg8[%scan3A_259, %swap3A_979, %swap3A_980] : memref<2x256x96xf32, #tpu.memory_space<vmem>> -> memref<1x256x96xf32, #tpu.memory_space<vmem>>
        %swap3A_982 = tpu.memref_squeeze %swap3A_981 : memref<1x256x96xf32, #tpu.memory_space<vmem>> -> memref<256x96xf32, #tpu.memory_space<vmem>>
        %swap3A_983 = arith.index_cast %add3A_978 : i32 to index
        %swap3A_984 = arith.constant 0 : index
        %swap3A_985 = tpu.vector_load %swap3A_982[%swap3A_983, %swap3A_984] {strides = array<i32>} : memref<256x96xf32, #tpu.memory_space<vmem>>, vector<16xf32>,
        tpu.vector_store %swap3A_982[%swap3A_983, %swap3A_984], %select_n3A_202 {strides = array<i32>} : memref<256x96xf32, #tpu.memory_space<vmem>>, vector<16xf32>,
        %add3A_986 = arith.constant 11 : i32
        %add3A_987 = arith.addi %mul3A_383, %add3A_986 : i32
        %swap3A_988 = arith.constant 0 : i32
        %swap3A_989 = arith.constant 0 : i32
        %swap3A_990 = tpu.memref_slice %arg8[%scan3A_259, %swap3A_988, %swap3A_989] : memref<2x256x96xf32, #tpu.memory_space<vmem>> -> memref<1x256x96xf32, #tpu.memory_space<vmem>>
        %swap3A_991 = tpu.memref_squeeze %swap3A_990 : memref<1x256x96xf32, #tpu.memory_space<vmem>> -> memref<256x96xf32, #tpu.memory_space<vmem>>
        %swap3A_992 = arith.index_cast %add3A_987 : i32 to index
        %swap3A_993 = arith.constant 16 : index
        %swap3A_994 = tpu.vector_load %swap3A_991[%swap3A_992, %swap3A_993] {strides = array<i32>} : memref<256x96xf32, #tpu.memory_space<vmem>>, vector<16xf32>,
        tpu.vector_store %swap3A_991[%swap3A_992, %swap3A_993], %convert_element_type3A_212 {strides = array<i32>} : memref<256x96xf32, #tpu.memory_space<vmem>>, vector<16xf32>,
        %add3A_995 = arith.constant 11 : i32
        %add3A_996 = arith.addi %mul3A_383, %add3A_995 : i32
        %swap3A_997 = arith.constant 0 : i32
        %swap3A_998 = arith.constant 0 : i32
        %swap3A_999 = tpu.memref_slice %arg8[%scan3A_259, %swap3A_997, %swap3A_998] : memref<2x256x96xf32, #tpu.memory_space<vmem>> -> memref<1x256x96xf32, #tpu.memory_space<vmem>>
        %swap3A_1000 = tpu.memref_squeeze %swap3A_999 : memref<1x256x96xf32, #tpu.memory_space<vmem>> -> memref<256x96xf32, #tpu.memory_space<vmem>>
        %swap3A_1001 = arith.index_cast %add3A_996 : i32 to index
        %swap3A_1002 = arith.constant 32 : index
        %swap3A_1003 = tpu.vector_load %swap3A_1000[%swap3A_1001, %swap3A_1002] {strides = array<i32>} : memref<256x96xf32, #tpu.memory_space<vmem>>, vector<16xf32>,
        tpu.vector_store %swap3A_1000[%swap3A_1001, %swap3A_1002], %convert_element_type3A_222 {strides = array<i32>} : memref<256x96xf32, #tpu.memory_space<vmem>>, vector<16xf32>,
        %add3A_1004 = arith.constant 11 : i32
        %add3A_1005 = arith.addi %mul3A_383, %add3A_1004 : i32
        %swap3A_1006 = arith.constant 0 : i32
        %swap3A_1007 = arith.constant 0 : i32
        %swap3A_1008 = tpu.memref_slice %arg8[%scan3A_259, %swap3A_1006, %swap3A_1007] : memref<2x256x96xf32, #tpu.memory_space<vmem>> -> memref<1x256x96xf32, #tpu.memory_space<vmem>>
        %swap3A_1009 = tpu.memref_squeeze %swap3A_1008 : memref<1x256x96xf32, #tpu.memory_space<vmem>> -> memref<256x96xf32, #tpu.memory_space<vmem>>
        %swap3A_1010 = arith.index_cast %add3A_1005 : i32 to index
        %swap3A_1011 = arith.constant 48 : index
        %swap3A_1012 = tpu.vector_load %swap3A_1009[%swap3A_1010, %swap3A_1011] {strides = array<i32>} : memref<256x96xf32, #tpu.memory_space<vmem>>, vector<16xf32>,
        tpu.vector_store %swap3A_1009[%swap3A_1010, %swap3A_1011], %convert_element_type3A_232 {strides = array<i32>} : memref<256x96xf32, #tpu.memory_space<vmem>>, vector<16xf32>,
        %add3A_1013 = arith.constant 11 : i32
        %add3A_1014 = arith.addi %mul3A_383, %add3A_1013 : i32
        %swap3A_1015 = arith.constant 0 : i32
        %swap3A_1016 = arith.constant 0 : i32
        %swap3A_1017 = tpu.memref_slice %arg8[%scan3A_259, %swap3A_1015, %swap3A_1016] : memref<2x256x96xf32, #tpu.memory_space<vmem>> -> memref<1x256x96xf32, #tpu.memory_space<vmem>>
        %swap3A_1018 = tpu.memref_squeeze %swap3A_1017 : memref<1x256x96xf32, #tpu.memory_space<vmem>> -> memref<256x96xf32, #tpu.memory_space<vmem>>
        %swap3A_1019 = arith.index_cast %add3A_1014 : i32 to index
        %swap3A_1020 = arith.constant 64 : index
        %swap3A_1021 = tpu.vector_load %swap3A_1018[%swap3A_1019, %swap3A_1020] {strides = array<i32>} : memref<256x96xf32, #tpu.memory_space<vmem>>, vector<16xf32>,
        tpu.vector_store %swap3A_1018[%swap3A_1019, %swap3A_1020], %convert_element_type3A_242 {strides = array<i32>} : memref<256x96xf32, #tpu.memory_space<vmem>>, vector<16xf32>,
        %add3A_1022 = arith.constant 11 : i32
        %add3A_1023 = arith.addi %mul3A_383, %add3A_1022 : i32
        %swap3A_1024 = arith.constant 0 : i32
        %swap3A_1025 = arith.constant 0 : i32
        %swap3A_1026 = tpu.memref_slice %arg8[%scan3A_259, %swap3A_1024, %swap3A_1025] : memref<2x256x96xf32, #tpu.memory_space<vmem>> -> memref<1x256x96xf32, #tpu.memory_space<vmem>>
        %swap3A_1027 = tpu.memref_squeeze %swap3A_1026 : memref<1x256x96xf32, #tpu.memory_space<vmem>> -> memref<256x96xf32, #tpu.memory_space<vmem>>
        %swap3A_1028 = arith.index_cast %add3A_1023 : i32 to index
        %swap3A_1029 = arith.constant 80 : index
        %swap3A_1030 = tpu.vector_load %swap3A_1027[%swap3A_1028, %swap3A_1029] {strides = array<i32>} : memref<256x96xf32, #tpu.memory_space<vmem>>, vector<16xf32>,
        tpu.vector_store %swap3A_1027[%swap3A_1028, %swap3A_1029], %convert_element_type3A_252 {strides = array<i32>} : memref<256x96xf32, #tpu.memory_space<vmem>>, vector<16xf32>,
        %add3A_1031 = arith.constant 12 : i32
        %add3A_1032 = arith.addi %mul3A_383, %add3A_1031 : i32
        %swap3A_1033 = arith.constant 0 : i32
        %swap3A_1034 = arith.constant 0 : i32
        %swap3A_1035 = tpu.memref_slice %arg8[%scan3A_259, %swap3A_1033, %swap3A_1034] : memref<2x256x96xf32, #tpu.memory_space<vmem>> -> memref<1x256x96xf32, #tpu.memory_space<vmem>>
        %swap3A_1036 = tpu.memref_squeeze %swap3A_1035 : memref<1x256x96xf32, #tpu.memory_space<vmem>> -> memref<256x96xf32, #tpu.memory_space<vmem>>
        %swap3A_1037 = arith.index_cast %add3A_1032 : i32 to index
        %swap3A_1038 = arith.constant 0 : index
        %swap3A_1039 = tpu.vector_load %swap3A_1036[%swap3A_1037, %swap3A_1038] {strides = array<i32>} : memref<256x96xf32, #tpu.memory_space<vmem>>, vector<16xf32>,
        tpu.vector_store %swap3A_1036[%swap3A_1037, %swap3A_1038], %select_n3A_202 {strides = array<i32>} : memref<256x96xf32, #tpu.memory_space<vmem>>, vector<16xf32>,
        %add3A_1040 = arith.constant 12 : i32
        %add3A_1041 = arith.addi %mul3A_383, %add3A_1040 : i32
        %swap3A_1042 = arith.constant 0 : i32
        %swap3A_1043 = arith.constant 0 : i32
        %swap3A_1044 = tpu.memref_slice %arg8[%scan3A_259, %swap3A_1042, %swap3A_1043] : memref<2x256x96xf32, #tpu.memory_space<vmem>> -> memref<1x256x96xf32, #tpu.memory_space<vmem>>
        %swap3A_1045 = tpu.memref_squeeze %swap3A_1044 : memref<1x256x96xf32, #tpu.memory_space<vmem>> -> memref<256x96xf32, #tpu.memory_space<vmem>>
        %swap3A_1046 = arith.index_cast %add3A_1041 : i32 to index
        %swap3A_1047 = arith.constant 16 : index
        %swap3A_1048 = tpu.vector_load %swap3A_1045[%swap3A_1046, %swap3A_1047] {strides = array<i32>} : memref<256x96xf32, #tpu.memory_space<vmem>>, vector<16xf32>,
        tpu.vector_store %swap3A_1045[%swap3A_1046, %swap3A_1047], %convert_element_type3A_212 {strides = array<i32>} : memref<256x96xf32, #tpu.memory_space<vmem>>, vector<16xf32>,
        %add3A_1049 = arith.constant 12 : i32
        %add3A_1050 = arith.addi %mul3A_383, %add3A_1049 : i32
        %swap3A_1051 = arith.constant 0 : i32
        %swap3A_1052 = arith.constant 0 : i32
        %swap3A_1053 = tpu.memref_slice %arg8[%scan3A_259, %swap3A_1051, %swap3A_1052] : memref<2x256x96xf32, #tpu.memory_space<vmem>> -> memref<1x256x96xf32, #tpu.memory_space<vmem>>
        %swap3A_1054 = tpu.memref_squeeze %swap3A_1053 : memref<1x256x96xf32, #tpu.memory_space<vmem>> -> memref<256x96xf32, #tpu.memory_space<vmem>>
        %swap3A_1055 = arith.index_cast %add3A_1050 : i32 to index
        %swap3A_1056 = arith.constant 32 : index
        %swap3A_1057 = tpu.vector_load %swap3A_1054[%swap3A_1055, %swap3A_1056] {strides = array<i32>} : memref<256x96xf32, #tpu.memory_space<vmem>>, vector<16xf32>,
        tpu.vector_store %swap3A_1054[%swap3A_1055, %swap3A_1056], %convert_element_type3A_222 {strides = array<i32>} : memref<256x96xf32, #tpu.memory_space<vmem>>, vector<16xf32>,
        %add3A_1058 = arith.constant 12 : i32
        %add3A_1059 = arith.addi %mul3A_383, %add3A_1058 : i32
        %swap3A_1060 = arith.constant 0 : i32
        %swap3A_1061 = arith.constant 0 : i32
        %swap3A_1062 = tpu.memref_slice %arg8[%scan3A_259, %swap3A_1060, %swap3A_1061] : memref<2x256x96xf32, #tpu.memory_space<vmem>> -> memref<1x256x96xf32, #tpu.memory_space<vmem>>
        %swap3A_1063 = tpu.memref_squeeze %swap3A_1062 : memref<1x256x96xf32, #tpu.memory_space<vmem>> -> memref<256x96xf32, #tpu.memory_space<vmem>>
        %swap3A_1064 = arith.index_cast %add3A_1059 : i32 to index
        %swap3A_1065 = arith.constant 48 : index
        %swap3A_1066 = tpu.vector_load %swap3A_1063[%swap3A_1064, %swap3A_1065] {strides = array<i32>} : memref<256x96xf32, #tpu.memory_space<vmem>>, vector<16xf32>,
        tpu.vector_store %swap3A_1063[%swap3A_1064, %swap3A_1065], %convert_element_type3A_232 {strides = array<i32>} : memref<256x96xf32, #tpu.memory_space<vmem>>, vector<16xf32>,
        %add3A_1067 = arith.constant 12 : i32
        %add3A_1068 = arith.addi %mul3A_383, %add3A_1067 : i32
        %swap3A_1069 = arith.constant 0 : i32
        %swap3A_1070 = arith.constant 0 : i32
        %swap3A_1071 = tpu.memref_slice %arg8[%scan3A_259, %swap3A_1069, %swap3A_1070] : memref<2x256x96xf32, #tpu.memory_space<vmem>> -> memref<1x256x96xf32, #tpu.memory_space<vmem>>
        %swap3A_1072 = tpu.memref_squeeze %swap3A_1071 : memref<1x256x96xf32, #tpu.memory_space<vmem>> -> memref<256x96xf32, #tpu.memory_space<vmem>>
        %swap3A_1073 = arith.index_cast %add3A_1068 : i32 to index
        %swap3A_1074 = arith.constant 64 : index
        %swap3A_1075 = tpu.vector_load %swap3A_1072[%swap3A_1073, %swap3A_1074] {strides = array<i32>} : memref<256x96xf32, #tpu.memory_space<vmem>>, vector<16xf32>,
        tpu.vector_store %swap3A_1072[%swap3A_1073, %swap3A_1074], %convert_element_type3A_242 {strides = array<i32>} : memref<256x96xf32, #tpu.memory_space<vmem>>, vector<16xf32>,
        %add3A_1076 = arith.constant 12 : i32
        %add3A_1077 = arith.addi %mul3A_383, %add3A_1076 : i32
        %swap3A_1078 = arith.constant 0 : i32
        %swap3A_1079 = arith.constant 0 : i32
        %swap3A_1080 = tpu.memref_slice %arg8[%scan3A_259, %swap3A_1078, %swap3A_1079] : memref<2x256x96xf32, #tpu.memory_space<vmem>> -> memref<1x256x96xf32, #tpu.memory_space<vmem>>
        %swap3A_1081 = tpu.memref_squeeze %swap3A_1080 : memref<1x256x96xf32, #tpu.memory_space<vmem>> -> memref<256x96xf32, #tpu.memory_space<vmem>>
        %swap3A_1082 = arith.index_cast %add3A_1077 : i32 to index
        %swap3A_1083 = arith.constant 80 : index
        %swap3A_1084 = tpu.vector_load %swap3A_1081[%swap3A_1082, %swap3A_1083] {strides = array<i32>} : memref<256x96xf32, #tpu.memory_space<vmem>>, vector<16xf32>,
        tpu.vector_store %swap3A_1081[%swap3A_1082, %swap3A_1083], %convert_element_type3A_252 {strides = array<i32>} : memref<256x96xf32, #tpu.memory_space<vmem>>, vector<16xf32>,
        %add3A_1085 = arith.constant 13 : i32
        %add3A_1086 = arith.addi %mul3A_383, %add3A_1085 : i32
        %swap3A_1087 = arith.constant 0 : i32
        %swap3A_1088 = arith.constant 0 : i32
        %swap3A_1089 = tpu.memref_slice %arg8[%scan3A_259, %swap3A_1087, %swap3A_1088] : memref<2x256x96xf32, #tpu.memory_space<vmem>> -> memref<1x256x96xf32, #tpu.memory_space<vmem>>
        %swap3A_1090 = tpu.memref_squeeze %swap3A_1089 : memref<1x256x96xf32, #tpu.memory_space<vmem>> -> memref<256x96xf32, #tpu.memory_space<vmem>>
        %swap3A_1091 = arith.index_cast %add3A_1086 : i32 to index
        %swap3A_1092 = arith.constant 0 : index
        %swap3A_1093 = tpu.vector_load %swap3A_1090[%swap3A_1091, %swap3A_1092] {strides = array<i32>} : memref<256x96xf32, #tpu.memory_space<vmem>>, vector<16xf32>,
        tpu.vector_store %swap3A_1090[%swap3A_1091, %swap3A_1092], %select_n3A_202 {strides = array<i32>} : memref<256x96xf32, #tpu.memory_space<vmem>>, vector<16xf32>,
        %add3A_1094 = arith.constant 13 : i32
        %add3A_1095 = arith.addi %mul3A_383, %add3A_1094 : i32
        %swap3A_1096 = arith.constant 0 : i32
        %swap3A_1097 = arith.constant 0 : i32
        %swap3A_1098 = tpu.memref_slice %arg8[%scan3A_259, %swap3A_1096, %swap3A_1097] : memref<2x256x96xf32, #tpu.memory_space<vmem>> -> memref<1x256x96xf32, #tpu.memory_space<vmem>>
        %swap3A_1099 = tpu.memref_squeeze %swap3A_1098 : memref<1x256x96xf32, #tpu.memory_space<vmem>> -> memref<256x96xf32, #tpu.memory_space<vmem>>
        %swap3A_1100 = arith.index_cast %add3A_1095 : i32 to index
        %swap3A_1101 = arith.constant 16 : index
        %swap3A_1102 = tpu.vector_load %swap3A_1099[%swap3A_1100, %swap3A_1101] {strides = array<i32>} : memref<256x96xf32, #tpu.memory_space<vmem>>, vector<16xf32>,
        tpu.vector_store %swap3A_1099[%swap3A_1100, %swap3A_1101], %convert_element_type3A_212 {strides = array<i32>} : memref<256x96xf32, #tpu.memory_space<vmem>>, vector<16xf32>,
        %add3A_1103 = arith.constant 13 : i32
        %add3A_1104 = arith.addi %mul3A_383, %add3A_1103 : i32
        %swap3A_1105 = arith.constant 0 : i32
        %swap3A_1106 = arith.constant 0 : i32
        %swap3A_1107 = tpu.memref_slice %arg8[%scan3A_259, %swap3A_1105, %swap3A_1106] : memref<2x256x96xf32, #tpu.memory_space<vmem>> -> memref<1x256x96xf32, #tpu.memory_space<vmem>>
        %swap3A_1108 = tpu.memref_squeeze %swap3A_1107 : memref<1x256x96xf32, #tpu.memory_space<vmem>> -> memref<256x96xf32, #tpu.memory_space<vmem>>
        %swap3A_1109 = arith.index_cast %add3A_1104 : i32 to index
        %swap3A_1110 = arith.constant 32 : index
        %swap3A_1111 = tpu.vector_load %swap3A_1108[%swap3A_1109, %swap3A_1110] {strides = array<i32>} : memref<256x96xf32, #tpu.memory_space<vmem>>, vector<16xf32>,
        tpu.vector_store %swap3A_1108[%swap3A_1109, %swap3A_1110], %convert_element_type3A_222 {strides = array<i32>} : memref<256x96xf32, #tpu.memory_space<vmem>>, vector<16xf32>,
        %add3A_1112 = arith.constant 13 : i32
        %add3A_1113 = arith.addi %mul3A_383, %add3A_1112 : i32
        %swap3A_1114 = arith.constant 0 : i32
        %swap3A_1115 = arith.constant 0 : i32
        %swap3A_1116 = tpu.memref_slice %arg8[%scan3A_259, %swap3A_1114, %swap3A_1115] : memref<2x256x96xf32, #tpu.memory_space<vmem>> -> memref<1x256x96xf32, #tpu.memory_space<vmem>>
        %swap3A_1117 = tpu.memref_squeeze %swap3A_1116 : memref<1x256x96xf32, #tpu.memory_space<vmem>> -> memref<256x96xf32, #tpu.memory_space<vmem>>
        %swap3A_1118 = arith.index_cast %add3A_1113 : i32 to index
        %swap3A_1119 = arith.constant 48 : index
        %swap3A_1120 = tpu.vector_load %swap3A_1117[%swap3A_1118, %swap3A_1119] {strides = array<i32>} : memref<256x96xf32, #tpu.memory_space<vmem>>, vector<16xf32>,
        tpu.vector_store %swap3A_1117[%swap3A_1118, %swap3A_1119], %convert_element_type3A_232 {strides = array<i32>} : memref<256x96xf32, #tpu.memory_space<vmem>>, vector<16xf32>,
        %add3A_1121 = arith.constant 13 : i32
        %add3A_1122 = arith.addi %mul3A_383, %add3A_1121 : i32
        %swap3A_1123 = arith.constant 0 : i32
        %swap3A_1124 = arith.constant 0 : i32
        %swap3A_1125 = tpu.memref_slice %arg8[%scan3A_259, %swap3A_1123, %swap3A_1124] : memref<2x256x96xf32, #tpu.memory_space<vmem>> -> memref<1x256x96xf32, #tpu.memory_space<vmem>>
        %swap3A_1126 = tpu.memref_squeeze %swap3A_1125 : memref<1x256x96xf32, #tpu.memory_space<vmem>> -> memref<256x96xf32, #tpu.memory_space<vmem>>
        %swap3A_1127 = arith.index_cast %add3A_1122 : i32 to index
        %swap3A_1128 = arith.constant 64 : index
        %swap3A_1129 = tpu.vector_load %swap3A_1126[%swap3A_1127, %swap3A_1128] {strides = array<i32>} : memref<256x96xf32, #tpu.memory_space<vmem>>, vector<16xf32>,
        tpu.vector_store %swap3A_1126[%swap3A_1127, %swap3A_1128], %convert_element_type3A_242 {strides = array<i32>} : memref<256x96xf32, #tpu.memory_space<vmem>>, vector<16xf32>,
        %add3A_1130 = arith.constant 13 : i32
        %add3A_1131 = arith.addi %mul3A_383, %add3A_1130 : i32
        %swap3A_1132 = arith.constant 0 : i32
        %swap3A_1133 = arith.constant 0 : i32
        %swap3A_1134 = tpu.memref_slice %arg8[%scan3A_259, %swap3A_1132, %swap3A_1133] : memref<2x256x96xf32, #tpu.memory_space<vmem>> -> memref<1x256x96xf32, #tpu.memory_space<vmem>>
        %swap3A_1135 = tpu.memref_squeeze %swap3A_1134 : memref<1x256x96xf32, #tpu.memory_space<vmem>> -> memref<256x96xf32, #tpu.memory_space<vmem>>
        %swap3A_1136 = arith.index_cast %add3A_1131 : i32 to index
        %swap3A_1137 = arith.constant 80 : index
        %swap3A_1138 = tpu.vector_load %swap3A_1135[%swap3A_1136, %swap3A_1137] {strides = array<i32>} : memref<256x96xf32, #tpu.memory_space<vmem>>, vector<16xf32>,
        tpu.vector_store %swap3A_1135[%swap3A_1136, %swap3A_1137], %convert_element_type3A_252 {strides = array<i32>} : memref<256x96xf32, #tpu.memory_space<vmem>>, vector<16xf32>,
        %add3A_1139 = arith.constant 14 : i32
        %add3A_1140 = arith.addi %mul3A_383, %add3A_1139 : i32
        %swap3A_1141 = arith.constant 0 : i32
        %swap3A_1142 = arith.constant 0 : i32
        %swap3A_1143 = tpu.memref_slice %arg8[%scan3A_259, %swap3A_1141, %swap3A_1142] : memref<2x256x96xf32, #tpu.memory_space<vmem>> -> memref<1x256x96xf32, #tpu.memory_space<vmem>>
        %swap3A_1144 = tpu.memref_squeeze %swap3A_1143 : memref<1x256x96xf32, #tpu.memory_space<vmem>> -> memref<256x96xf32, #tpu.memory_space<vmem>>
        %swap3A_1145 = arith.index_cast %add3A_1140 : i32 to index
        %swap3A_1146 = arith.constant 0 : index
        %swap3A_1147 = tpu.vector_load %swap3A_1144[%swap3A_1145, %swap3A_1146] {strides = array<i32>} : memref<256x96xf32, #tpu.memory_space<vmem>>, vector<16xf32>,
        tpu.vector_store %swap3A_1144[%swap3A_1145, %swap3A_1146], %select_n3A_202 {strides = array<i32>} : memref<256x96xf32, #tpu.memory_space<vmem>>, vector<16xf32>,
        %add3A_1148 = arith.constant 14 : i32
        %add3A_1149 = arith.addi %mul3A_383, %add3A_1148 : i32
        %swap3A_1150 = arith.constant 0 : i32
        %swap3A_1151 = arith.constant 0 : i32
        %swap3A_1152 = tpu.memref_slice %arg8[%scan3A_259, %swap3A_1150, %swap3A_1151] : memref<2x256x96xf32, #tpu.memory_space<vmem>> -> memref<1x256x96xf32, #tpu.memory_space<vmem>>
        %swap3A_1153 = tpu.memref_squeeze %swap3A_1152 : memref<1x256x96xf32, #tpu.memory_space<vmem>> -> memref<256x96xf32, #tpu.memory_space<vmem>>
        %swap3A_1154 = arith.index_cast %add3A_1149 : i32 to index
        %swap3A_1155 = arith.constant 16 : index
        %swap3A_1156 = tpu.vector_load %swap3A_1153[%swap3A_1154, %swap3A_1155] {strides = array<i32>} : memref<256x96xf32, #tpu.memory_space<vmem>>, vector<16xf32>,
        tpu.vector_store %swap3A_1153[%swap3A_1154, %swap3A_1155], %convert_element_type3A_212 {strides = array<i32>} : memref<256x96xf32, #tpu.memory_space<vmem>>, vector<16xf32>,
        %add3A_1157 = arith.constant 14 : i32
        %add3A_1158 = arith.addi %mul3A_383, %add3A_1157 : i32
        %swap3A_1159 = arith.constant 0 : i32
        %swap3A_1160 = arith.constant 0 : i32
        %swap3A_1161 = tpu.memref_slice %arg8[%scan3A_259, %swap3A_1159, %swap3A_1160] : memref<2x256x96xf32, #tpu.memory_space<vmem>> -> memref<1x256x96xf32, #tpu.memory_space<vmem>>
        %swap3A_1162 = tpu.memref_squeeze %swap3A_1161 : memref<1x256x96xf32, #tpu.memory_space<vmem>> -> memref<256x96xf32, #tpu.memory_space<vmem>>
        %swap3A_1163 = arith.index_cast %add3A_1158 : i32 to index
        %swap3A_1164 = arith.constant 32 : index
        %swap3A_1165 = tpu.vector_load %swap3A_1162[%swap3A_1163, %swap3A_1164] {strides = array<i32>} : memref<256x96xf32, #tpu.memory_space<vmem>>, vector<16xf32>,
        tpu.vector_store %swap3A_1162[%swap3A_1163, %swap3A_1164], %convert_element_type3A_222 {strides = array<i32>} : memref<256x96xf32, #tpu.memory_space<vmem>>, vector<16xf32>,
        %add3A_1166 = arith.constant 14 : i32
        %add3A_1167 = arith.addi %mul3A_383, %add3A_1166 : i32
        %swap3A_1168 = arith.constant 0 : i32
        %swap3A_1169 = arith.constant 0 : i32
        %swap3A_1170 = tpu.memref_slice %arg8[%scan3A_259, %swap3A_1168, %swap3A_1169] : memref<2x256x96xf32, #tpu.memory_space<vmem>> -> memref<1x256x96xf32, #tpu.memory_space<vmem>>
        %swap3A_1171 = tpu.memref_squeeze %swap3A_1170 : memref<1x256x96xf32, #tpu.memory_space<vmem>> -> memref<256x96xf32, #tpu.memory_space<vmem>>
        %swap3A_1172 = arith.index_cast %add3A_1167 : i32 to index
        %swap3A_1173 = arith.constant 48 : index
        %swap3A_1174 = tpu.vector_load %swap3A_1171[%swap3A_1172, %swap3A_1173] {strides = array<i32>} : memref<256x96xf32, #tpu.memory_space<vmem>>, vector<16xf32>,
        tpu.vector_store %swap3A_1171[%swap3A_1172, %swap3A_1173], %convert_element_type3A_232 {strides = array<i32>} : memref<256x96xf32, #tpu.memory_space<vmem>>, vector<16xf32>,
        %add3A_1175 = arith.constant 14 : i32
        %add3A_1176 = arith.addi %mul3A_383, %add3A_1175 : i32
        %swap3A_1177 = arith.constant 0 : i32
        %swap3A_1178 = arith.constant 0 : i32
        %swap3A_1179 = tpu.memref_slice %arg8[%scan3A_259, %swap3A_1177, %swap3A_1178] : memref<2x256x96xf32, #tpu.memory_space<vmem>> -> memref<1x256x96xf32, #tpu.memory_space<vmem>>
        %swap3A_1180 = tpu.memref_squeeze %swap3A_1179 : memref<1x256x96xf32, #tpu.memory_space<vmem>> -> memref<256x96xf32, #tpu.memory_space<vmem>>
        %swap3A_1181 = arith.index_cast %add3A_1176 : i32 to index
        %swap3A_1182 = arith.constant 64 : index
        %swap3A_1183 = tpu.vector_load %swap3A_1180[%swap3A_1181, %swap3A_1182] {strides = array<i32>} : memref<256x96xf32, #tpu.memory_space<vmem>>, vector<16xf32>,
        tpu.vector_store %swap3A_1180[%swap3A_1181, %swap3A_1182], %convert_element_type3A_242 {strides = array<i32>} : memref<256x96xf32, #tpu.memory_space<vmem>>, vector<16xf32>,
        %add3A_1184 = arith.constant 14 : i32
        %add3A_1185 = arith.addi %mul3A_383, %add3A_1184 : i32
        %swap3A_1186 = arith.constant 0 : i32
        %swap3A_1187 = arith.constant 0 : i32
        %swap3A_1188 = tpu.memref_slice %arg8[%scan3A_259, %swap3A_1186, %swap3A_1187] : memref<2x256x96xf32, #tpu.memory_space<vmem>> -> memref<1x256x96xf32, #tpu.memory_space<vmem>>
        %swap3A_1189 = tpu.memref_squeeze %swap3A_1188 : memref<1x256x96xf32, #tpu.memory_space<vmem>> -> memref<256x96xf32, #tpu.memory_space<vmem>>
        %swap3A_1190 = arith.index_cast %add3A_1185 : i32 to index
        %swap3A_1191 = arith.constant 80 : index
        %swap3A_1192 = tpu.vector_load %swap3A_1189[%swap3A_1190, %swap3A_1191] {strides = array<i32>} : memref<256x96xf32, #tpu.memory_space<vmem>>, vector<16xf32>,
        tpu.vector_store %swap3A_1189[%swap3A_1190, %swap3A_1191], %convert_element_type3A_252 {strides = array<i32>} : memref<256x96xf32, #tpu.memory_space<vmem>>, vector<16xf32>,
        %add3A_1193 = arith.constant 15 : i32
        %add3A_1194 = arith.addi %mul3A_383, %add3A_1193 : i32
        %swap3A_1195 = arith.constant 0 : i32
        %swap3A_1196 = arith.constant 0 : i32
        %swap3A_1197 = tpu.memref_slice %arg8[%scan3A_259, %swap3A_1195, %swap3A_1196] : memref<2x256x96xf32, #tpu.memory_space<vmem>> -> memref<1x256x96xf32, #tpu.memory_space<vmem>>
        %swap3A_1198 = tpu.memref_squeeze %swap3A_1197 : memref<1x256x96xf32, #tpu.memory_space<vmem>> -> memref<256x96xf32, #tpu.memory_space<vmem>>
        %swap3A_1199 = arith.index_cast %add3A_1194 : i32 to index
        %swap3A_1200 = arith.constant 0 : index
        %swap3A_1201 = tpu.vector_load %swap3A_1198[%swap3A_1199, %swap3A_1200] {strides = array<i32>} : memref<256x96xf32, #tpu.memory_space<vmem>>, vector<16xf32>,
        tpu.vector_store %swap3A_1198[%swap3A_1199, %swap3A_1200], %select_n3A_202 {strides = array<i32>} : memref<256x96xf32, #tpu.memory_space<vmem>>, vector<16xf32>,
        %add3A_1202 = arith.constant 15 : i32
        %add3A_1203 = arith.addi %mul3A_383, %add3A_1202 : i32
        %swap3A_1204 = arith.constant 0 : i32
        %swap3A_1205 = arith.constant 0 : i32
        %swap3A_1206 = tpu.memref_slice %arg8[%scan3A_259, %swap3A_1204, %swap3A_1205] : memref<2x256x96xf32, #tpu.memory_space<vmem>> -> memref<1x256x96xf32, #tpu.memory_space<vmem>>
        %swap3A_1207 = tpu.memref_squeeze %swap3A_1206 : memref<1x256x96xf32, #tpu.memory_space<vmem>> -> memref<256x96xf32, #tpu.memory_space<vmem>>
        %swap3A_1208 = arith.index_cast %add3A_1203 : i32 to index
        %swap3A_1209 = arith.constant 16 : index
        %swap3A_1210 = tpu.vector_load %swap3A_1207[%swap3A_1208, %swap3A_1209] {strides = array<i32>} : memref<256x96xf32, #tpu.memory_space<vmem>>, vector<16xf32>,
        tpu.vector_store %swap3A_1207[%swap3A_1208, %swap3A_1209], %convert_element_type3A_212 {strides = array<i32>} : memref<256x96xf32, #tpu.memory_space<vmem>>, vector<16xf32>,
        %add3A_1211 = arith.constant 15 : i32
        %add3A_1212 = arith.addi %mul3A_383, %add3A_1211 : i32
        %swap3A_1213 = arith.constant 0 : i32
        %swap3A_1214 = arith.constant 0 : i32
        %swap3A_1215 = tpu.memref_slice %arg8[%scan3A_259, %swap3A_1213, %swap3A_1214] : memref<2x256x96xf32, #tpu.memory_space<vmem>> -> memref<1x256x96xf32, #tpu.memory_space<vmem>>
        %swap3A_1216 = tpu.memref_squeeze %swap3A_1215 : memref<1x256x96xf32, #tpu.memory_space<vmem>> -> memref<256x96xf32, #tpu.memory_space<vmem>>
        %swap3A_1217 = arith.index_cast %add3A_1212 : i32 to index
        %swap3A_1218 = arith.constant 32 : index
        %swap3A_1219 = tpu.vector_load %swap3A_1216[%swap3A_1217, %swap3A_1218] {strides = array<i32>} : memref<256x96xf32, #tpu.memory_space<vmem>>, vector<16xf32>,
        tpu.vector_store %swap3A_1216[%swap3A_1217, %swap3A_1218], %convert_element_type3A_222 {strides = array<i32>} : memref<256x96xf32, #tpu.memory_space<vmem>>, vector<16xf32>,
        %add3A_1220 = arith.constant 15 : i32
        %add3A_1221 = arith.addi %mul3A_383, %add3A_1220 : i32
        %swap3A_1222 = arith.constant 0 : i32
        %swap3A_1223 = arith.constant 0 : i32
        %swap3A_1224 = tpu.memref_slice %arg8[%scan3A_259, %swap3A_1222, %swap3A_1223] : memref<2x256x96xf32, #tpu.memory_space<vmem>> -> memref<1x256x96xf32, #tpu.memory_space<vmem>>
        %swap3A_1225 = tpu.memref_squeeze %swap3A_1224 : memref<1x256x96xf32, #tpu.memory_space<vmem>> -> memref<256x96xf32, #tpu.memory_space<vmem>>
        %swap3A_1226 = arith.index_cast %add3A_1221 : i32 to index
        %swap3A_1227 = arith.constant 48 : index
        %swap3A_1228 = tpu.vector_load %swap3A_1225[%swap3A_1226, %swap3A_1227] {strides = array<i32>} : memref<256x96xf32, #tpu.memory_space<vmem>>, vector<16xf32>,
        tpu.vector_store %swap3A_1225[%swap3A_1226, %swap3A_1227], %convert_element_type3A_232 {strides = array<i32>} : memref<256x96xf32, #tpu.memory_space<vmem>>, vector<16xf32>,
        %add3A_1229 = arith.constant 15 : i32
        %add3A_1230 = arith.addi %mul3A_383, %add3A_1229 : i32
        %swap3A_1231 = arith.constant 0 : i32
        %swap3A_1232 = arith.constant 0 : i32
        %swap3A_1233 = tpu.memref_slice %arg8[%scan3A_259, %swap3A_1231, %swap3A_1232] : memref<2x256x96xf32, #tpu.memory_space<vmem>> -> memref<1x256x96xf32, #tpu.memory_space<vmem>>
        %swap3A_1234 = tpu.memref_squeeze %swap3A_1233 : memref<1x256x96xf32, #tpu.memory_space<vmem>> -> memref<256x96xf32, #tpu.memory_space<vmem>>
        %swap3A_1235 = arith.index_cast %add3A_1230 : i32 to index
        %swap3A_1236 = arith.constant 64 : index
        %swap3A_1237 = tpu.vector_load %swap3A_1234[%swap3A_1235, %swap3A_1236] {strides = array<i32>} : memref<256x96xf32, #tpu.memory_space<vmem>>, vector<16xf32>,
        tpu.vector_store %swap3A_1234[%swap3A_1235, %swap3A_1236], %convert_element_type3A_242 {strides = array<i32>} : memref<256x96xf32, #tpu.memory_space<vmem>>, vector<16xf32>,
        %add3A_1238 = arith.constant 15 : i32
        %add3A_1239 = arith.addi %mul3A_383, %add3A_1238 : i32
        %swap3A_1240 = arith.constant 0 : i32
        %swap3A_1241 = arith.constant 0 : i32
        %swap3A_1242 = tpu.memref_slice %arg8[%scan3A_259, %swap3A_1240, %swap3A_1241] : memref<2x256x96xf32, #tpu.memory_space<vmem>> -> memref<1x256x96xf32, #tpu.memory_space<vmem>>
        %swap3A_1243 = tpu.memref_squeeze %swap3A_1242 : memref<1x256x96xf32, #tpu.memory_space<vmem>> -> memref<256x96xf32, #tpu.memory_space<vmem>>
        %swap3A_1244 = arith.index_cast %add3A_1239 : i32 to index
        %swap3A_1245 = arith.constant 80 : index
        %swap3A_1246 = tpu.vector_load %swap3A_1243[%swap3A_1244, %swap3A_1245] {strides = array<i32>} : memref<256x96xf32, #tpu.memory_space<vmem>>, vector<16xf32>,
        tpu.vector_store %swap3A_1243[%swap3A_1244, %swap3A_1245], %convert_element_type3A_252 {strides = array<i32>} : memref<256x96xf32, #tpu.memory_space<vmem>>, vector<16xf32>,
      }
      %scan3A_264 = arith.constant 16 : i32
      %dma_start3A = arith.constant 0 : i32
      %dma_start3A_265 = arith.constant 0 : i32
      %dma_start3A_266 = arith.constant 0 : i32
      %dma_start3A_267 = tpu.memref_slice %arg8[%dma_start3A, %dma_start3A_265, %dma_start3A_266] : memref<2x256x96xf32, #tpu.memory_space<vmem>> -> memref<1x256x96xf32, #tpu.memory_space<vmem>>
      %dma_start3A_268 = tpu.memref_squeeze %dma_start3A_267 : memref<1x256x96xf32, #tpu.memory_space<vmem>> -> memref<256x96xf32, #tpu.memory_space<vmem>>
      %dma_start3A_269 = arith.constant 0 : i32
      %dma_start3A_270 = arith.constant 0 : i32
      %dma_start3A_271 = tpu.memref_slice %arg4[%select_n3A, %add3A_191, %dma_start3A_269, %dma_start3A_270] : memref<4x256x256x96xf32, #tpu.memory_space<hbm>> -> memref<1x1x256x96xf32, #tpu.memory_space<hbm>>
      %dma_start3A_272 = tpu.memref_squeeze %dma_start3A_271 : memref<1x1x256x96xf32, #tpu.memory_space<hbm>> -> memref<256x96xf32, #tpu.memory_space<hbm>>
      %dma_start3A_273 = arith.constant 0 : i32
      %dma_start3A_274 = arith.constant 0 : i32
      %dma_start3A_275 = tpu.memref_slice %arg4[%select_n3A, %add3A_191, %dma_start3A_273, %dma_start3A_274] : memref<4x256x256x96xf32, #tpu.memory_space<hbm>> -> memref<1x1x256x96xf32, #tpu.memory_space<hbm>>
      %dma_start3A_276 = tpu.memref_squeeze %dma_start3A_275 : memref<1x1x256x96xf32, #tpu.memory_space<hbm>> -> memref<256x96xf32, #tpu.memory_space<hbm>>
      %dma_start3A_277 = arith.constant 0 : i32
      %dma_start3A_278 = arith.constant 0 : i32
      %dma_start3A_279 = tpu.memref_slice %arg8[%dma_start3A, %dma_start3A_277, %dma_start3A_278] : memref<2x256x96xf32, #tpu.memory_space<vmem>> -> memref<1x256x96xf32, #tpu.memory_space<vmem>>
      %dma_start3A_280 = tpu.memref_squeeze %dma_start3A_279 : memref<1x256x96xf32, #tpu.memory_space<vmem>> -> memref<256x96xf32, #tpu.memory_space<vmem>>
      tpu.enqueue_dma source(%dma_start3A_280 : memref<256x96xf32, #tpu.memory_space<vmem>>) target(%dma_start3A_276 : memref<256x96xf32, #tpu.memory_space<hbm>>) target_semaphore(%arg9 : memref<!tpu.dma_semaphore, #tpu.memory_space<semaphore_mem>>)
      %mul3A_281 = arith.constant 2 : i32
      %mul3A_282 = arith.muli %mul3A_281, %scan3A_188 : i32
      %add3A_283 = arith.constant 1 : i32
      %add3A_284 = arith.addi %mul3A_282, %add3A_283 : i32
      %add3A_285 = arith.addi %mul3A_32, %add3A_284 : i32
      %broadcast_in_dim3A_286 = vector.broadcast %add3A_285 : i32 to vector<16xi32>
      %add3A_287 = arith.addi %broadcast_in_dim3A_286, %select_n3A_58 : vector<16xi32>
      %gather3A_288 = tpu.vector_load_idx %arg5[%add3A_287] : memref<272xi32, #tpu.memory_space<vmem>>[vector<16xi32>], vector<16xi32>,
      %eq3A_289 = arith.cmpi eq, %gather3A_288, %and3A_44 : vector<16xi32>
      %eq3A_290 = arith.cmpi eq, %gather3A_288, %sub3A_47 : vector<16xi32>
      %eq3A_291 = arith.cmpi eq, %gather3A_288, %sub3A_50 : vector<16xi32>
      %or3A_292 = arith.ori %eq3A_290, %eq3A_291 : vector<16xi1>
      %select_n3A_293 = arith.select %lt3A_41, %eq3A_289, %or3A_292 : vector<16xi1>, vector<16xi1>
      %convert_element_type3A_294 = arith.extui %select_n3A_293 : vector<16xi1> to vector<16xi32>
      %convert_element_type3A_295 = arith.sitofp %convert_element_type3A_294 : vector<16xi32> to vector<16xf32>
      %ge3A_296 = arith.constant 4 : i32
      %ge3A_297 = vector.broadcast %ge3A_296 : i32 to vector<16xi32>
      %ge3A_298 = arith.cmpi sge, %iota3A, %ge3A_297 : vector<16xi32>
      %and3A_299 = arith.andi %ge3A_298, %lt3A_35 : vector<16xi1>
      %select_n3A_300 = arith.select %and3A_299, %broadcast_in_dim3A_51, %convert_element_type3A_295 : vector<16xi1>, vector<16xf32>
      %add3A_301 = arith.addi %broadcast_in_dim3A_286, %select_n3A_118 : vector<16xi32>
      %add3A_302 = arith.addi %broadcast_in_dim3A_286, %select_n3A_63 : vector<16xi32>
      %gather3A_303 = tpu.vector_load_idx %arg5[%add3A_302] : memref<272xi32, #tpu.memory_space<vmem>>[vector<16xi32>], vector<16xi32>,
      %eq3A_304 = arith.cmpi eq, %gather3A_303, %and3A_44 : vector<16xi32>
      %eq3A_305 = arith.cmpi eq, %gather3A_303, %sub3A_47 : vector<16xi32>
      %eq3A_306 = arith.cmpi eq, %gather3A_303, %sub3A_50 : vector<16xi32>
      %or3A_307 = arith.ori %eq3A_305, %eq3A_306 : vector<16xi1>
      %select_n3A_308 = arith.select %lt3A_41, %eq3A_304, %or3A_307 : vector<16xi1>, vector<16xi1>
      %convert_element_type3A_309 = arith.extui %select_n3A_308 : vector<16xi1> to vector<16xi32>
      %convert_element_type3A_310 = arith.sitofp %convert_element_type3A_309 : vector<16xi32> to vector<16xf32>
      %add3A_311 = arith.addi %broadcast_in_dim3A_286, %select_n3A_123 : vector<16xi32>
      %add3A_312 = arith.addi %broadcast_in_dim3A_286, %select_n3A_68 : vector<16xi32>
      %gather3A_313 = tpu.vector_load_idx %arg5[%add3A_312] : memref<272xi32, #tpu.memory_space<vmem>>[vector<16xi32>], vector<16xi32>,
      %eq3A_314 = arith.cmpi eq, %gather3A_313, %and3A_44 : vector<16xi32>
      %eq3A_315 = arith.cmpi eq, %gather3A_313, %sub3A_47 : vector<16xi32>
      %eq3A_316 = arith.cmpi eq, %gather3A_313, %sub3A_50 : vector<16xi32>
      %or3A_317 = arith.ori %eq3A_315, %eq3A_316 : vector<16xi1>
      %select_n3A_318 = arith.select %lt3A_41, %eq3A_314, %or3A_317 : vector<16xi1>, vector<16xi1>
      %convert_element_type3A_319 = arith.extui %select_n3A_318 : vector<16xi1> to vector<16xi32>
      %convert_element_type3A_320 = arith.sitofp %convert_element_type3A_319 : vector<16xi32> to vector<16xf32>
      %add3A_321 = arith.addi %broadcast_in_dim3A_286, %select_n3A_128 : vector<16xi32>
      %add3A_322 = arith.addi %broadcast_in_dim3A_286, %select_n3A_73 : vector<16xi32>
      %gather3A_323 = tpu.vector_load_idx %arg5[%add3A_322] : memref<272xi32, #tpu.memory_space<vmem>>[vector<16xi32>], vector<16xi32>,
      %eq3A_324 = arith.cmpi eq, %gather3A_323, %and3A_44 : vector<16xi32>
      %eq3A_325 = arith.cmpi eq, %gather3A_323, %sub3A_47 : vector<16xi32>
      %eq3A_326 = arith.cmpi eq, %gather3A_323, %sub3A_50 : vector<16xi32>
      %or3A_327 = arith.ori %eq3A_325, %eq3A_326 : vector<16xi1>
      %select_n3A_328 = arith.select %lt3A_41, %eq3A_324, %or3A_327 : vector<16xi1>, vector<16xi1>
      %convert_element_type3A_329 = arith.extui %select_n3A_328 : vector<16xi1> to vector<16xi32>
      %convert_element_type3A_330 = arith.sitofp %convert_element_type3A_329 : vector<16xi32> to vector<16xf32>
      %add3A_331 = arith.addi %broadcast_in_dim3A_286, %select_n3A_133 : vector<16xi32>
      %add3A_332 = arith.addi %broadcast_in_dim3A_286, %select_n3A_78 : vector<16xi32>
      %gather3A_333 = tpu.vector_load_idx %arg5[%add3A_332] : memref<272xi32, #tpu.memory_space<vmem>>[vector<16xi32>], vector<16xi32>,
      %eq3A_334 = arith.cmpi eq, %gather3A_333, %and3A_44 : vector<16xi32>
      %eq3A_335 = arith.cmpi eq, %gather3A_333, %sub3A_47 : vector<16xi32>
      %eq3A_336 = arith.cmpi eq, %gather3A_333, %sub3A_50 : vector<16xi32>
      %or3A_337 = arith.ori %eq3A_335, %eq3A_336 : vector<16xi1>
      %select_n3A_338 = arith.select %lt3A_41, %eq3A_334, %or3A_337 : vector<16xi1>, vector<16xi1>
      %convert_element_type3A_339 = arith.extui %select_n3A_338 : vector<16xi1> to vector<16xi32>
      %convert_element_type3A_340 = arith.sitofp %convert_element_type3A_339 : vector<16xi32> to vector<16xf32>
      %add3A_341 = arith.addi %broadcast_in_dim3A_286, %select_n3A_138 : vector<16xi32>
      %add3A_342 = arith.addi %broadcast_in_dim3A_286, %select_n3A_83 : vector<16xi32>
      %gather3A_343 = tpu.vector_load_idx %arg5[%add3A_342] : memref<272xi32, #tpu.memory_space<vmem>>[vector<16xi32>], vector<16xi32>,
      %eq3A_344 = arith.cmpi eq, %gather3A_343, %and3A_44 : vector<16xi32>
      %eq3A_345 = arith.cmpi eq, %gather3A_343, %sub3A_47 : vector<16xi32>
      %eq3A_346 = arith.cmpi eq, %gather3A_343, %sub3A_50 : vector<16xi32>
      %or3A_347 = arith.ori %eq3A_345, %eq3A_346 : vector<16xi1>
      %select_n3A_348 = arith.select %lt3A_41, %eq3A_344, %or3A_347 : vector<16xi1>, vector<16xi1>
      %convert_element_type3A_349 = arith.extui %select_n3A_348 : vector<16xi1> to vector<16xi32>
      %convert_element_type3A_350 = arith.sitofp %convert_element_type3A_349 : vector<16xi32> to vector<16xf32>
      %add3A_351 = arith.addi %broadcast_in_dim3A_286, %select_n3A_143 : vector<16xi32>
      %ge3A_352 = arith.constant 2 : i32
      %ge3A_353 = arith.cmpi sge, %add3A_284, %ge3A_352 : i32
      %convert_element_type3A_354 = arith.extui %ge3A_353 : i1 to i32
      %cond3A_355 = arith.constant 0 : i32
      %cond3A_356 = arith.cmpi ne, %convert_element_type3A_354, %cond3A_355 : i32
      scf.if %cond3A_356 {
        %dma_wait3A_381 = arith.constant 1 : i32
        %dma_wait3A_382 = arith.constant 0 : i32
        %dma_wait3A_383 = arith.constant 0 : i32
        %dma_wait3A_384 = tpu.memref_slice %arg8[%dma_wait3A_381, %dma_wait3A_382, %dma_wait3A_383] : memref<2x256x96xf32, #tpu.memory_space<vmem>> -> memref<1x256x96xf32, #tpu.memory_space<vmem>>
        %dma_wait3A_385 = tpu.memref_squeeze %dma_wait3A_384 : memref<1x256x96xf32, #tpu.memory_space<vmem>> -> memref<256x96xf32, #tpu.memory_space<vmem>>
        %dma_wait3A_386 = arith.constant 0 : i32
        %dma_wait3A_387 = arith.constant 0 : i32
        %dma_wait3A_388 = tpu.memref_slice %arg4[%select_n3A, %add3A_285, %dma_wait3A_386, %dma_wait3A_387] : memref<4x256x256x96xf32, #tpu.memory_space<hbm>> -> memref<1x1x256x96xf32, #tpu.memory_space<hbm>>
        %dma_wait3A_389 = tpu.memref_squeeze %dma_wait3A_388 : memref<1x1x256x96xf32, #tpu.memory_space<hbm>> -> memref<256x96xf32, #tpu.memory_space<hbm>>
        %dma_wait3A_390 = arith.constant 0 : i32
        %dma_wait3A_391 = arith.constant 0 : i32
        %dma_wait3A_392 = tpu.memref_slice %arg4[%select_n3A, %add3A_285, %dma_wait3A_390, %dma_wait3A_391] : memref<4x256x256x96xf32, #tpu.memory_space<hbm>> -> memref<1x1x256x96xf32, #tpu.memory_space<hbm>>
        %dma_wait3A_393 = tpu.memref_squeeze %dma_wait3A_392 : memref<1x1x256x96xf32, #tpu.memory_space<hbm>> -> memref<256x96xf32, #tpu.memory_space<hbm>>
        %dma_wait3A_394 = arith.constant 0 : i32
        %dma_wait3A_395 = arith.constant 0 : i32
        %dma_wait3A_396 = tpu.memref_slice %arg8[%dma_wait3A_381, %dma_wait3A_394, %dma_wait3A_395] : memref<2x256x96xf32, #tpu.memory_space<vmem>> -> memref<1x256x96xf32, #tpu.memory_space<vmem>>
        %dma_wait3A_397 = tpu.memref_squeeze %dma_wait3A_396 : memref<1x256x96xf32, #tpu.memory_space<vmem>> -> memref<256x96xf32, #tpu.memory_space<vmem>>
        tpu.wait_dma2 semaphore(%arg10 : memref<!tpu.dma_semaphore, #tpu.memory_space<semaphore_mem>>) src(%dma_wait3A_397 : memref<256x96xf32, #tpu.memory_space<vmem>>) dst(%dma_wait3A_393 : memref<256x96xf32, #tpu.memory_space<hbm>>)
      } else {
      }
      %scan3A_357 = arith.constant 0 : i32
      %scan3A_358 = arith.constant 1 : i32
      %scan3A_359 = arith.constant 0 : i32
      %scan3A_360 = arith.constant 16 : i32
      %scan3A_361 = arith.addi %scan3A_359, %scan3A_360 : i32
      %scan3A_362 = arith.constant 1 : i32
      scf.for %scan3A_381 = %scan3A_359 to %scan3A_361 step %scan3A_362  : i32 {
        %mul3A_382 = arith.constant 16 : i32
        %mul3A_383 = arith.muli %scan3A_381, %mul3A_382 : i32
        %add3A_384 = arith.constant 0 : i32
        %add3A_385 = arith.addi %mul3A_383, %add3A_384 : i32
        %swap3A = arith.constant 0 : i32
        %swap3A_386 = arith.constant 0 : i32
        %swap3A_387 = tpu.memref_slice %arg8[%scan3A_358, %swap3A, %swap3A_386] : memref<2x256x96xf32, #tpu.memory_space<vmem>> -> memref<1x256x96xf32, #tpu.memory_space<vmem>>
        %swap3A_388 = tpu.memref_squeeze %swap3A_387 : memref<1x256x96xf32, #tpu.memory_space<vmem>> -> memref<256x96xf32, #tpu.memory_space<vmem>>
        %swap3A_389 = arith.index_cast %add3A_385 : i32 to index
        %swap3A_390 = arith.constant 0 : index
        %swap3A_391 = tpu.vector_load %swap3A_388[%swap3A_389, %swap3A_390] {strides = array<i32>} : memref<256x96xf32, #tpu.memory_space<vmem>>, vector<16xf32>,
        tpu.vector_store %swap3A_388[%swap3A_389, %swap3A_390], %select_n3A_300 {strides = array<i32>} : memref<256x96xf32, #tpu.memory_space<vmem>>, vector<16xf32>,
        %add3A_392 = arith.constant 0 : i32
        %add3A_393 = arith.addi %mul3A_383, %add3A_392 : i32
        %swap3A_394 = arith.constant 0 : i32
        %swap3A_395 = arith.constant 0 : i32
        %swap3A_396 = tpu.memref_slice %arg8[%scan3A_358, %swap3A_394, %swap3A_395] : memref<2x256x96xf32, #tpu.memory_space<vmem>> -> memref<1x256x96xf32, #tpu.memory_space<vmem>>
        %swap3A_397 = tpu.memref_squeeze %swap3A_396 : memref<1x256x96xf32, #tpu.memory_space<vmem>> -> memref<256x96xf32, #tpu.memory_space<vmem>>
        %swap3A_398 = arith.index_cast %add3A_393 : i32 to index
        %swap3A_399 = arith.constant 16 : index
        %swap3A_400 = tpu.vector_load %swap3A_397[%swap3A_398, %swap3A_399] {strides = array<i32>} : memref<256x96xf32, #tpu.memory_space<vmem>>, vector<16xf32>,
        tpu.vector_store %swap3A_397[%swap3A_398, %swap3A_399], %convert_element_type3A_310 {strides = array<i32>} : memref<256x96xf32, #tpu.memory_space<vmem>>, vector<16xf32>,
        %add3A_401 = arith.constant 0 : i32
        %add3A_402 = arith.addi %mul3A_383, %add3A_401 : i32
        %swap3A_403 = arith.constant 0 : i32
        %swap3A_404 = arith.constant 0 : i32
        %swap3A_405 = tpu.memref_slice %arg8[%scan3A_358, %swap3A_403, %swap3A_404] : memref<2x256x96xf32, #tpu.memory_space<vmem>> -> memref<1x256x96xf32, #tpu.memory_space<vmem>>
        %swap3A_406 = tpu.memref_squeeze %swap3A_405 : memref<1x256x96xf32, #tpu.memory_space<vmem>> -> memref<256x96xf32, #tpu.memory_space<vmem>>
        %swap3A_407 = arith.index_cast %add3A_402 : i32 to index
        %swap3A_408 = arith.constant 32 : index
        %swap3A_409 = tpu.vector_load %swap3A_406[%swap3A_407, %swap3A_408] {strides = array<i32>} : memref<256x96xf32, #tpu.memory_space<vmem>>, vector<16xf32>,
        tpu.vector_store %swap3A_406[%swap3A_407, %swap3A_408], %convert_element_type3A_320 {strides = array<i32>} : memref<256x96xf32, #tpu.memory_space<vmem>>, vector<16xf32>,
        %add3A_410 = arith.constant 0 : i32
        %add3A_411 = arith.addi %mul3A_383, %add3A_410 : i32
        %swap3A_412 = arith.constant 0 : i32
        %swap3A_413 = arith.constant 0 : i32
        %swap3A_414 = tpu.memref_slice %arg8[%scan3A_358, %swap3A_412, %swap3A_413] : memref<2x256x96xf32, #tpu.memory_space<vmem>> -> memref<1x256x96xf32, #tpu.memory_space<vmem>>
        %swap3A_415 = tpu.memref_squeeze %swap3A_414 : memref<1x256x96xf32, #tpu.memory_space<vmem>> -> memref<256x96xf32, #tpu.memory_space<vmem>>
        %swap3A_416 = arith.index_cast %add3A_411 : i32 to index
        %swap3A_417 = arith.constant 48 : index
        %swap3A_418 = tpu.vector_load %swap3A_415[%swap3A_416, %swap3A_417] {strides = array<i32>} : memref<256x96xf32, #tpu.memory_space<vmem>>, vector<16xf32>,
        tpu.vector_store %swap3A_415[%swap3A_416, %swap3A_417], %convert_element_type3A_330 {strides = array<i32>} : memref<256x96xf32, #tpu.memory_space<vmem>>, vector<16xf32>,
        %add3A_419 = arith.constant 0 : i32
        %add3A_420 = arith.addi %mul3A_383, %add3A_419 : i32
        %swap3A_421 = arith.constant 0 : i32
        %swap3A_422 = arith.constant 0 : i32
        %swap3A_423 = tpu.memref_slice %arg8[%scan3A_358, %swap3A_421, %swap3A_422] : memref<2x256x96xf32, #tpu.memory_space<vmem>> -> memref<1x256x96xf32, #tpu.memory_space<vmem>>
        %swap3A_424 = tpu.memref_squeeze %swap3A_423 : memref<1x256x96xf32, #tpu.memory_space<vmem>> -> memref<256x96xf32, #tpu.memory_space<vmem>>
        %swap3A_425 = arith.index_cast %add3A_420 : i32 to index
        %swap3A_426 = arith.constant 64 : index
        %swap3A_427 = tpu.vector_load %swap3A_424[%swap3A_425, %swap3A_426] {strides = array<i32>} : memref<256x96xf32, #tpu.memory_space<vmem>>, vector<16xf32>,
        tpu.vector_store %swap3A_424[%swap3A_425, %swap3A_426], %convert_element_type3A_340 {strides = array<i32>} : memref<256x96xf32, #tpu.memory_space<vmem>>, vector<16xf32>,
        %add3A_428 = arith.constant 0 : i32
        %add3A_429 = arith.addi %mul3A_383, %add3A_428 : i32
        %swap3A_430 = arith.constant 0 : i32
        %swap3A_431 = arith.constant 0 : i32
        %swap3A_432 = tpu.memref_slice %arg8[%scan3A_358, %swap3A_430, %swap3A_431] : memref<2x256x96xf32, #tpu.memory_space<vmem>> -> memref<1x256x96xf32, #tpu.memory_space<vmem>>
        %swap3A_433 = tpu.memref_squeeze %swap3A_432 : memref<1x256x96xf32, #tpu.memory_space<vmem>> -> memref<256x96xf32, #tpu.memory_space<vmem>>
        %swap3A_434 = arith.index_cast %add3A_429 : i32 to index
        %swap3A_435 = arith.constant 80 : index
        %swap3A_436 = tpu.vector_load %swap3A_433[%swap3A_434, %swap3A_435] {strides = array<i32>} : memref<256x96xf32, #tpu.memory_space<vmem>>, vector<16xf32>,
        tpu.vector_store %swap3A_433[%swap3A_434, %swap3A_435], %convert_element_type3A_350 {strides = array<i32>} : memref<256x96xf32, #tpu.memory_space<vmem>>, vector<16xf32>,
        %add3A_437 = arith.constant 1 : i32
        %add3A_438 = arith.addi %mul3A_383, %add3A_437 : i32
        %swap3A_439 = arith.constant 0 : i32
        %swap3A_440 = arith.constant 0 : i32
        %swap3A_441 = tpu.memref_slice %arg8[%scan3A_358, %swap3A_439, %swap3A_440] : memref<2x256x96xf32, #tpu.memory_space<vmem>> -> memref<1x256x96xf32, #tpu.memory_space<vmem>>
        %swap3A_442 = tpu.memref_squeeze %swap3A_441 : memref<1x256x96xf32, #tpu.memory_space<vmem>> -> memref<256x96xf32, #tpu.memory_space<vmem>>
        %swap3A_443 = arith.index_cast %add3A_438 : i32 to index
        %swap3A_444 = arith.constant 0 : index
        %swap3A_445 = tpu.vector_load %swap3A_442[%swap3A_443, %swap3A_444] {strides = array<i32>} : memref<256x96xf32, #tpu.memory_space<vmem>>, vector<16xf32>,
        tpu.vector_store %swap3A_442[%swap3A_443, %swap3A_444], %select_n3A_300 {strides = array<i32>} : memref<256x96xf32, #tpu.memory_space<vmem>>, vector<16xf32>,
        %add3A_446 = arith.constant 1 : i32
        %add3A_447 = arith.addi %mul3A_383, %add3A_446 : i32
        %swap3A_448 = arith.constant 0 : i32
        %swap3A_449 = arith.constant 0 : i32
        %swap3A_450 = tpu.memref_slice %arg8[%scan3A_358, %swap3A_448, %swap3A_449] : memref<2x256x96xf32, #tpu.memory_space<vmem>> -> memref<1x256x96xf32, #tpu.memory_space<vmem>>
        %swap3A_451 = tpu.memref_squeeze %swap3A_450 : memref<1x256x96xf32, #tpu.memory_space<vmem>> -> memref<256x96xf32, #tpu.memory_space<vmem>>
        %swap3A_452 = arith.index_cast %add3A_447 : i32 to index
        %swap3A_453 = arith.constant 16 : index
        %swap3A_454 = tpu.vector_load %swap3A_451[%swap3A_452, %swap3A_453] {strides = array<i32>} : memref<256x96xf32, #tpu.memory_space<vmem>>, vector<16xf32>,
        tpu.vector_store %swap3A_451[%swap3A_452, %swap3A_453], %convert_element_type3A_310 {strides = array<i32>} : memref<256x96xf32, #tpu.memory_space<vmem>>, vector<16xf32>,
        %add3A_455 = arith.constant 1 : i32
        %add3A_456 = arith.addi %mul3A_383, %add3A_455 : i32
        %swap3A_457 = arith.constant 0 : i32
        %swap3A_458 = arith.constant 0 : i32
        %swap3A_459 = tpu.memref_slice %arg8[%scan3A_358, %swap3A_457, %swap3A_458] : memref<2x256x96xf32, #tpu.memory_space<vmem>> -> memref<1x256x96xf32, #tpu.memory_space<vmem>>
        %swap3A_460 = tpu.memref_squeeze %swap3A_459 : memref<1x256x96xf32, #tpu.memory_space<vmem>> -> memref<256x96xf32, #tpu.memory_space<vmem>>
        %swap3A_461 = arith.index_cast %add3A_456 : i32 to index
        %swap3A_462 = arith.constant 32 : index
        %swap3A_463 = tpu.vector_load %swap3A_460[%swap3A_461, %swap3A_462] {strides = array<i32>} : memref<256x96xf32, #tpu.memory_space<vmem>>, vector<16xf32>,
        tpu.vector_store %swap3A_460[%swap3A_461, %swap3A_462], %convert_element_type3A_320 {strides = array<i32>} : memref<256x96xf32, #tpu.memory_space<vmem>>, vector<16xf32>,
        %add3A_464 = arith.constant 1 : i32
        %add3A_465 = arith.addi %mul3A_383, %add3A_464 : i32
        %swap3A_466 = arith.constant 0 : i32
        %swap3A_467 = arith.constant 0 : i32
        %swap3A_468 = tpu.memref_slice %arg8[%scan3A_358, %swap3A_466, %swap3A_467] : memref<2x256x96xf32, #tpu.memory_space<vmem>> -> memref<1x256x96xf32, #tpu.memory_space<vmem>>
        %swap3A_469 = tpu.memref_squeeze %swap3A_468 : memref<1x256x96xf32, #tpu.memory_space<vmem>> -> memref<256x96xf32, #tpu.memory_space<vmem>>
        %swap3A_470 = arith.index_cast %add3A_465 : i32 to index
        %swap3A_471 = arith.constant 48 : index
        %swap3A_472 = tpu.vector_load %swap3A_469[%swap3A_470, %swap3A_471] {strides = array<i32>} : memref<256x96xf32, #tpu.memory_space<vmem>>, vector<16xf32>,
        tpu.vector_store %swap3A_469[%swap3A_470, %swap3A_471], %convert_element_type3A_330 {strides = array<i32>} : memref<256x96xf32, #tpu.memory_space<vmem>>, vector<16xf32>,
        %add3A_473 = arith.constant 1 : i32
        %add3A_474 = arith.addi %mul3A_383, %add3A_473 : i32
        %swap3A_475 = arith.constant 0 : i32
        %swap3A_476 = arith.constant 0 : i32
        %swap3A_477 = tpu.memref_slice %arg8[%scan3A_358, %swap3A_475, %swap3A_476] : memref<2x256x96xf32, #tpu.memory_space<vmem>> -> memref<1x256x96xf32, #tpu.memory_space<vmem>>
        %swap3A_478 = tpu.memref_squeeze %swap3A_477 : memref<1x256x96xf32, #tpu.memory_space<vmem>> -> memref<256x96xf32, #tpu.memory_space<vmem>>
        %swap3A_479 = arith.index_cast %add3A_474 : i32 to index
        %swap3A_480 = arith.constant 64 : index
        %swap3A_481 = tpu.vector_load %swap3A_478[%swap3A_479, %swap3A_480] {strides = array<i32>} : memref<256x96xf32, #tpu.memory_space<vmem>>, vector<16xf32>,
        tpu.vector_store %swap3A_478[%swap3A_479, %swap3A_480], %convert_element_type3A_340 {strides = array<i32>} : memref<256x96xf32, #tpu.memory_space<vmem>>, vector<16xf32>,
        %add3A_482 = arith.constant 1 : i32
        %add3A_483 = arith.addi %mul3A_383, %add3A_482 : i32
        %swap3A_484 = arith.constant 0 : i32
        %swap3A_485 = arith.constant 0 : i32
        %swap3A_486 = tpu.memref_slice %arg8[%scan3A_358, %swap3A_484, %swap3A_485] : memref<2x256x96xf32, #tpu.memory_space<vmem>> -> memref<1x256x96xf32, #tpu.memory_space<vmem>>
        %swap3A_487 = tpu.memref_squeeze %swap3A_486 : memref<1x256x96xf32, #tpu.memory_space<vmem>> -> memref<256x96xf32, #tpu.memory_space<vmem>>
        %swap3A_488 = arith.index_cast %add3A_483 : i32 to index
        %swap3A_489 = arith.constant 80 : index
        %swap3A_490 = tpu.vector_load %swap3A_487[%swap3A_488, %swap3A_489] {strides = array<i32>} : memref<256x96xf32, #tpu.memory_space<vmem>>, vector<16xf32>,
        tpu.vector_store %swap3A_487[%swap3A_488, %swap3A_489], %convert_element_type3A_350 {strides = array<i32>} : memref<256x96xf32, #tpu.memory_space<vmem>>, vector<16xf32>,
        %add3A_491 = arith.constant 2 : i32
        %add3A_492 = arith.addi %mul3A_383, %add3A_491 : i32
        %swap3A_493 = arith.constant 0 : i32
        %swap3A_494 = arith.constant 0 : i32
        %swap3A_495 = tpu.memref_slice %arg8[%scan3A_358, %swap3A_493, %swap3A_494] : memref<2x256x96xf32, #tpu.memory_space<vmem>> -> memref<1x256x96xf32, #tpu.memory_space<vmem>>
        %swap3A_496 = tpu.memref_squeeze %swap3A_495 : memref<1x256x96xf32, #tpu.memory_space<vmem>> -> memref<256x96xf32, #tpu.memory_space<vmem>>
        %swap3A_497 = arith.index_cast %add3A_492 : i32 to index
        %swap3A_498 = arith.constant 0 : index
        %swap3A_499 = tpu.vector_load %swap3A_496[%swap3A_497, %swap3A_498] {strides = array<i32>} : memref<256x96xf32, #tpu.memory_space<vmem>>, vector<16xf32>,
        tpu.vector_store %swap3A_496[%swap3A_497, %swap3A_498], %select_n3A_300 {strides = array<i32>} : memref<256x96xf32, #tpu.memory_space<vmem>>, vector<16xf32>,
        %add3A_500 = arith.constant 2 : i32
        %add3A_501 = arith.addi %mul3A_383, %add3A_500 : i32
        %swap3A_502 = arith.constant 0 : i32
        %swap3A_503 = arith.constant 0 : i32
        %swap3A_504 = tpu.memref_slice %arg8[%scan3A_358, %swap3A_502, %swap3A_503] : memref<2x256x96xf32, #tpu.memory_space<vmem>> -> memref<1x256x96xf32, #tpu.memory_space<vmem>>
        %swap3A_505 = tpu.memref_squeeze %swap3A_504 : memref<1x256x96xf32, #tpu.memory_space<vmem>> -> memref<256x96xf32, #tpu.memory_space<vmem>>
        %swap3A_506 = arith.index_cast %add3A_501 : i32 to index
        %swap3A_507 = arith.constant 16 : index
        %swap3A_508 = tpu.vector_load %swap3A_505[%swap3A_506, %swap3A_507] {strides = array<i32>} : memref<256x96xf32, #tpu.memory_space<vmem>>, vector<16xf32>,
        tpu.vector_store %swap3A_505[%swap3A_506, %swap3A_507], %convert_element_type3A_310 {strides = array<i32>} : memref<256x96xf32, #tpu.memory_space<vmem>>, vector<16xf32>,
        %add3A_509 = arith.constant 2 : i32
        %add3A_510 = arith.addi %mul3A_383, %add3A_509 : i32
        %swap3A_511 = arith.constant 0 : i32
        %swap3A_512 = arith.constant 0 : i32
        %swap3A_513 = tpu.memref_slice %arg8[%scan3A_358, %swap3A_511, %swap3A_512] : memref<2x256x96xf32, #tpu.memory_space<vmem>> -> memref<1x256x96xf32, #tpu.memory_space<vmem>>
        %swap3A_514 = tpu.memref_squeeze %swap3A_513 : memref<1x256x96xf32, #tpu.memory_space<vmem>> -> memref<256x96xf32, #tpu.memory_space<vmem>>
        %swap3A_515 = arith.index_cast %add3A_510 : i32 to index
        %swap3A_516 = arith.constant 32 : index
        %swap3A_517 = tpu.vector_load %swap3A_514[%swap3A_515, %swap3A_516] {strides = array<i32>} : memref<256x96xf32, #tpu.memory_space<vmem>>, vector<16xf32>,
        tpu.vector_store %swap3A_514[%swap3A_515, %swap3A_516], %convert_element_type3A_320 {strides = array<i32>} : memref<256x96xf32, #tpu.memory_space<vmem>>, vector<16xf32>,
        %add3A_518 = arith.constant 2 : i32
        %add3A_519 = arith.addi %mul3A_383, %add3A_518 : i32
        %swap3A_520 = arith.constant 0 : i32
        %swap3A_521 = arith.constant 0 : i32
        %swap3A_522 = tpu.memref_slice %arg8[%scan3A_358, %swap3A_520, %swap3A_521] : memref<2x256x96xf32, #tpu.memory_space<vmem>> -> memref<1x256x96xf32, #tpu.memory_space<vmem>>
        %swap3A_523 = tpu.memref_squeeze %swap3A_522 : memref<1x256x96xf32, #tpu.memory_space<vmem>> -> memref<256x96xf32, #tpu.memory_space<vmem>>
        %swap3A_524 = arith.index_cast %add3A_519 : i32 to index
        %swap3A_525 = arith.constant 48 : index
        %swap3A_526 = tpu.vector_load %swap3A_523[%swap3A_524, %swap3A_525] {strides = array<i32>} : memref<256x96xf32, #tpu.memory_space<vmem>>, vector<16xf32>,
        tpu.vector_store %swap3A_523[%swap3A_524, %swap3A_525], %convert_element_type3A_330 {strides = array<i32>} : memref<256x96xf32, #tpu.memory_space<vmem>>, vector<16xf32>,
        %add3A_527 = arith.constant 2 : i32
        %add3A_528 = arith.addi %mul3A_383, %add3A_527 : i32
        %swap3A_529 = arith.constant 0 : i32
        %swap3A_530 = arith.constant 0 : i32
        %swap3A_531 = tpu.memref_slice %arg8[%scan3A_358, %swap3A_529, %swap3A_530] : memref<2x256x96xf32, #tpu.memory_space<vmem>> -> memref<1x256x96xf32, #tpu.memory_space<vmem>>
        %swap3A_532 = tpu.memref_squeeze %swap3A_531 : memref<1x256x96xf32, #tpu.memory_space<vmem>> -> memref<256x96xf32, #tpu.memory_space<vmem>>
        %swap3A_533 = arith.index_cast %add3A_528 : i32 to index
        %swap3A_534 = arith.constant 64 : index
        %swap3A_535 = tpu.vector_load %swap3A_532[%swap3A_533, %swap3A_534] {strides = array<i32>} : memref<256x96xf32, #tpu.memory_space<vmem>>, vector<16xf32>,
        tpu.vector_store %swap3A_532[%swap3A_533, %swap3A_534], %convert_element_type3A_340 {strides = array<i32>} : memref<256x96xf32, #tpu.memory_space<vmem>>, vector<16xf32>,
        %add3A_536 = arith.constant 2 : i32
        %add3A_537 = arith.addi %mul3A_383, %add3A_536 : i32
        %swap3A_538 = arith.constant 0 : i32
        %swap3A_539 = arith.constant 0 : i32
        %swap3A_540 = tpu.memref_slice %arg8[%scan3A_358, %swap3A_538, %swap3A_539] : memref<2x256x96xf32, #tpu.memory_space<vmem>> -> memref<1x256x96xf32, #tpu.memory_space<vmem>>
        %swap3A_541 = tpu.memref_squeeze %swap3A_540 : memref<1x256x96xf32, #tpu.memory_space<vmem>> -> memref<256x96xf32, #tpu.memory_space<vmem>>
        %swap3A_542 = arith.index_cast %add3A_537 : i32 to index
        %swap3A_543 = arith.constant 80 : index
        %swap3A_544 = tpu.vector_load %swap3A_541[%swap3A_542, %swap3A_543] {strides = array<i32>} : memref<256x96xf32, #tpu.memory_space<vmem>>, vector<16xf32>,
        tpu.vector_store %swap3A_541[%swap3A_542, %swap3A_543], %convert_element_type3A_350 {strides = array<i32>} : memref<256x96xf32, #tpu.memory_space<vmem>>, vector<16xf32>,
        %add3A_545 = arith.constant 3 : i32
        %add3A_546 = arith.addi %mul3A_383, %add3A_545 : i32
        %swap3A_547 = arith.constant 0 : i32
        %swap3A_548 = arith.constant 0 : i32
        %swap3A_549 = tpu.memref_slice %arg8[%scan3A_358, %swap3A_547, %swap3A_548] : memref<2x256x96xf32, #tpu.memory_space<vmem>> -> memref<1x256x96xf32, #tpu.memory_space<vmem>>
        %swap3A_550 = tpu.memref_squeeze %swap3A_549 : memref<1x256x96xf32, #tpu.memory_space<vmem>> -> memref<256x96xf32, #tpu.memory_space<vmem>>
        %swap3A_551 = arith.index_cast %add3A_546 : i32 to index
        %swap3A_552 = arith.constant 0 : index
        %swap3A_553 = tpu.vector_load %swap3A_550[%swap3A_551, %swap3A_552] {strides = array<i32>} : memref<256x96xf32, #tpu.memory_space<vmem>>, vector<16xf32>,
        tpu.vector_store %swap3A_550[%swap3A_551, %swap3A_552], %select_n3A_300 {strides = array<i32>} : memref<256x96xf32, #tpu.memory_space<vmem>>, vector<16xf32>,
        %add3A_554 = arith.constant 3 : i32
        %add3A_555 = arith.addi %mul3A_383, %add3A_554 : i32
        %swap3A_556 = arith.constant 0 : i32
        %swap3A_557 = arith.constant 0 : i32
        %swap3A_558 = tpu.memref_slice %arg8[%scan3A_358, %swap3A_556, %swap3A_557] : memref<2x256x96xf32, #tpu.memory_space<vmem>> -> memref<1x256x96xf32, #tpu.memory_space<vmem>>
        %swap3A_559 = tpu.memref_squeeze %swap3A_558 : memref<1x256x96xf32, #tpu.memory_space<vmem>> -> memref<256x96xf32, #tpu.memory_space<vmem>>
        %swap3A_560 = arith.index_cast %add3A_555 : i32 to index
        %swap3A_561 = arith.constant 16 : index
        %swap3A_562 = tpu.vector_load %swap3A_559[%swap3A_560, %swap3A_561] {strides = array<i32>} : memref<256x96xf32, #tpu.memory_space<vmem>>, vector<16xf32>,
        tpu.vector_store %swap3A_559[%swap3A_560, %swap3A_561], %convert_element_type3A_310 {strides = array<i32>} : memref<256x96xf32, #tpu.memory_space<vmem>>, vector<16xf32>,
        %add3A_563 = arith.constant 3 : i32
        %add3A_564 = arith.addi %mul3A_383, %add3A_563 : i32
        %swap3A_565 = arith.constant 0 : i32
        %swap3A_566 = arith.constant 0 : i32
        %swap3A_567 = tpu.memref_slice %arg8[%scan3A_358, %swap3A_565, %swap3A_566] : memref<2x256x96xf32, #tpu.memory_space<vmem>> -> memref<1x256x96xf32, #tpu.memory_space<vmem>>
        %swap3A_568 = tpu.memref_squeeze %swap3A_567 : memref<1x256x96xf32, #tpu.memory_space<vmem>> -> memref<256x96xf32, #tpu.memory_space<vmem>>
        %swap3A_569 = arith.index_cast %add3A_564 : i32 to index
        %swap3A_570 = arith.constant 32 : index
        %swap3A_571 = tpu.vector_load %swap3A_568[%swap3A_569, %swap3A_570] {strides = array<i32>} : memref<256x96xf32, #tpu.memory_space<vmem>>, vector<16xf32>,
        tpu.vector_store %swap3A_568[%swap3A_569, %swap3A_570], %convert_element_type3A_320 {strides = array<i32>} : memref<256x96xf32, #tpu.memory_space<vmem>>, vector<16xf32>,
        %add3A_572 = arith.constant 3 : i32
        %add3A_573 = arith.addi %mul3A_383, %add3A_572 : i32
        %swap3A_574 = arith.constant 0 : i32
        %swap3A_575 = arith.constant 0 : i32
        %swap3A_576 = tpu.memref_slice %arg8[%scan3A_358, %swap3A_574, %swap3A_575] : memref<2x256x96xf32, #tpu.memory_space<vmem>> -> memref<1x256x96xf32, #tpu.memory_space<vmem>>
        %swap3A_577 = tpu.memref_squeeze %swap3A_576 : memref<1x256x96xf32, #tpu.memory_space<vmem>> -> memref<256x96xf32, #tpu.memory_space<vmem>>
        %swap3A_578 = arith.index_cast %add3A_573 : i32 to index
        %swap3A_579 = arith.constant 48 : index
        %swap3A_580 = tpu.vector_load %swap3A_577[%swap3A_578, %swap3A_579] {strides = array<i32>} : memref<256x96xf32, #tpu.memory_space<vmem>>, vector<16xf32>,
        tpu.vector_store %swap3A_577[%swap3A_578, %swap3A_579], %convert_element_type3A_330 {strides = array<i32>} : memref<256x96xf32, #tpu.memory_space<vmem>>, vector<16xf32>,
        %add3A_581 = arith.constant 3 : i32
        %add3A_582 = arith.addi %mul3A_383, %add3A_581 : i32
        %swap3A_583 = arith.constant 0 : i32
        %swap3A_584 = arith.constant 0 : i32
        %swap3A_585 = tpu.memref_slice %arg8[%scan3A_358, %swap3A_583, %swap3A_584] : memref<2x256x96xf32, #tpu.memory_space<vmem>> -> memref<1x256x96xf32, #tpu.memory_space<vmem>>
        %swap3A_586 = tpu.memref_squeeze %swap3A_585 : memref<1x256x96xf32, #tpu.memory_space<vmem>> -> memref<256x96xf32, #tpu.memory_space<vmem>>
        %swap3A_587 = arith.index_cast %add3A_582 : i32 to index
        %swap3A_588 = arith.constant 64 : index
        %swap3A_589 = tpu.vector_load %swap3A_586[%swap3A_587, %swap3A_588] {strides = array<i32>} : memref<256x96xf32, #tpu.memory_space<vmem>>, vector<16xf32>,
        tpu.vector_store %swap3A_586[%swap3A_587, %swap3A_588], %convert_element_type3A_340 {strides = array<i32>} : memref<256x96xf32, #tpu.memory_space<vmem>>, vector<16xf32>,
        %add3A_590 = arith.constant 3 : i32
        %add3A_591 = arith.addi %mul3A_383, %add3A_590 : i32
        %swap3A_592 = arith.constant 0 : i32
        %swap3A_593 = arith.constant 0 : i32
        %swap3A_594 = tpu.memref_slice %arg8[%scan3A_358, %swap3A_592, %swap3A_593] : memref<2x256x96xf32, #tpu.memory_space<vmem>> -> memref<1x256x96xf32, #tpu.memory_space<vmem>>
        %swap3A_595 = tpu.memref_squeeze %swap3A_594 : memref<1x256x96xf32, #tpu.memory_space<vmem>> -> memref<256x96xf32, #tpu.memory_space<vmem>>
        %swap3A_596 = arith.index_cast %add3A_591 : i32 to index
        %swap3A_597 = arith.constant 80 : index
        %swap3A_598 = tpu.vector_load %swap3A_595[%swap3A_596, %swap3A_597] {strides = array<i32>} : memref<256x96xf32, #tpu.memory_space<vmem>>, vector<16xf32>,
        tpu.vector_store %swap3A_595[%swap3A_596, %swap3A_597], %convert_element_type3A_350 {strides = array<i32>} : memref<256x96xf32, #tpu.memory_space<vmem>>, vector<16xf32>,
        %add3A_599 = arith.constant 4 : i32
        %add3A_600 = arith.addi %mul3A_383, %add3A_599 : i32
        %swap3A_601 = arith.constant 0 : i32
        %swap3A_602 = arith.constant 0 : i32
        %swap3A_603 = tpu.memref_slice %arg8[%scan3A_358, %swap3A_601, %swap3A_602] : memref<2x256x96xf32, #tpu.memory_space<vmem>> -> memref<1x256x96xf32, #tpu.memory_space<vmem>>
        %swap3A_604 = tpu.memref_squeeze %swap3A_603 : memref<1x256x96xf32, #tpu.memory_space<vmem>> -> memref<256x96xf32, #tpu.memory_space<vmem>>
        %swap3A_605 = arith.index_cast %add3A_600 : i32 to index
        %swap3A_606 = arith.constant 0 : index
        %swap3A_607 = tpu.vector_load %swap3A_604[%swap3A_605, %swap3A_606] {strides = array<i32>} : memref<256x96xf32, #tpu.memory_space<vmem>>, vector<16xf32>,
        tpu.vector_store %swap3A_604[%swap3A_605, %swap3A_606], %select_n3A_300 {strides = array<i32>} : memref<256x96xf32, #tpu.memory_space<vmem>>, vector<16xf32>,
        %add3A_608 = arith.constant 4 : i32
        %add3A_609 = arith.addi %mul3A_383, %add3A_608 : i32
        %swap3A_610 = arith.constant 0 : i32
        %swap3A_611 = arith.constant 0 : i32
        %swap3A_612 = tpu.memref_slice %arg8[%scan3A_358, %swap3A_610, %swap3A_611] : memref<2x256x96xf32, #tpu.memory_space<vmem>> -> memref<1x256x96xf32, #tpu.memory_space<vmem>>
        %swap3A_613 = tpu.memref_squeeze %swap3A_612 : memref<1x256x96xf32, #tpu.memory_space<vmem>> -> memref<256x96xf32, #tpu.memory_space<vmem>>
        %swap3A_614 = arith.index_cast %add3A_609 : i32 to index
        %swap3A_615 = arith.constant 16 : index
        %swap3A_616 = tpu.vector_load %swap3A_613[%swap3A_614, %swap3A_615] {strides = array<i32>} : memref<256x96xf32, #tpu.memory_space<vmem>>, vector<16xf32>,
        tpu.vector_store %swap3A_613[%swap3A_614, %swap3A_615], %convert_element_type3A_310 {strides = array<i32>} : memref<256x96xf32, #tpu.memory_space<vmem>>, vector<16xf32>,
        %add3A_617 = arith.constant 4 : i32
        %add3A_618 = arith.addi %mul3A_383, %add3A_617 : i32
        %swap3A_619 = arith.constant 0 : i32
        %swap3A_620 = arith.constant 0 : i32
        %swap3A_621 = tpu.memref_slice %arg8[%scan3A_358, %swap3A_619, %swap3A_620] : memref<2x256x96xf32, #tpu.memory_space<vmem>> -> memref<1x256x96xf32, #tpu.memory_space<vmem>>
        %swap3A_622 = tpu.memref_squeeze %swap3A_621 : memref<1x256x96xf32, #tpu.memory_space<vmem>> -> memref<256x96xf32, #tpu.memory_space<vmem>>
        %swap3A_623 = arith.index_cast %add3A_618 : i32 to index
        %swap3A_624 = arith.constant 32 : index
        %swap3A_625 = tpu.vector_load %swap3A_622[%swap3A_623, %swap3A_624] {strides = array<i32>} : memref<256x96xf32, #tpu.memory_space<vmem>>, vector<16xf32>,
        tpu.vector_store %swap3A_622[%swap3A_623, %swap3A_624], %convert_element_type3A_320 {strides = array<i32>} : memref<256x96xf32, #tpu.memory_space<vmem>>, vector<16xf32>,
        %add3A_626 = arith.constant 4 : i32
        %add3A_627 = arith.addi %mul3A_383, %add3A_626 : i32
        %swap3A_628 = arith.constant 0 : i32
        %swap3A_629 = arith.constant 0 : i32
        %swap3A_630 = tpu.memref_slice %arg8[%scan3A_358, %swap3A_628, %swap3A_629] : memref<2x256x96xf32, #tpu.memory_space<vmem>> -> memref<1x256x96xf32, #tpu.memory_space<vmem>>
        %swap3A_631 = tpu.memref_squeeze %swap3A_630 : memref<1x256x96xf32, #tpu.memory_space<vmem>> -> memref<256x96xf32, #tpu.memory_space<vmem>>
        %swap3A_632 = arith.index_cast %add3A_627 : i32 to index
        %swap3A_633 = arith.constant 48 : index
        %swap3A_634 = tpu.vector_load %swap3A_631[%swap3A_632, %swap3A_633] {strides = array<i32>} : memref<256x96xf32, #tpu.memory_space<vmem>>, vector<16xf32>,
        tpu.vector_store %swap3A_631[%swap3A_632, %swap3A_633], %convert_element_type3A_330 {strides = array<i32>} : memref<256x96xf32, #tpu.memory_space<vmem>>, vector<16xf32>,
        %add3A_635 = arith.constant 4 : i32
        %add3A_636 = arith.addi %mul3A_383, %add3A_635 : i32
        %swap3A_637 = arith.constant 0 : i32
        %swap3A_638 = arith.constant 0 : i32
        %swap3A_639 = tpu.memref_slice %arg8[%scan3A_358, %swap3A_637, %swap3A_638] : memref<2x256x96xf32, #tpu.memory_space<vmem>> -> memref<1x256x96xf32, #tpu.memory_space<vmem>>
        %swap3A_640 = tpu.memref_squeeze %swap3A_639 : memref<1x256x96xf32, #tpu.memory_space<vmem>> -> memref<256x96xf32, #tpu.memory_space<vmem>>
        %swap3A_641 = arith.index_cast %add3A_636 : i32 to index
        %swap3A_642 = arith.constant 64 : index
        %swap3A_643 = tpu.vector_load %swap3A_640[%swap3A_641, %swap3A_642] {strides = array<i32>} : memref<256x96xf32, #tpu.memory_space<vmem>>, vector<16xf32>,
        tpu.vector_store %swap3A_640[%swap3A_641, %swap3A_642], %convert_element_type3A_340 {strides = array<i32>} : memref<256x96xf32, #tpu.memory_space<vmem>>, vector<16xf32>,
        %add3A_644 = arith.constant 4 : i32
        %add3A_645 = arith.addi %mul3A_383, %add3A_644 : i32
        %swap3A_646 = arith.constant 0 : i32
        %swap3A_647 = arith.constant 0 : i32
        %swap3A_648 = tpu.memref_slice %arg8[%scan3A_358, %swap3A_646, %swap3A_647] : memref<2x256x96xf32, #tpu.memory_space<vmem>> -> memref<1x256x96xf32, #tpu.memory_space<vmem>>
        %swap3A_649 = tpu.memref_squeeze %swap3A_648 : memref<1x256x96xf32, #tpu.memory_space<vmem>> -> memref<256x96xf32, #tpu.memory_space<vmem>>
        %swap3A_650 = arith.index_cast %add3A_645 : i32 to index
        %swap3A_651 = arith.constant 80 : index
        %swap3A_652 = tpu.vector_load %swap3A_649[%swap3A_650, %swap3A_651] {strides = array<i32>} : memref<256x96xf32, #tpu.memory_space<vmem>>, vector<16xf32>,
        tpu.vector_store %swap3A_649[%swap3A_650, %swap3A_651], %convert_element_type3A_350 {strides = array<i32>} : memref<256x96xf32, #tpu.memory_space<vmem>>, vector<16xf32>,
        %add3A_653 = arith.constant 5 : i32
        %add3A_654 = arith.addi %mul3A_383, %add3A_653 : i32
        %swap3A_655 = arith.constant 0 : i32
        %swap3A_656 = arith.constant 0 : i32
        %swap3A_657 = tpu.memref_slice %arg8[%scan3A_358, %swap3A_655, %swap3A_656] : memref<2x256x96xf32, #tpu.memory_space<vmem>> -> memref<1x256x96xf32, #tpu.memory_space<vmem>>
        %swap3A_658 = tpu.memref_squeeze %swap3A_657 : memref<1x256x96xf32, #tpu.memory_space<vmem>> -> memref<256x96xf32, #tpu.memory_space<vmem>>
        %swap3A_659 = arith.index_cast %add3A_654 : i32 to index
        %swap3A_660 = arith.constant 0 : index
        %swap3A_661 = tpu.vector_load %swap3A_658[%swap3A_659, %swap3A_660] {strides = array<i32>} : memref<256x96xf32, #tpu.memory_space<vmem>>, vector<16xf32>,
        tpu.vector_store %swap3A_658[%swap3A_659, %swap3A_660], %select_n3A_300 {strides = array<i32>} : memref<256x96xf32, #tpu.memory_space<vmem>>, vector<16xf32>,
        %add3A_662 = arith.constant 5 : i32
        %add3A_663 = arith.addi %mul3A_383, %add3A_662 : i32
        %swap3A_664 = arith.constant 0 : i32
        %swap3A_665 = arith.constant 0 : i32
        %swap3A_666 = tpu.memref_slice %arg8[%scan3A_358, %swap3A_664, %swap3A_665] : memref<2x256x96xf32, #tpu.memory_space<vmem>> -> memref<1x256x96xf32, #tpu.memory_space<vmem>>
        %swap3A_667 = tpu.memref_squeeze %swap3A_666 : memref<1x256x96xf32, #tpu.memory_space<vmem>> -> memref<256x96xf32, #tpu.memory_space<vmem>>
        %swap3A_668 = arith.index_cast %add3A_663 : i32 to index
        %swap3A_669 = arith.constant 16 : index
        %swap3A_670 = tpu.vector_load %swap3A_667[%swap3A_668, %swap3A_669] {strides = array<i32>} : memref<256x96xf32, #tpu.memory_space<vmem>>, vector<16xf32>,
        tpu.vector_store %swap3A_667[%swap3A_668, %swap3A_669], %convert_element_type3A_310 {strides = array<i32>} : memref<256x96xf32, #tpu.memory_space<vmem>>, vector<16xf32>,
        %add3A_671 = arith.constant 5 : i32
        %add3A_672 = arith.addi %mul3A_383, %add3A_671 : i32
        %swap3A_673 = arith.constant 0 : i32
        %swap3A_674 = arith.constant 0 : i32
        %swap3A_675 = tpu.memref_slice %arg8[%scan3A_358, %swap3A_673, %swap3A_674] : memref<2x256x96xf32, #tpu.memory_space<vmem>> -> memref<1x256x96xf32, #tpu.memory_space<vmem>>
        %swap3A_676 = tpu.memref_squeeze %swap3A_675 : memref<1x256x96xf32, #tpu.memory_space<vmem>> -> memref<256x96xf32, #tpu.memory_space<vmem>>
        %swap3A_677 = arith.index_cast %add3A_672 : i32 to index
        %swap3A_678 = arith.constant 32 : index
        %swap3A_679 = tpu.vector_load %swap3A_676[%swap3A_677, %swap3A_678] {strides = array<i32>} : memref<256x96xf32, #tpu.memory_space<vmem>>, vector<16xf32>,
        tpu.vector_store %swap3A_676[%swap3A_677, %swap3A_678], %convert_element_type3A_320 {strides = array<i32>} : memref<256x96xf32, #tpu.memory_space<vmem>>, vector<16xf32>,
        %add3A_680 = arith.constant 5 : i32
        %add3A_681 = arith.addi %mul3A_383, %add3A_680 : i32
        %swap3A_682 = arith.constant 0 : i32
        %swap3A_683 = arith.constant 0 : i32
        %swap3A_684 = tpu.memref_slice %arg8[%scan3A_358, %swap3A_682, %swap3A_683] : memref<2x256x96xf32, #tpu.memory_space<vmem>> -> memref<1x256x96xf32, #tpu.memory_space<vmem>>
        %swap3A_685 = tpu.memref_squeeze %swap3A_684 : memref<1x256x96xf32, #tpu.memory_space<vmem>> -> memref<256x96xf32, #tpu.memory_space<vmem>>
        %swap3A_686 = arith.index_cast %add3A_681 : i32 to index
        %swap3A_687 = arith.constant 48 : index
        %swap3A_688 = tpu.vector_load %swap3A_685[%swap3A_686, %swap3A_687] {strides = array<i32>} : memref<256x96xf32, #tpu.memory_space<vmem>>, vector<16xf32>,
        tpu.vector_store %swap3A_685[%swap3A_686, %swap3A_687], %convert_element_type3A_330 {strides = array<i32>} : memref<256x96xf32, #tpu.memory_space<vmem>>, vector<16xf32>,
        %add3A_689 = arith.constant 5 : i32
        %add3A_690 = arith.addi %mul3A_383, %add3A_689 : i32
        %swap3A_691 = arith.constant 0 : i32
        %swap3A_692 = arith.constant 0 : i32
        %swap3A_693 = tpu.memref_slice %arg8[%scan3A_358, %swap3A_691, %swap3A_692] : memref<2x256x96xf32, #tpu.memory_space<vmem>> -> memref<1x256x96xf32, #tpu.memory_space<vmem>>
        %swap3A_694 = tpu.memref_squeeze %swap3A_693 : memref<1x256x96xf32, #tpu.memory_space<vmem>> -> memref<256x96xf32, #tpu.memory_space<vmem>>
        %swap3A_695 = arith.index_cast %add3A_690 : i32 to index
        %swap3A_696 = arith.constant 64 : index
        %swap3A_697 = tpu.vector_load %swap3A_694[%swap3A_695, %swap3A_696] {strides = array<i32>} : memref<256x96xf32, #tpu.memory_space<vmem>>, vector<16xf32>,
        tpu.vector_store %swap3A_694[%swap3A_695, %swap3A_696], %convert_element_type3A_340 {strides = array<i32>} : memref<256x96xf32, #tpu.memory_space<vmem>>, vector<16xf32>,
        %add3A_698 = arith.constant 5 : i32
        %add3A_699 = arith.addi %mul3A_383, %add3A_698 : i32
        %swap3A_700 = arith.constant 0 : i32
        %swap3A_701 = arith.constant 0 : i32
        %swap3A_702 = tpu.memref_slice %arg8[%scan3A_358, %swap3A_700, %swap3A_701] : memref<2x256x96xf32, #tpu.memory_space<vmem>> -> memref<1x256x96xf32, #tpu.memory_space<vmem>>
        %swap3A_703 = tpu.memref_squeeze %swap3A_702 : memref<1x256x96xf32, #tpu.memory_space<vmem>> -> memref<256x96xf32, #tpu.memory_space<vmem>>
        %swap3A_704 = arith.index_cast %add3A_699 : i32 to index
        %swap3A_705 = arith.constant 80 : index
        %swap3A_706 = tpu.vector_load %swap3A_703[%swap3A_704, %swap3A_705] {strides = array<i32>} : memref<256x96xf32, #tpu.memory_space<vmem>>, vector<16xf32>,
        tpu.vector_store %swap3A_703[%swap3A_704, %swap3A_705], %convert_element_type3A_350 {strides = array<i32>} : memref<256x96xf32, #tpu.memory_space<vmem>>, vector<16xf32>,
        %add3A_707 = arith.constant 6 : i32
        %add3A_708 = arith.addi %mul3A_383, %add3A_707 : i32
        %swap3A_709 = arith.constant 0 : i32
        %swap3A_710 = arith.constant 0 : i32
        %swap3A_711 = tpu.memref_slice %arg8[%scan3A_358, %swap3A_709, %swap3A_710] : memref<2x256x96xf32, #tpu.memory_space<vmem>> -> memref<1x256x96xf32, #tpu.memory_space<vmem>>
        %swap3A_712 = tpu.memref_squeeze %swap3A_711 : memref<1x256x96xf32, #tpu.memory_space<vmem>> -> memref<256x96xf32, #tpu.memory_space<vmem>>
        %swap3A_713 = arith.index_cast %add3A_708 : i32 to index
        %swap3A_714 = arith.constant 0 : index
        %swap3A_715 = tpu.vector_load %swap3A_712[%swap3A_713, %swap3A_714] {strides = array<i32>} : memref<256x96xf32, #tpu.memory_space<vmem>>, vector<16xf32>,
        tpu.vector_store %swap3A_712[%swap3A_713, %swap3A_714], %select_n3A_300 {strides = array<i32>} : memref<256x96xf32, #tpu.memory_space<vmem>>, vector<16xf32>,
        %add3A_716 = arith.constant 6 : i32
        %add3A_717 = arith.addi %mul3A_383, %add3A_716 : i32
        %swap3A_718 = arith.constant 0 : i32
        %swap3A_719 = arith.constant 0 : i32
        %swap3A_720 = tpu.memref_slice %arg8[%scan3A_358, %swap3A_718, %swap3A_719] : memref<2x256x96xf32, #tpu.memory_space<vmem>> -> memref<1x256x96xf32, #tpu.memory_space<vmem>>
        %swap3A_721 = tpu.memref_squeeze %swap3A_720 : memref<1x256x96xf32, #tpu.memory_space<vmem>> -> memref<256x96xf32, #tpu.memory_space<vmem>>
        %swap3A_722 = arith.index_cast %add3A_717 : i32 to index
        %swap3A_723 = arith.constant 16 : index
        %swap3A_724 = tpu.vector_load %swap3A_721[%swap3A_722, %swap3A_723] {strides = array<i32>} : memref<256x96xf32, #tpu.memory_space<vmem>>, vector<16xf32>,
        tpu.vector_store %swap3A_721[%swap3A_722, %swap3A_723], %convert_element_type3A_310 {strides = array<i32>} : memref<256x96xf32, #tpu.memory_space<vmem>>, vector<16xf32>,
        %add3A_725 = arith.constant 6 : i32
        %add3A_726 = arith.addi %mul3A_383, %add3A_725 : i32
        %swap3A_727 = arith.constant 0 : i32
        %swap3A_728 = arith.constant 0 : i32
        %swap3A_729 = tpu.memref_slice %arg8[%scan3A_358, %swap3A_727, %swap3A_728] : memref<2x256x96xf32, #tpu.memory_space<vmem>> -> memref<1x256x96xf32, #tpu.memory_space<vmem>>
        %swap3A_730 = tpu.memref_squeeze %swap3A_729 : memref<1x256x96xf32, #tpu.memory_space<vmem>> -> memref<256x96xf32, #tpu.memory_space<vmem>>
        %swap3A_731 = arith.index_cast %add3A_726 : i32 to index
        %swap3A_732 = arith.constant 32 : index
        %swap3A_733 = tpu.vector_load %swap3A_730[%swap3A_731, %swap3A_732] {strides = array<i32>} : memref<256x96xf32, #tpu.memory_space<vmem>>, vector<16xf32>,
        tpu.vector_store %swap3A_730[%swap3A_731, %swap3A_732], %convert_element_type3A_320 {strides = array<i32>} : memref<256x96xf32, #tpu.memory_space<vmem>>, vector<16xf32>,
        %add3A_734 = arith.constant 6 : i32
        %add3A_735 = arith.addi %mul3A_383, %add3A_734 : i32
        %swap3A_736 = arith.constant 0 : i32
        %swap3A_737 = arith.constant 0 : i32
        %swap3A_738 = tpu.memref_slice %arg8[%scan3A_358, %swap3A_736, %swap3A_737] : memref<2x256x96xf32, #tpu.memory_space<vmem>> -> memref<1x256x96xf32, #tpu.memory_space<vmem>>
        %swap3A_739 = tpu.memref_squeeze %swap3A_738 : memref<1x256x96xf32, #tpu.memory_space<vmem>> -> memref<256x96xf32, #tpu.memory_space<vmem>>
        %swap3A_740 = arith.index_cast %add3A_735 : i32 to index
        %swap3A_741 = arith.constant 48 : index
        %swap3A_742 = tpu.vector_load %swap3A_739[%swap3A_740, %swap3A_741] {strides = array<i32>} : memref<256x96xf32, #tpu.memory_space<vmem>>, vector<16xf32>,
        tpu.vector_store %swap3A_739[%swap3A_740, %swap3A_741], %convert_element_type3A_330 {strides = array<i32>} : memref<256x96xf32, #tpu.memory_space<vmem>>, vector<16xf32>,
        %add3A_743 = arith.constant 6 : i32
        %add3A_744 = arith.addi %mul3A_383, %add3A_743 : i32
        %swap3A_745 = arith.constant 0 : i32
        %swap3A_746 = arith.constant 0 : i32
        %swap3A_747 = tpu.memref_slice %arg8[%scan3A_358, %swap3A_745, %swap3A_746] : memref<2x256x96xf32, #tpu.memory_space<vmem>> -> memref<1x256x96xf32, #tpu.memory_space<vmem>>
        %swap3A_748 = tpu.memref_squeeze %swap3A_747 : memref<1x256x96xf32, #tpu.memory_space<vmem>> -> memref<256x96xf32, #tpu.memory_space<vmem>>
        %swap3A_749 = arith.index_cast %add3A_744 : i32 to index
        %swap3A_750 = arith.constant 64 : index
        %swap3A_751 = tpu.vector_load %swap3A_748[%swap3A_749, %swap3A_750] {strides = array<i32>} : memref<256x96xf32, #tpu.memory_space<vmem>>, vector<16xf32>,
        tpu.vector_store %swap3A_748[%swap3A_749, %swap3A_750], %convert_element_type3A_340 {strides = array<i32>} : memref<256x96xf32, #tpu.memory_space<vmem>>, vector<16xf32>,
        %add3A_752 = arith.constant 6 : i32
        %add3A_753 = arith.addi %mul3A_383, %add3A_752 : i32
        %swap3A_754 = arith.constant 0 : i32
        %swap3A_755 = arith.constant 0 : i32
        %swap3A_756 = tpu.memref_slice %arg8[%scan3A_358, %swap3A_754, %swap3A_755] : memref<2x256x96xf32, #tpu.memory_space<vmem>> -> memref<1x256x96xf32, #tpu.memory_space<vmem>>
        %swap3A_757 = tpu.memref_squeeze %swap3A_756 : memref<1x256x96xf32, #tpu.memory_space<vmem>> -> memref<256x96xf32, #tpu.memory_space<vmem>>
        %swap3A_758 = arith.index_cast %add3A_753 : i32 to index
        %swap3A_759 = arith.constant 80 : index
        %swap3A_760 = tpu.vector_load %swap3A_757[%swap3A_758, %swap3A_759] {strides = array<i32>} : memref<256x96xf32, #tpu.memory_space<vmem>>, vector<16xf32>,
        tpu.vector_store %swap3A_757[%swap3A_758, %swap3A_759], %convert_element_type3A_350 {strides = array<i32>} : memref<256x96xf32, #tpu.memory_space<vmem>>, vector<16xf32>,
        %add3A_761 = arith.constant 7 : i32
        %add3A_762 = arith.addi %mul3A_383, %add3A_761 : i32
        %swap3A_763 = arith.constant 0 : i32
        %swap3A_764 = arith.constant 0 : i32
        %swap3A_765 = tpu.memref_slice %arg8[%scan3A_358, %swap3A_763, %swap3A_764] : memref<2x256x96xf32, #tpu.memory_space<vmem>> -> memref<1x256x96xf32, #tpu.memory_space<vmem>>
        %swap3A_766 = tpu.memref_squeeze %swap3A_765 : memref<1x256x96xf32, #tpu.memory_space<vmem>> -> memref<256x96xf32, #tpu.memory_space<vmem>>
        %swap3A_767 = arith.index_cast %add3A_762 : i32 to index
        %swap3A_768 = arith.constant 0 : index
        %swap3A_769 = tpu.vector_load %swap3A_766[%swap3A_767, %swap3A_768] {strides = array<i32>} : memref<256x96xf32, #tpu.memory_space<vmem>>, vector<16xf32>,
        tpu.vector_store %swap3A_766[%swap3A_767, %swap3A_768], %select_n3A_300 {strides = array<i32>} : memref<256x96xf32, #tpu.memory_space<vmem>>, vector<16xf32>,
        %add3A_770 = arith.constant 7 : i32
        %add3A_771 = arith.addi %mul3A_383, %add3A_770 : i32
        %swap3A_772 = arith.constant 0 : i32
        %swap3A_773 = arith.constant 0 : i32
        %swap3A_774 = tpu.memref_slice %arg8[%scan3A_358, %swap3A_772, %swap3A_773] : memref<2x256x96xf32, #tpu.memory_space<vmem>> -> memref<1x256x96xf32, #tpu.memory_space<vmem>>
        %swap3A_775 = tpu.memref_squeeze %swap3A_774 : memref<1x256x96xf32, #tpu.memory_space<vmem>> -> memref<256x96xf32, #tpu.memory_space<vmem>>
        %swap3A_776 = arith.index_cast %add3A_771 : i32 to index
        %swap3A_777 = arith.constant 16 : index
        %swap3A_778 = tpu.vector_load %swap3A_775[%swap3A_776, %swap3A_777] {strides = array<i32>} : memref<256x96xf32, #tpu.memory_space<vmem>>, vector<16xf32>,
        tpu.vector_store %swap3A_775[%swap3A_776, %swap3A_777], %convert_element_type3A_310 {strides = array<i32>} : memref<256x96xf32, #tpu.memory_space<vmem>>, vector<16xf32>,
        %add3A_779 = arith.constant 7 : i32
        %add3A_780 = arith.addi %mul3A_383, %add3A_779 : i32
        %swap3A_781 = arith.constant 0 : i32
        %swap3A_782 = arith.constant 0 : i32
        %swap3A_783 = tpu.memref_slice %arg8[%scan3A_358, %swap3A_781, %swap3A_782] : memref<2x256x96xf32, #tpu.memory_space<vmem>> -> memref<1x256x96xf32, #tpu.memory_space<vmem>>
        %swap3A_784 = tpu.memref_squeeze %swap3A_783 : memref<1x256x96xf32, #tpu.memory_space<vmem>> -> memref<256x96xf32, #tpu.memory_space<vmem>>
        %swap3A_785 = arith.index_cast %add3A_780 : i32 to index
        %swap3A_786 = arith.constant 32 : index
        %swap3A_787 = tpu.vector_load %swap3A_784[%swap3A_785, %swap3A_786] {strides = array<i32>} : memref<256x96xf32, #tpu.memory_space<vmem>>, vector<16xf32>,
        tpu.vector_store %swap3A_784[%swap3A_785, %swap3A_786], %convert_element_type3A_320 {strides = array<i32>} : memref<256x96xf32, #tpu.memory_space<vmem>>, vector<16xf32>,
        %add3A_788 = arith.constant 7 : i32
        %add3A_789 = arith.addi %mul3A_383, %add3A_788 : i32
        %swap3A_790 = arith.constant 0 : i32
        %swap3A_791 = arith.constant 0 : i32
        %swap3A_792 = tpu.memref_slice %arg8[%scan3A_358, %swap3A_790, %swap3A_791] : memref<2x256x96xf32, #tpu.memory_space<vmem>> -> memref<1x256x96xf32, #tpu.memory_space<vmem>>
        %swap3A_793 = tpu.memref_squeeze %swap3A_792 : memref<1x256x96xf32, #tpu.memory_space<vmem>> -> memref<256x96xf32, #tpu.memory_space<vmem>>
        %swap3A_794 = arith.index_cast %add3A_789 : i32 to index
        %swap3A_795 = arith.constant 48 : index
        %swap3A_796 = tpu.vector_load %swap3A_793[%swap3A_794, %swap3A_795] {strides = array<i32>} : memref<256x96xf32, #tpu.memory_space<vmem>>, vector<16xf32>,
        tpu.vector_store %swap3A_793[%swap3A_794, %swap3A_795], %convert_element_type3A_330 {strides = array<i32>} : memref<256x96xf32, #tpu.memory_space<vmem>>, vector<16xf32>,
        %add3A_797 = arith.constant 7 : i32
        %add3A_798 = arith.addi %mul3A_383, %add3A_797 : i32
        %swap3A_799 = arith.constant 0 : i32
        %swap3A_800 = arith.constant 0 : i32
        %swap3A_801 = tpu.memref_slice %arg8[%scan3A_358, %swap3A_799, %swap3A_800] : memref<2x256x96xf32, #tpu.memory_space<vmem>> -> memref<1x256x96xf32, #tpu.memory_space<vmem>>
        %swap3A_802 = tpu.memref_squeeze %swap3A_801 : memref<1x256x96xf32, #tpu.memory_space<vmem>> -> memref<256x96xf32, #tpu.memory_space<vmem>>
        %swap3A_803 = arith.index_cast %add3A_798 : i32 to index
        %swap3A_804 = arith.constant 64 : index
        %swap3A_805 = tpu.vector_load %swap3A_802[%swap3A_803, %swap3A_804] {strides = array<i32>} : memref<256x96xf32, #tpu.memory_space<vmem>>, vector<16xf32>,
        tpu.vector_store %swap3A_802[%swap3A_803, %swap3A_804], %convert_element_type3A_340 {strides = array<i32>} : memref<256x96xf32, #tpu.memory_space<vmem>>, vector<16xf32>,
        %add3A_806 = arith.constant 7 : i32
        %add3A_807 = arith.addi %mul3A_383, %add3A_806 : i32
        %swap3A_808 = arith.constant 0 : i32
        %swap3A_809 = arith.constant 0 : i32
        %swap3A_810 = tpu.memref_slice %arg8[%scan3A_358, %swap3A_808, %swap3A_809] : memref<2x256x96xf32, #tpu.memory_space<vmem>> -> memref<1x256x96xf32, #tpu.memory_space<vmem>>
        %swap3A_811 = tpu.memref_squeeze %swap3A_810 : memref<1x256x96xf32, #tpu.memory_space<vmem>> -> memref<256x96xf32, #tpu.memory_space<vmem>>
        %swap3A_812 = arith.index_cast %add3A_807 : i32 to index
        %swap3A_813 = arith.constant 80 : index
        %swap3A_814 = tpu.vector_load %swap3A_811[%swap3A_812, %swap3A_813] {strides = array<i32>} : memref<256x96xf32, #tpu.memory_space<vmem>>, vector<16xf32>,
        tpu.vector_store %swap3A_811[%swap3A_812, %swap3A_813], %convert_element_type3A_350 {strides = array<i32>} : memref<256x96xf32, #tpu.memory_space<vmem>>, vector<16xf32>,
        %add3A_815 = arith.constant 8 : i32
        %add3A_816 = arith.addi %mul3A_383, %add3A_815 : i32
        %swap3A_817 = arith.constant 0 : i32
        %swap3A_818 = arith.constant 0 : i32
        %swap3A_819 = tpu.memref_slice %arg8[%scan3A_358, %swap3A_817, %swap3A_818] : memref<2x256x96xf32, #tpu.memory_space<vmem>> -> memref<1x256x96xf32, #tpu.memory_space<vmem>>
        %swap3A_820 = tpu.memref_squeeze %swap3A_819 : memref<1x256x96xf32, #tpu.memory_space<vmem>> -> memref<256x96xf32, #tpu.memory_space<vmem>>
        %swap3A_821 = arith.index_cast %add3A_816 : i32 to index
        %swap3A_822 = arith.constant 0 : index
        %swap3A_823 = tpu.vector_load %swap3A_820[%swap3A_821, %swap3A_822] {strides = array<i32>} : memref<256x96xf32, #tpu.memory_space<vmem>>, vector<16xf32>,
        tpu.vector_store %swap3A_820[%swap3A_821, %swap3A_822], %select_n3A_300 {strides = array<i32>} : memref<256x96xf32, #tpu.memory_space<vmem>>, vector<16xf32>,
        %add3A_824 = arith.constant 8 : i32
        %add3A_825 = arith.addi %mul3A_383, %add3A_824 : i32
        %swap3A_826 = arith.constant 0 : i32
        %swap3A_827 = arith.constant 0 : i32
        %swap3A_828 = tpu.memref_slice %arg8[%scan3A_358, %swap3A_826, %swap3A_827] : memref<2x256x96xf32, #tpu.memory_space<vmem>> -> memref<1x256x96xf32, #tpu.memory_space<vmem>>
        %swap3A_829 = tpu.memref_squeeze %swap3A_828 : memref<1x256x96xf32, #tpu.memory_space<vmem>> -> memref<256x96xf32, #tpu.memory_space<vmem>>
        %swap3A_830 = arith.index_cast %add3A_825 : i32 to index
        %swap3A_831 = arith.constant 16 : index
        %swap3A_832 = tpu.vector_load %swap3A_829[%swap3A_830, %swap3A_831] {strides = array<i32>} : memref<256x96xf32, #tpu.memory_space<vmem>>, vector<16xf32>,
        tpu.vector_store %swap3A_829[%swap3A_830, %swap3A_831], %convert_element_type3A_310 {strides = array<i32>} : memref<256x96xf32, #tpu.memory_space<vmem>>, vector<16xf32>,
        %add3A_833 = arith.constant 8 : i32
        %add3A_834 = arith.addi %mul3A_383, %add3A_833 : i32
        %swap3A_835 = arith.constant 0 : i32
        %swap3A_836 = arith.constant 0 : i32
        %swap3A_837 = tpu.memref_slice %arg8[%scan3A_358, %swap3A_835, %swap3A_836] : memref<2x256x96xf32, #tpu.memory_space<vmem>> -> memref<1x256x96xf32, #tpu.memory_space<vmem>>
        %swap3A_838 = tpu.memref_squeeze %swap3A_837 : memref<1x256x96xf32, #tpu.memory_space<vmem>> -> memref<256x96xf32, #tpu.memory_space<vmem>>
        %swap3A_839 = arith.index_cast %add3A_834 : i32 to index
        %swap3A_840 = arith.constant 32 : index
        %swap3A_841 = tpu.vector_load %swap3A_838[%swap3A_839, %swap3A_840] {strides = array<i32>} : memref<256x96xf32, #tpu.memory_space<vmem>>, vector<16xf32>,
        tpu.vector_store %swap3A_838[%swap3A_839, %swap3A_840], %convert_element_type3A_320 {strides = array<i32>} : memref<256x96xf32, #tpu.memory_space<vmem>>, vector<16xf32>,
        %add3A_842 = arith.constant 8 : i32
        %add3A_843 = arith.addi %mul3A_383, %add3A_842 : i32
        %swap3A_844 = arith.constant 0 : i32
        %swap3A_845 = arith.constant 0 : i32
        %swap3A_846 = tpu.memref_slice %arg8[%scan3A_358, %swap3A_844, %swap3A_845] : memref<2x256x96xf32, #tpu.memory_space<vmem>> -> memref<1x256x96xf32, #tpu.memory_space<vmem>>
        %swap3A_847 = tpu.memref_squeeze %swap3A_846 : memref<1x256x96xf32, #tpu.memory_space<vmem>> -> memref<256x96xf32, #tpu.memory_space<vmem>>
        %swap3A_848 = arith.index_cast %add3A_843 : i32 to index
        %swap3A_849 = arith.constant 48 : index
        %swap3A_850 = tpu.vector_load %swap3A_847[%swap3A_848, %swap3A_849] {strides = array<i32>} : memref<256x96xf32, #tpu.memory_space<vmem>>, vector<16xf32>,
        tpu.vector_store %swap3A_847[%swap3A_848, %swap3A_849], %convert_element_type3A_330 {strides = array<i32>} : memref<256x96xf32, #tpu.memory_space<vmem>>, vector<16xf32>,
        %add3A_851 = arith.constant 8 : i32
        %add3A_852 = arith.addi %mul3A_383, %add3A_851 : i32
        %swap3A_853 = arith.constant 0 : i32
        %swap3A_854 = arith.constant 0 : i32
        %swap3A_855 = tpu.memref_slice %arg8[%scan3A_358, %swap3A_853, %swap3A_854] : memref<2x256x96xf32, #tpu.memory_space<vmem>> -> memref<1x256x96xf32, #tpu.memory_space<vmem>>
        %swap3A_856 = tpu.memref_squeeze %swap3A_855 : memref<1x256x96xf32, #tpu.memory_space<vmem>> -> memref<256x96xf32, #tpu.memory_space<vmem>>
        %swap3A_857 = arith.index_cast %add3A_852 : i32 to index
        %swap3A_858 = arith.constant 64 : index
        %swap3A_859 = tpu.vector_load %swap3A_856[%swap3A_857, %swap3A_858] {strides = array<i32>} : memref<256x96xf32, #tpu.memory_space<vmem>>, vector<16xf32>,
        tpu.vector_store %swap3A_856[%swap3A_857, %swap3A_858], %convert_element_type3A_340 {strides = array<i32>} : memref<256x96xf32, #tpu.memory_space<vmem>>, vector<16xf32>,
        %add3A_860 = arith.constant 8 : i32
        %add3A_861 = arith.addi %mul3A_383, %add3A_860 : i32
        %swap3A_862 = arith.constant 0 : i32
        %swap3A_863 = arith.constant 0 : i32
        %swap3A_864 = tpu.memref_slice %arg8[%scan3A_358, %swap3A_862, %swap3A_863] : memref<2x256x96xf32, #tpu.memory_space<vmem>> -> memref<1x256x96xf32, #tpu.memory_space<vmem>>
        %swap3A_865 = tpu.memref_squeeze %swap3A_864 : memref<1x256x96xf32, #tpu.memory_space<vmem>> -> memref<256x96xf32, #tpu.memory_space<vmem>>
        %swap3A_866 = arith.index_cast %add3A_861 : i32 to index
        %swap3A_867 = arith.constant 80 : index
        %swap3A_868 = tpu.vector_load %swap3A_865[%swap3A_866, %swap3A_867] {strides = array<i32>} : memref<256x96xf32, #tpu.memory_space<vmem>>, vector<16xf32>,
        tpu.vector_store %swap3A_865[%swap3A_866, %swap3A_867], %convert_element_type3A_350 {strides = array<i32>} : memref<256x96xf32, #tpu.memory_space<vmem>>, vector<16xf32>,
        %add3A_869 = arith.constant 9 : i32
        %add3A_870 = arith.addi %mul3A_383, %add3A_869 : i32
        %swap3A_871 = arith.constant 0 : i32
        %swap3A_872 = arith.constant 0 : i32
        %swap3A_873 = tpu.memref_slice %arg8[%scan3A_358, %swap3A_871, %swap3A_872] : memref<2x256x96xf32, #tpu.memory_space<vmem>> -> memref<1x256x96xf32, #tpu.memory_space<vmem>>
        %swap3A_874 = tpu.memref_squeeze %swap3A_873 : memref<1x256x96xf32, #tpu.memory_space<vmem>> -> memref<256x96xf32, #tpu.memory_space<vmem>>
        %swap3A_875 = arith.index_cast %add3A_870 : i32 to index
        %swap3A_876 = arith.constant 0 : index
        %swap3A_877 = tpu.vector_load %swap3A_874[%swap3A_875, %swap3A_876] {strides = array<i32>} : memref<256x96xf32, #tpu.memory_space<vmem>>, vector<16xf32>,
        tpu.vector_store %swap3A_874[%swap3A_875, %swap3A_876], %select_n3A_300 {strides = array<i32>} : memref<256x96xf32, #tpu.memory_space<vmem>>, vector<16xf32>,
        %add3A_878 = arith.constant 9 : i32
        %add3A_879 = arith.addi %mul3A_383, %add3A_878 : i32
        %swap3A_880 = arith.constant 0 : i32
        %swap3A_881 = arith.constant 0 : i32
        %swap3A_882 = tpu.memref_slice %arg8[%scan3A_358, %swap3A_880, %swap3A_881] : memref<2x256x96xf32, #tpu.memory_space<vmem>> -> memref<1x256x96xf32, #tpu.memory_space<vmem>>
        %swap3A_883 = tpu.memref_squeeze %swap3A_882 : memref<1x256x96xf32, #tpu.memory_space<vmem>> -> memref<256x96xf32, #tpu.memory_space<vmem>>
        %swap3A_884 = arith.index_cast %add3A_879 : i32 to index
        %swap3A_885 = arith.constant 16 : index
        %swap3A_886 = tpu.vector_load %swap3A_883[%swap3A_884, %swap3A_885] {strides = array<i32>} : memref<256x96xf32, #tpu.memory_space<vmem>>, vector<16xf32>,
        tpu.vector_store %swap3A_883[%swap3A_884, %swap3A_885], %convert_element_type3A_310 {strides = array<i32>} : memref<256x96xf32, #tpu.memory_space<vmem>>, vector<16xf32>,
        %add3A_887 = arith.constant 9 : i32
        %add3A_888 = arith.addi %mul3A_383, %add3A_887 : i32
        %swap3A_889 = arith.constant 0 : i32
        %swap3A_890 = arith.constant 0 : i32
        %swap3A_891 = tpu.memref_slice %arg8[%scan3A_358, %swap3A_889, %swap3A_890] : memref<2x256x96xf32, #tpu.memory_space<vmem>> -> memref<1x256x96xf32, #tpu.memory_space<vmem>>
        %swap3A_892 = tpu.memref_squeeze %swap3A_891 : memref<1x256x96xf32, #tpu.memory_space<vmem>> -> memref<256x96xf32, #tpu.memory_space<vmem>>
        %swap3A_893 = arith.index_cast %add3A_888 : i32 to index
        %swap3A_894 = arith.constant 32 : index
        %swap3A_895 = tpu.vector_load %swap3A_892[%swap3A_893, %swap3A_894] {strides = array<i32>} : memref<256x96xf32, #tpu.memory_space<vmem>>, vector<16xf32>,
        tpu.vector_store %swap3A_892[%swap3A_893, %swap3A_894], %convert_element_type3A_320 {strides = array<i32>} : memref<256x96xf32, #tpu.memory_space<vmem>>, vector<16xf32>,
        %add3A_896 = arith.constant 9 : i32
        %add3A_897 = arith.addi %mul3A_383, %add3A_896 : i32
        %swap3A_898 = arith.constant 0 : i32
        %swap3A_899 = arith.constant 0 : i32
        %swap3A_900 = tpu.memref_slice %arg8[%scan3A_358, %swap3A_898, %swap3A_899] : memref<2x256x96xf32, #tpu.memory_space<vmem>> -> memref<1x256x96xf32, #tpu.memory_space<vmem>>
        %swap3A_901 = tpu.memref_squeeze %swap3A_900 : memref<1x256x96xf32, #tpu.memory_space<vmem>> -> memref<256x96xf32, #tpu.memory_space<vmem>>
        %swap3A_902 = arith.index_cast %add3A_897 : i32 to index
        %swap3A_903 = arith.constant 48 : index
        %swap3A_904 = tpu.vector_load %swap3A_901[%swap3A_902, %swap3A_903] {strides = array<i32>} : memref<256x96xf32, #tpu.memory_space<vmem>>, vector<16xf32>,
        tpu.vector_store %swap3A_901[%swap3A_902, %swap3A_903], %convert_element_type3A_330 {strides = array<i32>} : memref<256x96xf32, #tpu.memory_space<vmem>>, vector<16xf32>,
        %add3A_905 = arith.constant 9 : i32
        %add3A_906 = arith.addi %mul3A_383, %add3A_905 : i32
        %swap3A_907 = arith.constant 0 : i32
        %swap3A_908 = arith.constant 0 : i32
        %swap3A_909 = tpu.memref_slice %arg8[%scan3A_358, %swap3A_907, %swap3A_908] : memref<2x256x96xf32, #tpu.memory_space<vmem>> -> memref<1x256x96xf32, #tpu.memory_space<vmem>>
        %swap3A_910 = tpu.memref_squeeze %swap3A_909 : memref<1x256x96xf32, #tpu.memory_space<vmem>> -> memref<256x96xf32, #tpu.memory_space<vmem>>
        %swap3A_911 = arith.index_cast %add3A_906 : i32 to index
        %swap3A_912 = arith.constant 64 : index
        %swap3A_913 = tpu.vector_load %swap3A_910[%swap3A_911, %swap3A_912] {strides = array<i32>} : memref<256x96xf32, #tpu.memory_space<vmem>>, vector<16xf32>,
        tpu.vector_store %swap3A_910[%swap3A_911, %swap3A_912], %convert_element_type3A_340 {strides = array<i32>} : memref<256x96xf32, #tpu.memory_space<vmem>>, vector<16xf32>,
        %add3A_914 = arith.constant 9 : i32
        %add3A_915 = arith.addi %mul3A_383, %add3A_914 : i32
        %swap3A_916 = arith.constant 0 : i32
        %swap3A_917 = arith.constant 0 : i32
        %swap3A_918 = tpu.memref_slice %arg8[%scan3A_358, %swap3A_916, %swap3A_917] : memref<2x256x96xf32, #tpu.memory_space<vmem>> -> memref<1x256x96xf32, #tpu.memory_space<vmem>>
        %swap3A_919 = tpu.memref_squeeze %swap3A_918 : memref<1x256x96xf32, #tpu.memory_space<vmem>> -> memref<256x96xf32, #tpu.memory_space<vmem>>
        %swap3A_920 = arith.index_cast %add3A_915 : i32 to index
        %swap3A_921 = arith.constant 80 : index
        %swap3A_922 = tpu.vector_load %swap3A_919[%swap3A_920, %swap3A_921] {strides = array<i32>} : memref<256x96xf32, #tpu.memory_space<vmem>>, vector<16xf32>,
        tpu.vector_store %swap3A_919[%swap3A_920, %swap3A_921], %convert_element_type3A_350 {strides = array<i32>} : memref<256x96xf32, #tpu.memory_space<vmem>>, vector<16xf32>,
        %add3A_923 = arith.constant 10 : i32
        %add3A_924 = arith.addi %mul3A_383, %add3A_923 : i32
        %swap3A_925 = arith.constant 0 : i32
        %swap3A_926 = arith.constant 0 : i32
        %swap3A_927 = tpu.memref_slice %arg8[%scan3A_358, %swap3A_925, %swap3A_926] : memref<2x256x96xf32, #tpu.memory_space<vmem>> -> memref<1x256x96xf32, #tpu.memory_space<vmem>>
        %swap3A_928 = tpu.memref_squeeze %swap3A_927 : memref<1x256x96xf32, #tpu.memory_space<vmem>> -> memref<256x96xf32, #tpu.memory_space<vmem>>
        %swap3A_929 = arith.index_cast %add3A_924 : i32 to index
        %swap3A_930 = arith.constant 0 : index
        %swap3A_931 = tpu.vector_load %swap3A_928[%swap3A_929, %swap3A_930] {strides = array<i32>} : memref<256x96xf32, #tpu.memory_space<vmem>>, vector<16xf32>,
        tpu.vector_store %swap3A_928[%swap3A_929, %swap3A_930], %select_n3A_300 {strides = array<i32>} : memref<256x96xf32, #tpu.memory_space<vmem>>, vector<16xf32>,
        %add3A_932 = arith.constant 10 : i32
        %add3A_933 = arith.addi %mul3A_383, %add3A_932 : i32
        %swap3A_934 = arith.constant 0 : i32
        %swap3A_935 = arith.constant 0 : i32
        %swap3A_936 = tpu.memref_slice %arg8[%scan3A_358, %swap3A_934, %swap3A_935] : memref<2x256x96xf32, #tpu.memory_space<vmem>> -> memref<1x256x96xf32, #tpu.memory_space<vmem>>
        %swap3A_937 = tpu.memref_squeeze %swap3A_936 : memref<1x256x96xf32, #tpu.memory_space<vmem>> -> memref<256x96xf32, #tpu.memory_space<vmem>>
        %swap3A_938 = arith.index_cast %add3A_933 : i32 to index
        %swap3A_939 = arith.constant 16 : index
        %swap3A_940 = tpu.vector_load %swap3A_937[%swap3A_938, %swap3A_939] {strides = array<i32>} : memref<256x96xf32, #tpu.memory_space<vmem>>, vector<16xf32>,
        tpu.vector_store %swap3A_937[%swap3A_938, %swap3A_939], %convert_element_type3A_310 {strides = array<i32>} : memref<256x96xf32, #tpu.memory_space<vmem>>, vector<16xf32>,
        %add3A_941 = arith.constant 10 : i32
        %add3A_942 = arith.addi %mul3A_383, %add3A_941 : i32
        %swap3A_943 = arith.constant 0 : i32
        %swap3A_944 = arith.constant 0 : i32
        %swap3A_945 = tpu.memref_slice %arg8[%scan3A_358, %swap3A_943, %swap3A_944] : memref<2x256x96xf32, #tpu.memory_space<vmem>> -> memref<1x256x96xf32, #tpu.memory_space<vmem>>
        %swap3A_946 = tpu.memref_squeeze %swap3A_945 : memref<1x256x96xf32, #tpu.memory_space<vmem>> -> memref<256x96xf32, #tpu.memory_space<vmem>>
        %swap3A_947 = arith.index_cast %add3A_942 : i32 to index
        %swap3A_948 = arith.constant 32 : index
        %swap3A_949 = tpu.vector_load %swap3A_946[%swap3A_947, %swap3A_948] {strides = array<i32>} : memref<256x96xf32, #tpu.memory_space<vmem>>, vector<16xf32>,
        tpu.vector_store %swap3A_946[%swap3A_947, %swap3A_948], %convert_element_type3A_320 {strides = array<i32>} : memref<256x96xf32, #tpu.memory_space<vmem>>, vector<16xf32>,
        %add3A_950 = arith.constant 10 : i32
        %add3A_951 = arith.addi %mul3A_383, %add3A_950 : i32
        %swap3A_952 = arith.constant 0 : i32
        %swap3A_953 = arith.constant 0 : i32
        %swap3A_954 = tpu.memref_slice %arg8[%scan3A_358, %swap3A_952, %swap3A_953] : memref<2x256x96xf32, #tpu.memory_space<vmem>> -> memref<1x256x96xf32, #tpu.memory_space<vmem>>
        %swap3A_955 = tpu.memref_squeeze %swap3A_954 : memref<1x256x96xf32, #tpu.memory_space<vmem>> -> memref<256x96xf32, #tpu.memory_space<vmem>>
        %swap3A_956 = arith.index_cast %add3A_951 : i32 to index
        %swap3A_957 = arith.constant 48 : index
        %swap3A_958 = tpu.vector_load %swap3A_955[%swap3A_956, %swap3A_957] {strides = array<i32>} : memref<256x96xf32, #tpu.memory_space<vmem>>, vector<16xf32>,
        tpu.vector_store %swap3A_955[%swap3A_956, %swap3A_957], %convert_element_type3A_330 {strides = array<i32>} : memref<256x96xf32, #tpu.memory_space<vmem>>, vector<16xf32>,
        %add3A_959 = arith.constant 10 : i32
        %add3A_960 = arith.addi %mul3A_383, %add3A_959 : i32
        %swap3A_961 = arith.constant 0 : i32
        %swap3A_962 = arith.constant 0 : i32
        %swap3A_963 = tpu.memref_slice %arg8[%scan3A_358, %swap3A_961, %swap3A_962] : memref<2x256x96xf32, #tpu.memory_space<vmem>> -> memref<1x256x96xf32, #tpu.memory_space<vmem>>
        %swap3A_964 = tpu.memref_squeeze %swap3A_963 : memref<1x256x96xf32, #tpu.memory_space<vmem>> -> memref<256x96xf32, #tpu.memory_space<vmem>>
        %swap3A_965 = arith.index_cast %add3A_960 : i32 to index
        %swap3A_966 = arith.constant 64 : index
        %swap3A_967 = tpu.vector_load %swap3A_964[%swap3A_965, %swap3A_966] {strides = array<i32>} : memref<256x96xf32, #tpu.memory_space<vmem>>, vector<16xf32>,
        tpu.vector_store %swap3A_964[%swap3A_965, %swap3A_966], %convert_element_type3A_340 {strides = array<i32>} : memref<256x96xf32, #tpu.memory_space<vmem>>, vector<16xf32>,
        %add3A_968 = arith.constant 10 : i32
        %add3A_969 = arith.addi %mul3A_383, %add3A_968 : i32
        %swap3A_970 = arith.constant 0 : i32
        %swap3A_971 = arith.constant 0 : i32
        %swap3A_972 = tpu.memref_slice %arg8[%scan3A_358, %swap3A_970, %swap3A_971] : memref<2x256x96xf32, #tpu.memory_space<vmem>> -> memref<1x256x96xf32, #tpu.memory_space<vmem>>
        %swap3A_973 = tpu.memref_squeeze %swap3A_972 : memref<1x256x96xf32, #tpu.memory_space<vmem>> -> memref<256x96xf32, #tpu.memory_space<vmem>>
        %swap3A_974 = arith.index_cast %add3A_969 : i32 to index
        %swap3A_975 = arith.constant 80 : index
        %swap3A_976 = tpu.vector_load %swap3A_973[%swap3A_974, %swap3A_975] {strides = array<i32>} : memref<256x96xf32, #tpu.memory_space<vmem>>, vector<16xf32>,
        tpu.vector_store %swap3A_973[%swap3A_974, %swap3A_975], %convert_element_type3A_350 {strides = array<i32>} : memref<256x96xf32, #tpu.memory_space<vmem>>, vector<16xf32>,
        %add3A_977 = arith.constant 11 : i32
        %add3A_978 = arith.addi %mul3A_383, %add3A_977 : i32
        %swap3A_979 = arith.constant 0 : i32
        %swap3A_980 = arith.constant 0 : i32
        %swap3A_981 = tpu.memref_slice %arg8[%scan3A_358, %swap3A_979, %swap3A_980] : memref<2x256x96xf32, #tpu.memory_space<vmem>> -> memref<1x256x96xf32, #tpu.memory_space<vmem>>
        %swap3A_982 = tpu.memref_squeeze %swap3A_981 : memref<1x256x96xf32, #tpu.memory_space<vmem>> -> memref<256x96xf32, #tpu.memory_space<vmem>>
        %swap3A_983 = arith.index_cast %add3A_978 : i32 to index
        %swap3A_984 = arith.constant 0 : index
        %swap3A_985 = tpu.vector_load %swap3A_982[%swap3A_983, %swap3A_984] {strides = array<i32>} : memref<256x96xf32, #tpu.memory_space<vmem>>, vector<16xf32>,
        tpu.vector_store %swap3A_982[%swap3A_983, %swap3A_984], %select_n3A_300 {strides = array<i32>} : memref<256x96xf32, #tpu.memory_space<vmem>>, vector<16xf32>,
        %add3A_986 = arith.constant 11 : i32
        %add3A_987 = arith.addi %mul3A_383, %add3A_986 : i32
        %swap3A_988 = arith.constant 0 : i32
        %swap3A_989 = arith.constant 0 : i32
        %swap3A_990 = tpu.memref_slice %arg8[%scan3A_358, %swap3A_988, %swap3A_989] : memref<2x256x96xf32, #tpu.memory_space<vmem>> -> memref<1x256x96xf32, #tpu.memory_space<vmem>>
        %swap3A_991 = tpu.memref_squeeze %swap3A_990 : memref<1x256x96xf32, #tpu.memory_space<vmem>> -> memref<256x96xf32, #tpu.memory_space<vmem>>
        %swap3A_992 = arith.index_cast %add3A_987 : i32 to index
        %swap3A_993 = arith.constant 16 : index
        %swap3A_994 = tpu.vector_load %swap3A_991[%swap3A_992, %swap3A_993] {strides = array<i32>} : memref<256x96xf32, #tpu.memory_space<vmem>>, vector<16xf32>,
        tpu.vector_store %swap3A_991[%swap3A_992, %swap3A_993], %convert_element_type3A_310 {strides = array<i32>} : memref<256x96xf32, #tpu.memory_space<vmem>>, vector<16xf32>,
        %add3A_995 = arith.constant 11 : i32
        %add3A_996 = arith.addi %mul3A_383, %add3A_995 : i32
        %swap3A_997 = arith.constant 0 : i32
        %swap3A_998 = arith.constant 0 : i32
        %swap3A_999 = tpu.memref_slice %arg8[%scan3A_358, %swap3A_997, %swap3A_998] : memref<2x256x96xf32, #tpu.memory_space<vmem>> -> memref<1x256x96xf32, #tpu.memory_space<vmem>>
        %swap3A_1000 = tpu.memref_squeeze %swap3A_999 : memref<1x256x96xf32, #tpu.memory_space<vmem>> -> memref<256x96xf32, #tpu.memory_space<vmem>>
        %swap3A_1001 = arith.index_cast %add3A_996 : i32 to index
        %swap3A_1002 = arith.constant 32 : index
        %swap3A_1003 = tpu.vector_load %swap3A_1000[%swap3A_1001, %swap3A_1002] {strides = array<i32>} : memref<256x96xf32, #tpu.memory_space<vmem>>, vector<16xf32>,
        tpu.vector_store %swap3A_1000[%swap3A_1001, %swap3A_1002], %convert_element_type3A_320 {strides = array<i32>} : memref<256x96xf32, #tpu.memory_space<vmem>>, vector<16xf32>,
        %add3A_1004 = arith.constant 11 : i32
        %add3A_1005 = arith.addi %mul3A_383, %add3A_1004 : i32
        %swap3A_1006 = arith.constant 0 : i32
        %swap3A_1007 = arith.constant 0 : i32
        %swap3A_1008 = tpu.memref_slice %arg8[%scan3A_358, %swap3A_1006, %swap3A_1007] : memref<2x256x96xf32, #tpu.memory_space<vmem>> -> memref<1x256x96xf32, #tpu.memory_space<vmem>>
        %swap3A_1009 = tpu.memref_squeeze %swap3A_1008 : memref<1x256x96xf32, #tpu.memory_space<vmem>> -> memref<256x96xf32, #tpu.memory_space<vmem>>
        %swap3A_1010 = arith.index_cast %add3A_1005 : i32 to index
        %swap3A_1011 = arith.constant 48 : index
        %swap3A_1012 = tpu.vector_load %swap3A_1009[%swap3A_1010, %swap3A_1011] {strides = array<i32>} : memref<256x96xf32, #tpu.memory_space<vmem>>, vector<16xf32>,
        tpu.vector_store %swap3A_1009[%swap3A_1010, %swap3A_1011], %convert_element_type3A_330 {strides = array<i32>} : memref<256x96xf32, #tpu.memory_space<vmem>>, vector<16xf32>,
        %add3A_1013 = arith.constant 11 : i32
        %add3A_1014 = arith.addi %mul3A_383, %add3A_1013 : i32
        %swap3A_1015 = arith.constant 0 : i32
        %swap3A_1016 = arith.constant 0 : i32
        %swap3A_1017 = tpu.memref_slice %arg8[%scan3A_358, %swap3A_1015, %swap3A_1016] : memref<2x256x96xf32, #tpu.memory_space<vmem>> -> memref<1x256x96xf32, #tpu.memory_space<vmem>>
        %swap3A_1018 = tpu.memref_squeeze %swap3A_1017 : memref<1x256x96xf32, #tpu.memory_space<vmem>> -> memref<256x96xf32, #tpu.memory_space<vmem>>
        %swap3A_1019 = arith.index_cast %add3A_1014 : i32 to index
        %swap3A_1020 = arith.constant 64 : index
        %swap3A_1021 = tpu.vector_load %swap3A_1018[%swap3A_1019, %swap3A_1020] {strides = array<i32>} : memref<256x96xf32, #tpu.memory_space<vmem>>, vector<16xf32>,
        tpu.vector_store %swap3A_1018[%swap3A_1019, %swap3A_1020], %convert_element_type3A_340 {strides = array<i32>} : memref<256x96xf32, #tpu.memory_space<vmem>>, vector<16xf32>,
        %add3A_1022 = arith.constant 11 : i32
        %add3A_1023 = arith.addi %mul3A_383, %add3A_1022 : i32
        %swap3A_1024 = arith.constant 0 : i32
        %swap3A_1025 = arith.constant 0 : i32
        %swap3A_1026 = tpu.memref_slice %arg8[%scan3A_358, %swap3A_1024, %swap3A_1025] : memref<2x256x96xf32, #tpu.memory_space<vmem>> -> memref<1x256x96xf32, #tpu.memory_space<vmem>>
        %swap3A_1027 = tpu.memref_squeeze %swap3A_1026 : memref<1x256x96xf32, #tpu.memory_space<vmem>> -> memref<256x96xf32, #tpu.memory_space<vmem>>
        %swap3A_1028 = arith.index_cast %add3A_1023 : i32 to index
        %swap3A_1029 = arith.constant 80 : index
        %swap3A_1030 = tpu.vector_load %swap3A_1027[%swap3A_1028, %swap3A_1029] {strides = array<i32>} : memref<256x96xf32, #tpu.memory_space<vmem>>, vector<16xf32>,
        tpu.vector_store %swap3A_1027[%swap3A_1028, %swap3A_1029], %convert_element_type3A_350 {strides = array<i32>} : memref<256x96xf32, #tpu.memory_space<vmem>>, vector<16xf32>,
        %add3A_1031 = arith.constant 12 : i32
        %add3A_1032 = arith.addi %mul3A_383, %add3A_1031 : i32
        %swap3A_1033 = arith.constant 0 : i32
        %swap3A_1034 = arith.constant 0 : i32
        %swap3A_1035 = tpu.memref_slice %arg8[%scan3A_358, %swap3A_1033, %swap3A_1034] : memref<2x256x96xf32, #tpu.memory_space<vmem>> -> memref<1x256x96xf32, #tpu.memory_space<vmem>>
        %swap3A_1036 = tpu.memref_squeeze %swap3A_1035 : memref<1x256x96xf32, #tpu.memory_space<vmem>> -> memref<256x96xf32, #tpu.memory_space<vmem>>
        %swap3A_1037 = arith.index_cast %add3A_1032 : i32 to index
        %swap3A_1038 = arith.constant 0 : index
        %swap3A_1039 = tpu.vector_load %swap3A_1036[%swap3A_1037, %swap3A_1038] {strides = array<i32>} : memref<256x96xf32, #tpu.memory_space<vmem>>, vector<16xf32>,
        tpu.vector_store %swap3A_1036[%swap3A_1037, %swap3A_1038], %select_n3A_300 {strides = array<i32>} : memref<256x96xf32, #tpu.memory_space<vmem>>, vector<16xf32>,
        %add3A_1040 = arith.constant 12 : i32
        %add3A_1041 = arith.addi %mul3A_383, %add3A_1040 : i32
        %swap3A_1042 = arith.constant 0 : i32
        %swap3A_1043 = arith.constant 0 : i32
        %swap3A_1044 = tpu.memref_slice %arg8[%scan3A_358, %swap3A_1042, %swap3A_1043] : memref<2x256x96xf32, #tpu.memory_space<vmem>> -> memref<1x256x96xf32, #tpu.memory_space<vmem>>
        %swap3A_1045 = tpu.memref_squeeze %swap3A_1044 : memref<1x256x96xf32, #tpu.memory_space<vmem>> -> memref<256x96xf32, #tpu.memory_space<vmem>>
        %swap3A_1046 = arith.index_cast %add3A_1041 : i32 to index
        %swap3A_1047 = arith.constant 16 : index
        %swap3A_1048 = tpu.vector_load %swap3A_1045[%swap3A_1046, %swap3A_1047] {strides = array<i32>} : memref<256x96xf32, #tpu.memory_space<vmem>>, vector<16xf32>,
        tpu.vector_store %swap3A_1045[%swap3A_1046, %swap3A_1047], %convert_element_type3A_310 {strides = array<i32>} : memref<256x96xf32, #tpu.memory_space<vmem>>, vector<16xf32>,
        %add3A_1049 = arith.constant 12 : i32
        %add3A_1050 = arith.addi %mul3A_383, %add3A_1049 : i32
        %swap3A_1051 = arith.constant 0 : i32
        %swap3A_1052 = arith.constant 0 : i32
        %swap3A_1053 = tpu.memref_slice %arg8[%scan3A_358, %swap3A_1051, %swap3A_1052] : memref<2x256x96xf32, #tpu.memory_space<vmem>> -> memref<1x256x96xf32, #tpu.memory_space<vmem>>
        %swap3A_1054 = tpu.memref_squeeze %swap3A_1053 : memref<1x256x96xf32, #tpu.memory_space<vmem>> -> memref<256x96xf32, #tpu.memory_space<vmem>>
        %swap3A_1055 = arith.index_cast %add3A_1050 : i32 to index
        %swap3A_1056 = arith.constant 32 : index
        %swap3A_1057 = tpu.vector_load %swap3A_1054[%swap3A_1055, %swap3A_1056] {strides = array<i32>} : memref<256x96xf32, #tpu.memory_space<vmem>>, vector<16xf32>,
        tpu.vector_store %swap3A_1054[%swap3A_1055, %swap3A_1056], %convert_element_type3A_320 {strides = array<i32>} : memref<256x96xf32, #tpu.memory_space<vmem>>, vector<16xf32>,
        %add3A_1058 = arith.constant 12 : i32
        %add3A_1059 = arith.addi %mul3A_383, %add3A_1058 : i32
        %swap3A_1060 = arith.constant 0 : i32
        %swap3A_1061 = arith.constant 0 : i32
        %swap3A_1062 = tpu.memref_slice %arg8[%scan3A_358, %swap3A_1060, %swap3A_1061] : memref<2x256x96xf32, #tpu.memory_space<vmem>> -> memref<1x256x96xf32, #tpu.memory_space<vmem>>
        %swap3A_1063 = tpu.memref_squeeze %swap3A_1062 : memref<1x256x96xf32, #tpu.memory_space<vmem>> -> memref<256x96xf32, #tpu.memory_space<vmem>>
        %swap3A_1064 = arith.index_cast %add3A_1059 : i32 to index
        %swap3A_1065 = arith.constant 48 : index
        %swap3A_1066 = tpu.vector_load %swap3A_1063[%swap3A_1064, %swap3A_1065] {strides = array<i32>} : memref<256x96xf32, #tpu.memory_space<vmem>>, vector<16xf32>,
        tpu.vector_store %swap3A_1063[%swap3A_1064, %swap3A_1065], %convert_element_type3A_330 {strides = array<i32>} : memref<256x96xf32, #tpu.memory_space<vmem>>, vector<16xf32>,
        %add3A_1067 = arith.constant 12 : i32
        %add3A_1068 = arith.addi %mul3A_383, %add3A_1067 : i32
        %swap3A_1069 = arith.constant 0 : i32
        %swap3A_1070 = arith.constant 0 : i32
        %swap3A_1071 = tpu.memref_slice %arg8[%scan3A_358, %swap3A_1069, %swap3A_1070] : memref<2x256x96xf32, #tpu.memory_space<vmem>> -> memref<1x256x96xf32, #tpu.memory_space<vmem>>
        %swap3A_1072 = tpu.memref_squeeze %swap3A_1071 : memref<1x256x96xf32, #tpu.memory_space<vmem>> -> memref<256x96xf32, #tpu.memory_space<vmem>>
        %swap3A_1073 = arith.index_cast %add3A_1068 : i32 to index
        %swap3A_1074 = arith.constant 64 : index
        %swap3A_1075 = tpu.vector_load %swap3A_1072[%swap3A_1073, %swap3A_1074] {strides = array<i32>} : memref<256x96xf32, #tpu.memory_space<vmem>>, vector<16xf32>,
        tpu.vector_store %swap3A_1072[%swap3A_1073, %swap3A_1074], %convert_element_type3A_340 {strides = array<i32>} : memref<256x96xf32, #tpu.memory_space<vmem>>, vector<16xf32>,
        %add3A_1076 = arith.constant 12 : i32
        %add3A_1077 = arith.addi %mul3A_383, %add3A_1076 : i32
        %swap3A_1078 = arith.constant 0 : i32
        %swap3A_1079 = arith.constant 0 : i32
        %swap3A_1080 = tpu.memref_slice %arg8[%scan3A_358, %swap3A_1078, %swap3A_1079] : memref<2x256x96xf32, #tpu.memory_space<vmem>> -> memref<1x256x96xf32, #tpu.memory_space<vmem>>
        %swap3A_1081 = tpu.memref_squeeze %swap3A_1080 : memref<1x256x96xf32, #tpu.memory_space<vmem>> -> memref<256x96xf32, #tpu.memory_space<vmem>>
        %swap3A_1082 = arith.index_cast %add3A_1077 : i32 to index
        %swap3A_1083 = arith.constant 80 : index
        %swap3A_1084 = tpu.vector_load %swap3A_1081[%swap3A_1082, %swap3A_1083] {strides = array<i32>} : memref<256x96xf32, #tpu.memory_space<vmem>>, vector<16xf32>,
        tpu.vector_store %swap3A_1081[%swap3A_1082, %swap3A_1083], %convert_element_type3A_350 {strides = array<i32>} : memref<256x96xf32, #tpu.memory_space<vmem>>, vector<16xf32>,
        %add3A_1085 = arith.constant 13 : i32
        %add3A_1086 = arith.addi %mul3A_383, %add3A_1085 : i32
        %swap3A_1087 = arith.constant 0 : i32
        %swap3A_1088 = arith.constant 0 : i32
        %swap3A_1089 = tpu.memref_slice %arg8[%scan3A_358, %swap3A_1087, %swap3A_1088] : memref<2x256x96xf32, #tpu.memory_space<vmem>> -> memref<1x256x96xf32, #tpu.memory_space<vmem>>
        %swap3A_1090 = tpu.memref_squeeze %swap3A_1089 : memref<1x256x96xf32, #tpu.memory_space<vmem>> -> memref<256x96xf32, #tpu.memory_space<vmem>>
        %swap3A_1091 = arith.index_cast %add3A_1086 : i32 to index
        %swap3A_1092 = arith.constant 0 : index
        %swap3A_1093 = tpu.vector_load %swap3A_1090[%swap3A_1091, %swap3A_1092] {strides = array<i32>} : memref<256x96xf32, #tpu.memory_space<vmem>>, vector<16xf32>,
        tpu.vector_store %swap3A_1090[%swap3A_1091, %swap3A_1092], %select_n3A_300 {strides = array<i32>} : memref<256x96xf32, #tpu.memory_space<vmem>>, vector<16xf32>,
        %add3A_1094 = arith.constant 13 : i32
        %add3A_1095 = arith.addi %mul3A_383, %add3A_1094 : i32
        %swap3A_1096 = arith.constant 0 : i32
        %swap3A_1097 = arith.constant 0 : i32
        %swap3A_1098 = tpu.memref_slice %arg8[%scan3A_358, %swap3A_1096, %swap3A_1097] : memref<2x256x96xf32, #tpu.memory_space<vmem>> -> memref<1x256x96xf32, #tpu.memory_space<vmem>>
        %swap3A_1099 = tpu.memref_squeeze %swap3A_1098 : memref<1x256x96xf32, #tpu.memory_space<vmem>> -> memref<256x96xf32, #tpu.memory_space<vmem>>
        %swap3A_1100 = arith.index_cast %add3A_1095 : i32 to index
        %swap3A_1101 = arith.constant 16 : index
        %swap3A_1102 = tpu.vector_load %swap3A_1099[%swap3A_1100, %swap3A_1101] {strides = array<i32>} : memref<256x96xf32, #tpu.memory_space<vmem>>, vector<16xf32>,
        tpu.vector_store %swap3A_1099[%swap3A_1100, %swap3A_1101], %convert_element_type3A_310 {strides = array<i32>} : memref<256x96xf32, #tpu.memory_space<vmem>>, vector<16xf32>,
        %add3A_1103 = arith.constant 13 : i32
        %add3A_1104 = arith.addi %mul3A_383, %add3A_1103 : i32
        %swap3A_1105 = arith.constant 0 : i32
        %swap3A_1106 = arith.constant 0 : i32
        %swap3A_1107 = tpu.memref_slice %arg8[%scan3A_358, %swap3A_1105, %swap3A_1106] : memref<2x256x96xf32, #tpu.memory_space<vmem>> -> memref<1x256x96xf32, #tpu.memory_space<vmem>>
        %swap3A_1108 = tpu.memref_squeeze %swap3A_1107 : memref<1x256x96xf32, #tpu.memory_space<vmem>> -> memref<256x96xf32, #tpu.memory_space<vmem>>
        %swap3A_1109 = arith.index_cast %add3A_1104 : i32 to index
        %swap3A_1110 = arith.constant 32 : index
        %swap3A_1111 = tpu.vector_load %swap3A_1108[%swap3A_1109, %swap3A_1110] {strides = array<i32>} : memref<256x96xf32, #tpu.memory_space<vmem>>, vector<16xf32>,
        tpu.vector_store %swap3A_1108[%swap3A_1109, %swap3A_1110], %convert_element_type3A_320 {strides = array<i32>} : memref<256x96xf32, #tpu.memory_space<vmem>>, vector<16xf32>,
        %add3A_1112 = arith.constant 13 : i32
        %add3A_1113 = arith.addi %mul3A_383, %add3A_1112 : i32
        %swap3A_1114 = arith.constant 0 : i32
        %swap3A_1115 = arith.constant 0 : i32
        %swap3A_1116 = tpu.memref_slice %arg8[%scan3A_358, %swap3A_1114, %swap3A_1115] : memref<2x256x96xf32, #tpu.memory_space<vmem>> -> memref<1x256x96xf32, #tpu.memory_space<vmem>>
        %swap3A_1117 = tpu.memref_squeeze %swap3A_1116 : memref<1x256x96xf32, #tpu.memory_space<vmem>> -> memref<256x96xf32, #tpu.memory_space<vmem>>
        %swap3A_1118 = arith.index_cast %add3A_1113 : i32 to index
        %swap3A_1119 = arith.constant 48 : index
        %swap3A_1120 = tpu.vector_load %swap3A_1117[%swap3A_1118, %swap3A_1119] {strides = array<i32>} : memref<256x96xf32, #tpu.memory_space<vmem>>, vector<16xf32>,
        tpu.vector_store %swap3A_1117[%swap3A_1118, %swap3A_1119], %convert_element_type3A_330 {strides = array<i32>} : memref<256x96xf32, #tpu.memory_space<vmem>>, vector<16xf32>,
        %add3A_1121 = arith.constant 13 : i32
        %add3A_1122 = arith.addi %mul3A_383, %add3A_1121 : i32
        %swap3A_1123 = arith.constant 0 : i32
        %swap3A_1124 = arith.constant 0 : i32
        %swap3A_1125 = tpu.memref_slice %arg8[%scan3A_358, %swap3A_1123, %swap3A_1124] : memref<2x256x96xf32, #tpu.memory_space<vmem>> -> memref<1x256x96xf32, #tpu.memory_space<vmem>>
        %swap3A_1126 = tpu.memref_squeeze %swap3A_1125 : memref<1x256x96xf32, #tpu.memory_space<vmem>> -> memref<256x96xf32, #tpu.memory_space<vmem>>
        %swap3A_1127 = arith.index_cast %add3A_1122 : i32 to index
        %swap3A_1128 = arith.constant 64 : index
        %swap3A_1129 = tpu.vector_load %swap3A_1126[%swap3A_1127, %swap3A_1128] {strides = array<i32>} : memref<256x96xf32, #tpu.memory_space<vmem>>, vector<16xf32>,
        tpu.vector_store %swap3A_1126[%swap3A_1127, %swap3A_1128], %convert_element_type3A_340 {strides = array<i32>} : memref<256x96xf32, #tpu.memory_space<vmem>>, vector<16xf32>,
        %add3A_1130 = arith.constant 13 : i32
        %add3A_1131 = arith.addi %mul3A_383, %add3A_1130 : i32
        %swap3A_1132 = arith.constant 0 : i32
        %swap3A_1133 = arith.constant 0 : i32
        %swap3A_1134 = tpu.memref_slice %arg8[%scan3A_358, %swap3A_1132, %swap3A_1133] : memref<2x256x96xf32, #tpu.memory_space<vmem>> -> memref<1x256x96xf32, #tpu.memory_space<vmem>>
        %swap3A_1135 = tpu.memref_squeeze %swap3A_1134 : memref<1x256x96xf32, #tpu.memory_space<vmem>> -> memref<256x96xf32, #tpu.memory_space<vmem>>
        %swap3A_1136 = arith.index_cast %add3A_1131 : i32 to index
        %swap3A_1137 = arith.constant 80 : index
        %swap3A_1138 = tpu.vector_load %swap3A_1135[%swap3A_1136, %swap3A_1137] {strides = array<i32>} : memref<256x96xf32, #tpu.memory_space<vmem>>, vector<16xf32>,
        tpu.vector_store %swap3A_1135[%swap3A_1136, %swap3A_1137], %convert_element_type3A_350 {strides = array<i32>} : memref<256x96xf32, #tpu.memory_space<vmem>>, vector<16xf32>,
        %add3A_1139 = arith.constant 14 : i32
        %add3A_1140 = arith.addi %mul3A_383, %add3A_1139 : i32
        %swap3A_1141 = arith.constant 0 : i32
        %swap3A_1142 = arith.constant 0 : i32
        %swap3A_1143 = tpu.memref_slice %arg8[%scan3A_358, %swap3A_1141, %swap3A_1142] : memref<2x256x96xf32, #tpu.memory_space<vmem>> -> memref<1x256x96xf32, #tpu.memory_space<vmem>>
        %swap3A_1144 = tpu.memref_squeeze %swap3A_1143 : memref<1x256x96xf32, #tpu.memory_space<vmem>> -> memref<256x96xf32, #tpu.memory_space<vmem>>
        %swap3A_1145 = arith.index_cast %add3A_1140 : i32 to index
        %swap3A_1146 = arith.constant 0 : index
        %swap3A_1147 = tpu.vector_load %swap3A_1144[%swap3A_1145, %swap3A_1146] {strides = array<i32>} : memref<256x96xf32, #tpu.memory_space<vmem>>, vector<16xf32>,
        tpu.vector_store %swap3A_1144[%swap3A_1145, %swap3A_1146], %select_n3A_300 {strides = array<i32>} : memref<256x96xf32, #tpu.memory_space<vmem>>, vector<16xf32>,
        %add3A_1148 = arith.constant 14 : i32
        %add3A_1149 = arith.addi %mul3A_383, %add3A_1148 : i32
        %swap3A_1150 = arith.constant 0 : i32
        %swap3A_1151 = arith.constant 0 : i32
        %swap3A_1152 = tpu.memref_slice %arg8[%scan3A_358, %swap3A_1150, %swap3A_1151] : memref<2x256x96xf32, #tpu.memory_space<vmem>> -> memref<1x256x96xf32, #tpu.memory_space<vmem>>
        %swap3A_1153 = tpu.memref_squeeze %swap3A_1152 : memref<1x256x96xf32, #tpu.memory_space<vmem>> -> memref<256x96xf32, #tpu.memory_space<vmem>>
        %swap3A_1154 = arith.index_cast %add3A_1149 : i32 to index
        %swap3A_1155 = arith.constant 16 : index
        %swap3A_1156 = tpu.vector_load %swap3A_1153[%swap3A_1154, %swap3A_1155] {strides = array<i32>} : memref<256x96xf32, #tpu.memory_space<vmem>>, vector<16xf32>,
        tpu.vector_store %swap3A_1153[%swap3A_1154, %swap3A_1155], %convert_element_type3A_310 {strides = array<i32>} : memref<256x96xf32, #tpu.memory_space<vmem>>, vector<16xf32>,
        %add3A_1157 = arith.constant 14 : i32
        %add3A_1158 = arith.addi %mul3A_383, %add3A_1157 : i32
        %swap3A_1159 = arith.constant 0 : i32
        %swap3A_1160 = arith.constant 0 : i32
        %swap3A_1161 = tpu.memref_slice %arg8[%scan3A_358, %swap3A_1159, %swap3A_1160] : memref<2x256x96xf32, #tpu.memory_space<vmem>> -> memref<1x256x96xf32, #tpu.memory_space<vmem>>
        %swap3A_1162 = tpu.memref_squeeze %swap3A_1161 : memref<1x256x96xf32, #tpu.memory_space<vmem>> -> memref<256x96xf32, #tpu.memory_space<vmem>>
        %swap3A_1163 = arith.index_cast %add3A_1158 : i32 to index
        %swap3A_1164 = arith.constant 32 : index
        %swap3A_1165 = tpu.vector_load %swap3A_1162[%swap3A_1163, %swap3A_1164] {strides = array<i32>} : memref<256x96xf32, #tpu.memory_space<vmem>>, vector<16xf32>,
        tpu.vector_store %swap3A_1162[%swap3A_1163, %swap3A_1164], %convert_element_type3A_320 {strides = array<i32>} : memref<256x96xf32, #tpu.memory_space<vmem>>, vector<16xf32>,
        %add3A_1166 = arith.constant 14 : i32
        %add3A_1167 = arith.addi %mul3A_383, %add3A_1166 : i32
        %swap3A_1168 = arith.constant 0 : i32
        %swap3A_1169 = arith.constant 0 : i32
        %swap3A_1170 = tpu.memref_slice %arg8[%scan3A_358, %swap3A_1168, %swap3A_1169] : memref<2x256x96xf32, #tpu.memory_space<vmem>> -> memref<1x256x96xf32, #tpu.memory_space<vmem>>
        %swap3A_1171 = tpu.memref_squeeze %swap3A_1170 : memref<1x256x96xf32, #tpu.memory_space<vmem>> -> memref<256x96xf32, #tpu.memory_space<vmem>>
        %swap3A_1172 = arith.index_cast %add3A_1167 : i32 to index
        %swap3A_1173 = arith.constant 48 : index
        %swap3A_1174 = tpu.vector_load %swap3A_1171[%swap3A_1172, %swap3A_1173] {strides = array<i32>} : memref<256x96xf32, #tpu.memory_space<vmem>>, vector<16xf32>,
        tpu.vector_store %swap3A_1171[%swap3A_1172, %swap3A_1173], %convert_element_type3A_330 {strides = array<i32>} : memref<256x96xf32, #tpu.memory_space<vmem>>, vector<16xf32>,
        %add3A_1175 = arith.constant 14 : i32
        %add3A_1176 = arith.addi %mul3A_383, %add3A_1175 : i32
        %swap3A_1177 = arith.constant 0 : i32
        %swap3A_1178 = arith.constant 0 : i32
        %swap3A_1179 = tpu.memref_slice %arg8[%scan3A_358, %swap3A_1177, %swap3A_1178] : memref<2x256x96xf32, #tpu.memory_space<vmem>> -> memref<1x256x96xf32, #tpu.memory_space<vmem>>
        %swap3A_1180 = tpu.memref_squeeze %swap3A_1179 : memref<1x256x96xf32, #tpu.memory_space<vmem>> -> memref<256x96xf32, #tpu.memory_space<vmem>>
        %swap3A_1181 = arith.index_cast %add3A_1176 : i32 to index
        %swap3A_1182 = arith.constant 64 : index
        %swap3A_1183 = tpu.vector_load %swap3A_1180[%swap3A_1181, %swap3A_1182] {strides = array<i32>} : memref<256x96xf32, #tpu.memory_space<vmem>>, vector<16xf32>,
        tpu.vector_store %swap3A_1180[%swap3A_1181, %swap3A_1182], %convert_element_type3A_340 {strides = array<i32>} : memref<256x96xf32, #tpu.memory_space<vmem>>, vector<16xf32>,
        %add3A_1184 = arith.constant 14 : i32
        %add3A_1185 = arith.addi %mul3A_383, %add3A_1184 : i32
        %swap3A_1186 = arith.constant 0 : i32
        %swap3A_1187 = arith.constant 0 : i32
        %swap3A_1188 = tpu.memref_slice %arg8[%scan3A_358, %swap3A_1186, %swap3A_1187] : memref<2x256x96xf32, #tpu.memory_space<vmem>> -> memref<1x256x96xf32, #tpu.memory_space<vmem>>
        %swap3A_1189 = tpu.memref_squeeze %swap3A_1188 : memref<1x256x96xf32, #tpu.memory_space<vmem>> -> memref<256x96xf32, #tpu.memory_space<vmem>>
        %swap3A_1190 = arith.index_cast %add3A_1185 : i32 to index
        %swap3A_1191 = arith.constant 80 : index
        %swap3A_1192 = tpu.vector_load %swap3A_1189[%swap3A_1190, %swap3A_1191] {strides = array<i32>} : memref<256x96xf32, #tpu.memory_space<vmem>>, vector<16xf32>,
        tpu.vector_store %swap3A_1189[%swap3A_1190, %swap3A_1191], %convert_element_type3A_350 {strides = array<i32>} : memref<256x96xf32, #tpu.memory_space<vmem>>, vector<16xf32>,
        %add3A_1193 = arith.constant 15 : i32
        %add3A_1194 = arith.addi %mul3A_383, %add3A_1193 : i32
        %swap3A_1195 = arith.constant 0 : i32
        %swap3A_1196 = arith.constant 0 : i32
        %swap3A_1197 = tpu.memref_slice %arg8[%scan3A_358, %swap3A_1195, %swap3A_1196] : memref<2x256x96xf32, #tpu.memory_space<vmem>> -> memref<1x256x96xf32, #tpu.memory_space<vmem>>
        %swap3A_1198 = tpu.memref_squeeze %swap3A_1197 : memref<1x256x96xf32, #tpu.memory_space<vmem>> -> memref<256x96xf32, #tpu.memory_space<vmem>>
        %swap3A_1199 = arith.index_cast %add3A_1194 : i32 to index
        %swap3A_1200 = arith.constant 0 : index
        %swap3A_1201 = tpu.vector_load %swap3A_1198[%swap3A_1199, %swap3A_1200] {strides = array<i32>} : memref<256x96xf32, #tpu.memory_space<vmem>>, vector<16xf32>,
        tpu.vector_store %swap3A_1198[%swap3A_1199, %swap3A_1200], %select_n3A_300 {strides = array<i32>} : memref<256x96xf32, #tpu.memory_space<vmem>>, vector<16xf32>,
        %add3A_1202 = arith.constant 15 : i32
        %add3A_1203 = arith.addi %mul3A_383, %add3A_1202 : i32
        %swap3A_1204 = arith.constant 0 : i32
        %swap3A_1205 = arith.constant 0 : i32
        %swap3A_1206 = tpu.memref_slice %arg8[%scan3A_358, %swap3A_1204, %swap3A_1205] : memref<2x256x96xf32, #tpu.memory_space<vmem>> -> memref<1x256x96xf32, #tpu.memory_space<vmem>>
        %swap3A_1207 = tpu.memref_squeeze %swap3A_1206 : memref<1x256x96xf32, #tpu.memory_space<vmem>> -> memref<256x96xf32, #tpu.memory_space<vmem>>
        %swap3A_1208 = arith.index_cast %add3A_1203 : i32 to index
        %swap3A_1209 = arith.constant 16 : index
        %swap3A_1210 = tpu.vector_load %swap3A_1207[%swap3A_1208, %swap3A_1209] {strides = array<i32>} : memref<256x96xf32, #tpu.memory_space<vmem>>, vector<16xf32>,
        tpu.vector_store %swap3A_1207[%swap3A_1208, %swap3A_1209], %convert_element_type3A_310 {strides = array<i32>} : memref<256x96xf32, #tpu.memory_space<vmem>>, vector<16xf32>,
        %add3A_1211 = arith.constant 15 : i32
        %add3A_1212 = arith.addi %mul3A_383, %add3A_1211 : i32
        %swap3A_1213 = arith.constant 0 : i32
        %swap3A_1214 = arith.constant 0 : i32
        %swap3A_1215 = tpu.memref_slice %arg8[%scan3A_358, %swap3A_1213, %swap3A_1214] : memref<2x256x96xf32, #tpu.memory_space<vmem>> -> memref<1x256x96xf32, #tpu.memory_space<vmem>>
        %swap3A_1216 = tpu.memref_squeeze %swap3A_1215 : memref<1x256x96xf32, #tpu.memory_space<vmem>> -> memref<256x96xf32, #tpu.memory_space<vmem>>
        %swap3A_1217 = arith.index_cast %add3A_1212 : i32 to index
        %swap3A_1218 = arith.constant 32 : index
        %swap3A_1219 = tpu.vector_load %swap3A_1216[%swap3A_1217, %swap3A_1218] {strides = array<i32>} : memref<256x96xf32, #tpu.memory_space<vmem>>, vector<16xf32>,
        tpu.vector_store %swap3A_1216[%swap3A_1217, %swap3A_1218], %convert_element_type3A_320 {strides = array<i32>} : memref<256x96xf32, #tpu.memory_space<vmem>>, vector<16xf32>,
        %add3A_1220 = arith.constant 15 : i32
        %add3A_1221 = arith.addi %mul3A_383, %add3A_1220 : i32
        %swap3A_1222 = arith.constant 0 : i32
        %swap3A_1223 = arith.constant 0 : i32
        %swap3A_1224 = tpu.memref_slice %arg8[%scan3A_358, %swap3A_1222, %swap3A_1223] : memref<2x256x96xf32, #tpu.memory_space<vmem>> -> memref<1x256x96xf32, #tpu.memory_space<vmem>>
        %swap3A_1225 = tpu.memref_squeeze %swap3A_1224 : memref<1x256x96xf32, #tpu.memory_space<vmem>> -> memref<256x96xf32, #tpu.memory_space<vmem>>
        %swap3A_1226 = arith.index_cast %add3A_1221 : i32 to index
        %swap3A_1227 = arith.constant 48 : index
        %swap3A_1228 = tpu.vector_load %swap3A_1225[%swap3A_1226, %swap3A_1227] {strides = array<i32>} : memref<256x96xf32, #tpu.memory_space<vmem>>, vector<16xf32>,
        tpu.vector_store %swap3A_1225[%swap3A_1226, %swap3A_1227], %convert_element_type3A_330 {strides = array<i32>} : memref<256x96xf32, #tpu.memory_space<vmem>>, vector<16xf32>,
        %add3A_1229 = arith.constant 15 : i32
        %add3A_1230 = arith.addi %mul3A_383, %add3A_1229 : i32
        %swap3A_1231 = arith.constant 0 : i32
        %swap3A_1232 = arith.constant 0 : i32
        %swap3A_1233 = tpu.memref_slice %arg8[%scan3A_358, %swap3A_1231, %swap3A_1232] : memref<2x256x96xf32, #tpu.memory_space<vmem>> -> memref<1x256x96xf32, #tpu.memory_space<vmem>>
        %swap3A_1234 = tpu.memref_squeeze %swap3A_1233 : memref<1x256x96xf32, #tpu.memory_space<vmem>> -> memref<256x96xf32, #tpu.memory_space<vmem>>
        %swap3A_1235 = arith.index_cast %add3A_1230 : i32 to index
        %swap3A_1236 = arith.constant 64 : index
        %swap3A_1237 = tpu.vector_load %swap3A_1234[%swap3A_1235, %swap3A_1236] {strides = array<i32>} : memref<256x96xf32, #tpu.memory_space<vmem>>, vector<16xf32>,
        tpu.vector_store %swap3A_1234[%swap3A_1235, %swap3A_1236], %convert_element_type3A_340 {strides = array<i32>} : memref<256x96xf32, #tpu.memory_space<vmem>>, vector<16xf32>,
        %add3A_1238 = arith.constant 15 : i32
        %add3A_1239 = arith.addi %mul3A_383, %add3A_1238 : i32
        %swap3A_1240 = arith.constant 0 : i32
        %swap3A_1241 = arith.constant 0 : i32
        %swap3A_1242 = tpu.memref_slice %arg8[%scan3A_358, %swap3A_1240, %swap3A_1241] : memref<2x256x96xf32, #tpu.memory_space<vmem>> -> memref<1x256x96xf32, #tpu.memory_space<vmem>>
        %swap3A_1243 = tpu.memref_squeeze %swap3A_1242 : memref<1x256x96xf32, #tpu.memory_space<vmem>> -> memref<256x96xf32, #tpu.memory_space<vmem>>
        %swap3A_1244 = arith.index_cast %add3A_1239 : i32 to index
        %swap3A_1245 = arith.constant 80 : index
        %swap3A_1246 = tpu.vector_load %swap3A_1243[%swap3A_1244, %swap3A_1245] {strides = array<i32>} : memref<256x96xf32, #tpu.memory_space<vmem>>, vector<16xf32>,
        tpu.vector_store %swap3A_1243[%swap3A_1244, %swap3A_1245], %convert_element_type3A_350 {strides = array<i32>} : memref<256x96xf32, #tpu.memory_space<vmem>>, vector<16xf32>,
      }
      %scan3A_363 = arith.constant 16 : i32
      %dma_start3A_364 = arith.constant 1 : i32
      %dma_start3A_365 = arith.constant 0 : i32
      %dma_start3A_366 = arith.constant 0 : i32
      %dma_start3A_367 = tpu.memref_slice %arg8[%dma_start3A_364, %dma_start3A_365, %dma_start3A_366] : memref<2x256x96xf32, #tpu.memory_space<vmem>> -> memref<1x256x96xf32, #tpu.memory_space<vmem>>
      %dma_start3A_368 = tpu.memref_squeeze %dma_start3A_367 : memref<1x256x96xf32, #tpu.memory_space<vmem>> -> memref<256x96xf32, #tpu.memory_space<vmem>>
      %dma_start3A_369 = arith.constant 0 : i32
      %dma_start3A_370 = arith.constant 0 : i32
      %dma_start3A_371 = tpu.memref_slice %arg4[%select_n3A, %add3A_285, %dma_start3A_369, %dma_start3A_370] : memref<4x256x256x96xf32, #tpu.memory_space<hbm>> -> memref<1x1x256x96xf32, #tpu.memory_space<hbm>>
      %dma_start3A_372 = tpu.memref_squeeze %dma_start3A_371 : memref<1x1x256x96xf32, #tpu.memory_space<hbm>> -> memref<256x96xf32, #tpu.memory_space<hbm>>
      %dma_start3A_373 = arith.constant 0 : i32
      %dma_start3A_374 = arith.constant 0 : i32
      %dma_start3A_375 = tpu.memref_slice %arg4[%select_n3A, %add3A_285, %dma_start3A_373, %dma_start3A_374] : memref<4x256x256x96xf32, #tpu.memory_space<hbm>> -> memref<1x1x256x96xf32, #tpu.memory_space<hbm>>
      %dma_start3A_376 = tpu.memref_squeeze %dma_start3A_375 : memref<1x1x256x96xf32, #tpu.memory_space<hbm>> -> memref<256x96xf32, #tpu.memory_space<hbm>>
      %dma_start3A_377 = arith.constant 0 : i32
      %dma_start3A_378 = arith.constant 0 : i32
      %dma_start3A_379 = tpu.memref_slice %arg8[%dma_start3A_364, %dma_start3A_377, %dma_start3A_378] : memref<2x256x96xf32, #tpu.memory_space<vmem>> -> memref<1x256x96xf32, #tpu.memory_space<vmem>>
      %dma_start3A_380 = tpu.memref_squeeze %dma_start3A_379 : memref<1x256x96xf32, #tpu.memory_space<vmem>> -> memref<256x96xf32, #tpu.memory_space<vmem>>
      tpu.enqueue_dma source(%dma_start3A_380 : memref<256x96xf32, #tpu.memory_space<vmem>>) target(%dma_start3A_376 : memref<256x96xf32, #tpu.memory_space<hbm>>) target_semaphore(%arg10 : memref<!tpu.dma_semaphore, #tpu.memory_space<semaphore_mem>>)
    }
    %scan3A_154 = arith.constant 16 : i32
    %dma_wait3A = arith.constant 0 : i32
    %dma_wait3A_155 = arith.constant 0 : i32
    %dma_wait3A_156 = arith.constant 0 : i32
    %dma_wait3A_157 = tpu.memref_slice %arg8[%dma_wait3A, %dma_wait3A_155, %dma_wait3A_156] : memref<2x256x96xf32, #tpu.memory_space<vmem>> -> memref<1x256x96xf32, #tpu.memory_space<vmem>>
    %dma_wait3A_158 = tpu.memref_squeeze %dma_wait3A_157 : memref<1x256x96xf32, #tpu.memory_space<vmem>> -> memref<256x96xf32, #tpu.memory_space<vmem>>
    %dma_wait3A_159 = arith.constant 0 : i32
    %dma_wait3A_160 = arith.constant 0 : i32
    %dma_wait3A_161 = tpu.memref_slice %arg4[%select_n3A, %mul3A_32, %dma_wait3A_159, %dma_wait3A_160] : memref<4x256x256x96xf32, #tpu.memory_space<hbm>> -> memref<1x1x256x96xf32, #tpu.memory_space<hbm>>
    %dma_wait3A_162 = tpu.memref_squeeze %dma_wait3A_161 : memref<1x1x256x96xf32, #tpu.memory_space<hbm>> -> memref<256x96xf32, #tpu.memory_space<hbm>>
    %dma_wait3A_163 = arith.constant 0 : i32
    %dma_wait3A_164 = arith.constant 0 : i32
    %dma_wait3A_165 = tpu.memref_slice %arg4[%select_n3A, %mul3A_32, %dma_wait3A_163, %dma_wait3A_164] : memref<4x256x256x96xf32, #tpu.memory_space<hbm>> -> memref<1x1x256x96xf32, #tpu.memory_space<hbm>>
    %dma_wait3A_166 = tpu.memref_squeeze %dma_wait3A_165 : memref<1x1x256x96xf32, #tpu.memory_space<hbm>> -> memref<256x96xf32, #tpu.memory_space<hbm>>
    %dma_wait3A_167 = arith.constant 0 : i32
    %dma_wait3A_168 = arith.constant 0 : i32
    %dma_wait3A_169 = tpu.memref_slice %arg8[%dma_wait3A, %dma_wait3A_167, %dma_wait3A_168] : memref<2x256x96xf32, #tpu.memory_space<vmem>> -> memref<1x256x96xf32, #tpu.memory_space<vmem>>
    %dma_wait3A_170 = tpu.memref_squeeze %dma_wait3A_169 : memref<1x256x96xf32, #tpu.memory_space<vmem>> -> memref<256x96xf32, #tpu.memory_space<vmem>>
    tpu.wait_dma2 semaphore(%arg9 : memref<!tpu.dma_semaphore, #tpu.memory_space<semaphore_mem>>) src(%dma_wait3A_170 : memref<256x96xf32, #tpu.memory_space<vmem>>) dst(%dma_wait3A_166 : memref<256x96xf32, #tpu.memory_space<hbm>>)
    %dma_wait3A_171 = arith.constant 1 : i32
    %dma_wait3A_172 = arith.constant 0 : i32
    %dma_wait3A_173 = arith.constant 0 : i32
    %dma_wait3A_174 = tpu.memref_slice %arg8[%dma_wait3A_171, %dma_wait3A_172, %dma_wait3A_173] : memref<2x256x96xf32, #tpu.memory_space<vmem>> -> memref<1x256x96xf32, #tpu.memory_space<vmem>>
    %dma_wait3A_175 = tpu.memref_squeeze %dma_wait3A_174 : memref<1x256x96xf32, #tpu.memory_space<vmem>> -> memref<256x96xf32, #tpu.memory_space<vmem>>
    %dma_wait3A_176 = arith.constant 0 : i32
    %dma_wait3A_177 = arith.constant 0 : i32
    %dma_wait3A_178 = tpu.memref_slice %arg4[%select_n3A, %mul3A_32, %dma_wait3A_176, %dma_wait3A_177] : memref<4x256x256x96xf32, #tpu.memory_space<hbm>> -> memref<1x1x256x96xf32, #tpu.memory_space<hbm>>
    %dma_wait3A_179 = tpu.memref_squeeze %dma_wait3A_178 : memref<1x1x256x96xf32, #tpu.memory_space<hbm>> -> memref<256x96xf32, #tpu.memory_space<hbm>>
    %dma_wait3A_180 = arith.constant 0 : i32
    %dma_wait3A_181 = arith.constant 0 : i32
    %dma_wait3A_182 = tpu.memref_slice %arg4[%select_n3A, %mul3A_32, %dma_wait3A_180, %dma_wait3A_181] : memref<4x256x256x96xf32, #tpu.memory_space<hbm>> -> memref<1x1x256x96xf32, #tpu.memory_space<hbm>>
    %dma_wait3A_183 = tpu.memref_squeeze %dma_wait3A_182 : memref<1x1x256x96xf32, #tpu.memory_space<hbm>> -> memref<256x96xf32, #tpu.memory_space<hbm>>
    %dma_wait3A_184 = arith.constant 0 : i32
    %dma_wait3A_185 = arith.constant 0 : i32
    %dma_wait3A_186 = tpu.memref_slice %arg8[%dma_wait3A_171, %dma_wait3A_184, %dma_wait3A_185] : memref<2x256x96xf32, #tpu.memory_space<vmem>> -> memref<1x256x96xf32, #tpu.memory_space<vmem>>
    %dma_wait3A_187 = tpu.memref_squeeze %dma_wait3A_186 : memref<1x256x96xf32, #tpu.memory_space<vmem>> -> memref<256x96xf32, #tpu.memory_space<vmem>>
    tpu.wait_dma2 semaphore(%arg10 : memref<!tpu.dma_semaphore, #tpu.memory_space<semaphore_mem>>) src(%dma_wait3A_187 : memref<256x96xf32, #tpu.memory_space<vmem>>) dst(%dma_wait3A_183 : memref<256x96xf32, #tpu.memory_space<hbm>>)
    return
  }
}

</mosaic_0001>

<sc_bundles>
// kernel: kernel.3.cloned.1.call-start
scs
__scs_entry_jumppad:
0x0: {  	(pc) =	sbr.rel $0x88, $3  }
0x1: {  	(tag) =	ssettag $0x0;
	lr =	simm.s32 $0x1  }
0x2: {  	[smem:$0x3F9F] =	sst lr;
	_ =	strace $0xD0000000  }
0x3: {  	_ = 	snop  }
0x4: {  	_ = 	snop  }
0x5: {  	_ = 	snop  }
0x6: {  	_ = 	snop  }
0x7: {  	_ = 	snop  }
__scs_overlays_trampoline_lowered:
0x8: {  	[smem:$0x3FAE] =	sst s0  }
0x9: {  	[smem:$0x3FAF] =	sst s1  }
0xa: {  	[smem:$0x3FB0] =	sst s2  }
0xb: {  	[smem:$0x3FB1] =	sst s3  }
0xc: {  	[smem:$0x3FB2] =	sst s4  }
0xd: {  	[smem:$0x3FB3] =	sst s5  }
0xe: {  	[smem:$0x3FB4] =	sst s6  }
0xf: {  	[smem:$0x3FB5] =	sst s7  }
0x10: {  	[smem:$0x3FB6] =	sst s8  }
0x11: {  	[smem:$0x3FB7] =	sst s9;
	s0 =	simm.s32 @!p0 $0x0  }
0x12: {  	s1 =	sld [smem:$0x3F9D];
	s0 =	simm.s32 @p0 $0x1  }
0x13: {  	[smem:$0x3FB8] =	sst s0;
	s0 =	simm.s32 @!p1 $0x0  }
0x14: {  	s2 =	sld [smem:$0x3F9C];
	s0 =	simm.s32 @p1 $0x1  }
0x15: {  	[smem:$0x3FB9] =	sst s0;
	s0 =	simm.s32 @!p2 $0x0  }
0x16: {  	s3 =	sld [smem:$0x3FDB];
	s0 =	simm.s32 @p2 $0x1  }
0x17: {  	s4 =	simm.s32 $0x1BF5;
	[smem:$0x3FBB] =	sst s0  }
0x18: {  	s0 =	sld [smem:$0x3F9E];
	_ =	swait.ge [sflag:s4], $0x0  }
0x19: {  	s7 =	sld [smem:$0x3F9F]  }
0x1a: {  	s8 =	sadd.s32 $0xFFFFE003, lr  }
0x1b: {  	s9 =	sadd.s32 $0xFFFFFEF7, lr;
	s5 =	simm.s32 $0xFFFFFFFF;
	p2 =	slt.u32 s8, $0xFFFFF086  }
0x1c: {  	p1 =	slt.u32 s9, $0xF7A;
	s5 =	simm.s32 @!p2 $0x0  }
0x1d: {  	s5 =	simm.s32 @p1 $0x1;
	p0 =	seq.s32 s7, s2  }
0x1e: {  	s7 =	smul.u32 @!p0 $0xF7A, s2;
	p2 =	seq.s32 @!p0 s5, $0x0  }
0x1f: {  	s9 =	smul.u32 $0xF7A, s1;
	s8 =	simm.s32 @!p0 $0x1BF5;
	p2 =	por !p2, p0  }
0x20: {  	[sflag:s8] =	ssyncset.s32 @!p0 $0xFFFFF086;
	s6 =	sadd.s32 @!p0 s3, s7;
	s7 =	simm.s32 @!p0 $0x108  }
0x21: {  	s3 =	sadd.s32 s3, s9;
	s6 =	sadd.s32 @!p0 $0x88, s6;
	s7 =	simm.s32 @p2 $0x1082  }
0x22: {  	[simem:s7], [sflag:s8] =	dma.local @!p0 [hbm:s6], $0xF7A  }
0x23: {  	s9 =	sor.u32 $0xD0000000, s2;
	s6 =	simm.s32 $0x108;
	_ =	swait.ge @!p0 [sflag:s8], $0x0  }
0x24: {  	s3 =	sadd.s32 $0x88, s3;
	s6 =	simm.s32 @!p1 $0x1082;
	[sflag:s4] =	ssyncset.s32 $0xFFFFF086  }
0x25: {  	[simem:s6], [sflag:s4] =	dma.local [hbm:s3], $0xF7A  }
0x26: {  	[smem:$0x3F9F] =	sst s1;
	(tag) =	ssettag s2;
	_ =	strace s9  }
0x27: {  	s1 =	sld [smem:$0x3FAF]  }
0x28: {  	s2 =	sld [smem:$0x3FB0]  }
0x29: {  	s4 =	sld [smem:$0x3FB2]  }
0x2a: {  	p0 =	seq.s32 s5, $0x0;
	s5 =	sld [smem:$0x3FB3]  }
0x2b: {  	s6 =	sld [smem:$0x3FB4]  }
0x2c: {  	s7 =	sld [smem:$0x3FB5]  }
0x2d: {  	s3 =	simm.s32 $0x108;
	s8 =	sld [smem:$0x3FB6]  }
0x2e: {  	s3 =	simm.s32 @!p0 $0x1082;
	s9 =	sld [smem:$0x3FB7]  }
0x2f: {  	lr =	sadd.s32 s0, s3;
	s0 =	sld [smem:$0x3FAE]  }
0x30: {  	s3 =	sld [smem:$0x3FB1]  }
0x31: {  	[smem:$0x3FBA] =	sst s10  }
0x32: {  	s10 =	sld [smem:$0x3FB8];
	_ =	sdelay $0x3  }
0x33: {  	p0 =	seq.s32 s10, $0x1;
	s10 =	sld [smem:$0x3FBA];
	_ =	sdelay $0x3  }
0x34: {  	[smem:$0x3FBA] =	sst s10  }
0x35: {  	s10 =	sld [smem:$0x3FB9];
	_ =	sdelay $0x3  }
0x36: {  	p1 =	seq.s32 s10, $0x1;
	s10 =	sld [smem:$0x3FBA];
	_ =	sdelay $0x3  }
0x37: {  	[smem:$0x3FBA] =	sst s10  }
0x38: {  	s10 =	sld [smem:$0x3FBB]  }
0x39: {  	_ = 	snop;
	(pc) =	sbr.ind lr, $3  }
0x3a: {  	_ = 	snop  }
0x3b: {  	_ = 	snop  }
0x3c: {  	p2 =	seq.s32 s10, $0x1;
	s10 =	sld [smem:$0x3FBA]  }
0x3d: {  	_ =	shalt  }
0x3e: {  	_ =	shalt  }
0x3f: {  	_ =	shalt  }
0x40: {  	_ =	shalt  }
0x41: {  	_ =	shalt  }
0x42: {  	_ =	shalt  }
0x43: {  	_ =	shalt  }
0x44: {  	_ =	shalt  }
0x45: {  	_ =	shalt  }
0x46: {  	_ =	shalt  }
0x47: {  	_ =	shalt  }
0x48: {  	_ =	shalt  }
0x49: {  	_ =	shalt  }
0x4a: {  	_ =	shalt  }
0x4b: {  	_ =	shalt  }
0x4c: {  	_ =	shalt  }
0x4d: {  	_ =	shalt  }
0x4e: {  	_ =	shalt  }
0x4f: {  	_ =	shalt  }
0x50: {  	_ =	shalt  }
0x51: {  	_ =	shalt  }
0x52: {  	_ =	shalt  }
0x53: {  	_ =	shalt  }
0x54: {  	_ =	shalt  }
0x55: {  	_ =	shalt  }
0x56: {  	_ =	shalt  }
0x57: {  	_ =	shalt  }
0x58: {  	_ =	shalt  }
0x59: {  	_ =	shalt  }
0x5a: {  	_ =	shalt  }
0x5b: {  	_ =	shalt  }
0x5c: {  	_ =	shalt  }
0x5d: {  	_ =	shalt  }
0x5e: {  	_ =	shalt  }
0x5f: {  	_ =	shalt  }
0x60: {  	_ =	shalt  }
0x61: {  	_ =	shalt  }
0x62: {  	_ =	shalt  }
0x63: {  	_ =	shalt  }
0x64: {  	_ =	shalt  }
0x65: {  	_ =	shalt  }
0x66: {  	_ =	shalt  }
0x67: {  	_ =	shalt  }
0x68: {  	_ =	shalt  }
0x69: {  	_ =	shalt  }
0x6a: {  	_ =	shalt  }
0x6b: {  	_ =	shalt  }
0x6c: {  	_ =	shalt  }
0x6d: {  	_ =	shalt  }
0x6e: {  	_ =	shalt  }
0x6f: {  	_ =	shalt  }
0x70: {  	_ =	shalt  }
0x71: {  	_ =	shalt  }
0x72: {  	_ =	shalt  }
0x73: {  	_ =	shalt  }
0x74: {  	_ =	shalt  }
0x75: {  	_ =	shalt  }
0x76: {  	_ =	shalt  }
0x77: {  	_ =	shalt  }
0x78: {  	_ =	shalt  }
0x79: {  	_ =	shalt  }
0x7a: {  	_ =	shalt  }
0x7b: {  	_ =	shalt  }
0x7c: {  	_ =	shalt  }
0x7d: {  	_ =	shalt  }
0x7e: {  	_ =	shalt  }
0x7f: {  	_ =	shalt  }
0x80: {  	_ =	shalt  }
0x81: {  	_ =	shalt  }
0x82: {  	_ =	shalt  }
0x83: {  	_ =	shalt  }
0x84: {  	_ =	shalt  }
0x85: {  	_ =	shalt  }
0x86: {  	_ =	shalt  }
0x87: {  	_ =	shalt  }
.Lfunc_end0:
.L_simem_size_0:
called_computation_lowered:
.L_overlay_start_0:
0x88: {  	s2 =	sld [smem:$0x3FD9]  }
0x89: {  	s3 =	sld [smem:$0x3FFE];
	_ =	sdelay $0x1  }
0x8a: {  	s1 =	srdreg.scid  }
0x8b: {  	s0 =	sand.u32 $0x1, s1  }
0x8c: {  	s17 =	sshll.u32 s0, $0xA;
	s2 =	sadd.s32 s3, s2  }
0x8d: {  	s2 =	sadd.s32 s2, s17  }
0x8e: {  	[smem:$0x3FC6] =	sst s2  }
0x8f: {  	_ = 	snop  }
0x90: {  	s2 =	sld [smem:$0x3FC8]  }
0x91: {  	s18 =	sld [smem:$0x3FD0];
	(tm) =	ssettm $0x1  }
0x92: {  	s4 =	sld [smem:$0x3FFB];
	_ =	sdelay $0x3  }
0x93: {  	_ =	strace s4  }
0x94: {  	s4 =	sld [smem:$0x3FFC];
	_ =	sdelay $0x3  }
0x95: {  	_ =	strace s4  }
0x96: {  	s4 =	sld [smem:$0x3FFD];
	_ =	sdelay $0x3  }
0x97: {  	_ =	strace s4  }
0x98: {  	_ =	strace $0x8FFFFFFF  }
0x99: {  	s19 =	sld [smem:$0x3FDB];
	_ =	sdelay $0x1  }
0x9a: {  	s5 =	simm.s32 $_scs_section_size  }
0x9b: {  	s6 =	simm.s32 $_size__tile_overlayer_lowered;
	s7 =	simm.s32 $_tile_overlayer_lowered  }
0x9c: {  	s22 =	simm.s32 $0x1BFF;
	s21 =	sshll.u32 s7, $0x1;
	s4 =	sadd.s32 s5, s19  }
0x9d: {  	s8 =	simm.s32 $0x0;
	s20 =	sshll.u32 s6, $0x1;
	s6 =	sadd.s32 s21, s4  }
0x9e: {  	[timem:s8], [sflag:s22] =	dma.local [hbm:s6], s20  }
0x9f: {  	_ =	swait.ge [sflag:s22], s20  }
0xa0: {  	s5 =	ssub.s32 $0x0, s20;
	[sflag:s22] =	ssyncset.done $0x0  }
0xa1: {  	[sflag:s22] =	ssyncadd.s32 s5;
	_ =	sdelay $0x1  }
0xa2: {  	s23 =	simm.s32 $0x1B8B  }
0xa3: {  	_ =	swait.ge [sflag:s23], $0x1  }
0xa4: {  	[sflag:s23] =	ssyncset.done $0x0  }
0xa5: {  	s25 =	simm.s32 $0x1B8E;
	s24 =	sld [smem:$0x3FFE];
	[sflag:s23] =	ssyncadd.s32 $0xFFFFFFFF  }
0xa6: {  	s26 =	simm.s32 $execute0_lowered;
	[smem:$0x3FD2] =	sst s25  }
0xa7: {  	s6 =	sshll.u32 s26, $0x1;
	_ =	strace $0x80000046;
	[dreg:$0x1] =	wrdreg $0xFFFFFFFF  }
0xa8: {  	s28 =	simm.s32 $_size_execute0_lowered;
	s4 =	sadd.s32 s4, s6;
	[dreg:$0x0] =	wrdreg $0x0  }
0xa9: {  	s6 =	sshll.u32 s28, $0x1;
	[dreg:$0x2] =	wrdreg s4  }
0xaa: {  	[dreg:$0x3] =	wrdreg s6  }
0xab: {  	[dreg:$0x4] =	wrdreg $0xC0  }
0xac: {  	_ =	task [dreg:s8], $0x5FFFF  }
0xad: {  	[dreg:$0x1] =	wrdreg $0xFFFFFFFF  }
0xae: {  	[dreg:$0x0] =	wrdreg $0x60  }
0xaf: {  	[dreg:$0x2] =	wrdreg s18  }
0xb0: {  	[dreg:$0x3] =	wrdreg s2  }
0xb1: {  	[dreg:$0x4] =	wrdreg s24  }
0xb2: {  	[dreg:$0x5] =	wrdreg $0x9  }
0xb3: {  	_ =	task.clear_ibuf [dreg:s8], $0x6FFFF;
	_ =	strace $0x90000046  }
0xb4: {  	s29 =	simm.s32 $0x9;
	_ =	strace $0x80000048  }
0xb5: {  	_ =	swait.ge [sflag:s29], $0x1  }
0xb6: {  	[sflag:s29] =	ssyncadd.s32 $0xFFFFFFFF  }
0xb7: {  	_ =	strace $0x90000048  }
0xb8: {  	_ =	sfence  }
0xb9: {  	s30 =	sld [smem:$0x0];
	_ =	sdelay $0x2  }
0xba: {  	s31 =	sshll.u32 s1, $0xD;
	s1 =	sshrl.u32 s1, $0x2  }
0xbb: {  	s3 =	sand.u32 $0x4000, s31;
	s1 =	sadd.s32 s1, s30  }
0xbc: {  	s0 =	sor.u32 s3, s0;
	s1 =	sshll.u32 s1, $0x11  }
0xbd: {  	s0 =	sor.u32 s1, s0  }
0xbe: {  	s0 =	sadd.s32 $0x8F2B, s0  }
0xbf: {  	[sflag:s0] =	ssyncadd.remote.s32 $0x1  }
0xc0: {  	_ =	sfence.sel $0xFFFF  }
0xc1: {  	[dreg:$0x0] =	wrdreg $0xFFFFFFFF;
	(pc) =	sbr.abs _section_cstart, $3  }
0xc2: {  	[dreg:$0x1] =	wrdreg $0xFFFFFFFF  }
0xc3: {  	_ =	task.clear_ibuf [dreg:s8], $0x2FFFF;
	_ =	strace $0x9FFFFFFF  }
0xc4: {  	(tm) =	ssettm $0x7FFFFFFF  }
0xc5: {  	_ =	shalt  }
tec
execute0_lowered:
.L_overlay_start_1:
0x0: {  	(tag) =	ssettag $0x1  }
0x1: {  	s5 =	rddreg [dreg:$0x0]  }
0x2: {  	s6 =	rddreg [dreg:$0x1]  }
0x3: {  	s3 =	rddreg [dreg:$0x2]  }
0x4: {  	s0 =	rddreg [dreg:$0x3];
	s2 =	simm.s32 $0x0;
	s4 =	srdreg.scid  }
0x5: {  	s1 =	stileid.u32;
	s12 =	simm.s32 $0x8180;
	s14 =	simm.s32 $0x8D80  }
0x6: {  	s16 =	simm.s32 $0x9980;
	s18 =	simm.s32 $0xA580;
	s19 =	simm.s32 $0xB180  }
0x7: {  	v0 =	vlaneseq.u32;
	vm0 =	vcmask $0x2F20;
	s20 =	simm.s32 $0x13180;
	s21 =	simm.s32 $0x1;
	s22 =	simm.s32 $0x2  }
0x8: {  	v4 =	vimm.s32 $0x0;
	vm2 =	vmmov $0xf;
	vm3 =	vcmask $0xF00;
	s23 =	simm.s32 $0x0;
	[smem:$0x7FF] =	sst s2;
	s4 =	sand.u32 $0x1, s4  }
0x9: {  	vm5 =	vcmask $0xF20;
	s8 =	sshll.u32 s1, $0x1;
	v15 =	vshrl.u32 v0, $0x3;
	v0 =	vand.u32 $0x3, v0;
	s3 =	sadd.s32 $0x400, s3;
	s31 =	sshrl.u32 s1, $0x2  }
0xa: {  	vm1 =	vmneg vm0;
	vm3 =	vmor vm3, vm0;
	_ =	strace $0x80000047;
	s7 =	ssub.s32 $0x2, s4;
	s8 =	sand.u32 $0x6, s8;
	v1 =	vmul.u32 $0x5, v15  }
0xb: {  	v3 =	vmul.u32 $0xFFFFFFFF, v0;
	s10 =	sshll.u32 s31, $0x4;
	s11 =	sshll.u32 s31, $0xD;
	v9 =	vmul.u32 $0xFFFFFFFF, v15;
	v10 =	vmul.u32 $0xFFFFFFFB, v15;
	s9 =	sshrl.u32 s7, $0x1  }
0xc: {  	vm4 =	vmneg vm3;
	v11 =	vadd.s32 $0x1, v15;
	v12 =	vadd.s32 $0x3, v15;
	s8 =	sor.u32 s4, s8;
	s5 =	sadd.s32 s5, s10;
	s6 =	sadd.s32 s6, s11  }
0xd: {  	v13 =	vadd.s32 $0x5, v15;
	v14 =	vadd.s32 $0x7, v15;
	v15 =	vadd.s32 $0x9, v15;
	s10 =	simm.s32 $0x200;
	s11 =	simm.s32 $0x3;
	s9 =	ssub.s32 s7, s9  }
0xe: {  	s4 =	sshll.u32 s8, $0x5;
	v1 =	vadd.s32 $0x5, v1;
	v2 =	vadd.s32 $0x3, v3;
	s8 =	sshll.u32 s8, $0xA;
	v3 =	vadd.s32 $0x5, v3;
	s7 =	sshll.u32 s31, $0x17  }
0xf: {  	v5 =	vadd.s32 $0x9, v9;
	v6 =	vadd.s32 $0x7, v9;
	v7 =	vadd.s32 $0x5, v9;
	s6 =	sadd.s32 s8, s6;
	s8 =	smax.u32 s9, $0x1;
	s9 =	simm.s32 $0x80  }
0x10: {  	v8 =	vadd.s32 $0x3, v9;
	v9 =	vadd.s32 $0x1, v9;
	v10 =	vadd.s32 $0x5, v10;
	s13 =	sadd.s32 $0x100, s6;
	s15 =	sadd.s32 $0x200, s6;
	s17 =	sadd.s32 $0x300, s6  }
.LBB2_1:
0x11: {  	[tilespmem:s2], [sflag:$0x3] =	stream.strided.gather [hbm4b:s5+s9], $0x180, s10, s9, $0x38;
	[tilespmem:$0x1B180] =	vst v63  }
0x12: {  	_ =	swait.ge [sflag:s11], $0x180  }
0x13: {  	[sflag:s11] =	ssyncset.done $0x0  }
0x14: {  	[sflag:s11] =	ssyncadd.s32 $0xFFFFFE80  }
0x15: {  	[tilespmem:s12], [sflag:$0x3] =	stream.linear.gather [hbm4b:s6+s2], $0x800, $0x38;
	[tilespmem:$0x1B180] =	vst v63  }
0x16: {  	_ = 	snop  }
0x17: {  	[tilespmem:s14], [sflag:$0x3] =	stream.linear.gather [hbm4b:s13+s2], $0x800, $0x38;
	[tilespmem:$0x1B180] =	vst v63  }
0x18: {  	_ = 	snop  }
0x19: {  	[tilespmem:s16], [sflag:$0x3] =	stream.linear.gather [hbm4b:s15+s2], $0x800, $0x38;
	[tilespmem:$0x1B180] =	vst v63  }
0x1a: {  	v16 =	vadd.s32 s2, v1  }
0x1b: {  	[tilespmem:s18], [sflag:$0x3] =	stream.linear.gather [hbm4b:s17+s2], $0x800, $0x38;
	[tilespmem:$0x1B180] =	vst v63  }
0x1c: {  	_ =	swait.ge [sflag:s11], $0x2000  }
0x1d: {  	[sflag:s11] =	ssyncset.done $0x0  }
0x1e: {  	[sflag:s11] =	ssyncadd.s32 $0xFFFFE000  }
0x1f: {  	v16 =	vld.idx.msk [tilespmem:v16+s2+$0x0], $0xffff;
	_ =	sdelay $0x4  }
0x20: {  	vm6 =	veq.s32 v16, v2;
	vm7 =	veq.s32 v16, v3  }
0x21: {  	vm6 =	vmor vm6, vm7;
	vm7 =	veq.s32 v16, v0  }
0x22: {  	v16 =	vadd.s32 s2, v5;
	vm6 =	vmand vm6, vm0;
	vm7 =	vmand vm1, vm7  }
0x23: {  	vm6 =	vmor vm6, vm7  }
0x24: {  	v17 =	vsel vm6, $0x3F800000, v4  }
0x25: {  	s25 =	simm.s32 $0x1B0;
	v17 =	vsel vm2, $0x3F800000, v17  }
0x26: {  	[tilespmem:s25+$0xFFFFFFD0] =	vst v17  }
0x27: {  	v16 =	vld.idx.msk [tilespmem:v16+s2+$0x0], $0xffff;
	_ =	sdelay $0x4  }
0x28: {  	vm6 =	veq.s32 v16, v2;
	vm7 =	veq.s32 v16, v3  }
0x29: {  	vm6 =	vmor vm6, vm7;
	vm7 =	veq.s32 v16, v0;
	v16 =	vadd.s32 s2, v6  }
0x2a: {  	vm7 =	vmand vm4, vm7;
	vm6 =	vmand vm6, vm3  }
0x2b: {  	vm6 =	vmor vm6, vm7  }
0x2c: {  	v17 =	vsel vm6, $0x3F800000, v4  }
0x2d: {  	[tilespmem:s25+$0xFFFFFFE0] =	vst v17  }
0x2e: {  	v16 =	vld.idx.msk [tilespmem:v16+s2+$0x0], $0xffff;
	_ =	sdelay $0x4  }
0x2f: {  	vm6 =	veq.s32 v16, v2;
	vm7 =	veq.s32 v16, v3  }
0x30: {  	vm6 =	vmor vm6, vm7;
	vm7 =	veq.s32 v16, v0;
	v16 =	vadd.s32 s2, v7  }
0x31: {  	vm7 =	vmand vm4, vm7;
	vm6 =	vmand vm6, vm3  }
0x32: {  	vm6 =	vmor vm6, vm7  }
0x33: {  	v17 =	vsel vm6, $0x3F800000, v4  }
0x34: {  	[tilespmem:s25+$0xFFFFFFF0] =	vst v17  }
0x35: {  	v16 =	vld.idx.msk [tilespmem:v16+s2+$0x0], $0xffff;
	_ =	sdelay $0x4  }
0x36: {  	vm6 =	veq.s32 v16, v2;
	vm7 =	veq.s32 v16, v3  }
0x37: {  	vm6 =	vmor vm6, vm7;
	vm7 =	veq.s32 v16, v0;
	v16 =	vadd.s32 s2, v8  }
0x38: {  	vm7 =	vmand vm4, vm7;
	vm6 =	vmand vm6, vm3  }
0x39: {  	vm6 =	vmor vm6, vm7  }
0x3a: {  	v17 =	vsel vm6, $0x3F800000, v4  }
0x3b: {  	[tilespmem:s25+$0x0] =	vst v17  }
0x3c: {  	v16 =	vld.idx.msk [tilespmem:v16+s2+$0x0], $0xffff;
	_ =	sdelay $0x4  }
0x3d: {  	vm6 =	veq.s32 v16, v2;
	vm7 =	veq.s32 v16, v3  }
0x3e: {  	vm6 =	vmor vm6, vm7;
	vm7 =	veq.s32 v16, v0;
	v16 =	vadd.s32 s2, v9  }
0x3f: {  	vm7 =	vmand vm4, vm7;
	vm6 =	vmand vm6, vm3  }
0x40: {  	vm6 =	vmor vm6, vm7  }
0x41: {  	v17 =	vsel vm6, $0x3F800000, v4  }
0x42: {  	[tilespmem:s25+$0x10] =	vst v17  }
0x43: {  	v17 =	vld.idx.msk [tilespmem:v16+s2+$0x0], $0xffff;
	_ =	sdelay $0x4  }
0x44: {  	s26 =	simm.s32 $0x1;
	vm6 =	veq.s32 v17, v2;
	vm7 =	veq.s32 v17, v3  }
0x45: {  	s28 =	simm.s32 $0x2;
	v16 =	vadd.s32 s26, v1;
	vm6 =	vmor vm6, vm7;
	vm7 =	veq.s32 v17, v0  }
.LBB2_2:
0x46: {  	p0 =	sne.s32 s28, $0xFF;
	vm7 =	vmand vm4, vm7;
	vm6 =	vmand vm6, vm3  }
0x47: {  	vm6 =	vmor vm6, vm7  }
0x48: {  	v17 =	vsel vm6, $0x3F800000, v4  }
0x49: {  	s24 =	simm.s32 $0x0;
	[tilespmem:s25+$0x20] =	vst v17  }
0x4a: {  	v16 =	vld.idx.msk [tilespmem:v16+s24+$0x0], $0xffff;
	_ =	sdelay $0x5  }
0x4b: {  	vm6 =	veq.s32 v16, v2;
	vm7 =	veq.s32 v16, v3  }
0x4c: {  	vm6 =	vmor vm6, vm7;
	vm7 =	veq.s32 v16, v0  }
0x4d: {  	v16 =	vadd.s32 s26, v5;
	vm6 =	vmand vm6, vm0;
	vm7 =	vmand vm1, vm7  }
0x4e: {  	vm6 =	vmor vm6, vm7  }
0x4f: {  	v17 =	vsel vm6, $0x3F800000, v4  }
0x50: {  	s25 =	sadd.s32 $0x80, s25;
	v17 =	vsel vm2, $0x3F800000, v17  }
0x51: {  	[tilespmem:s25+$0xFFFFFFD0] =	vst v17  }
0x52: {  	v16 =	vld.idx.msk [tilespmem:v16+s24+$0x0], $0xffff;
	_ =	sdelay $0x5  }
0x53: {  	vm6 =	veq.s32 v16, v2;
	vm7 =	veq.s32 v16, v3  }
0x54: {  	vm6 =	vmor vm6, vm7;
	vm7 =	veq.s32 v16, v0;
	v16 =	vadd.s32 s26, v6  }
0x55: {  	vm7 =	vmand vm4, vm7;
	vm6 =	vmand vm6, vm3  }
0x56: {  	vm6 =	vmor vm6, vm7  }
0x57: {  	v17 =	vsel vm6, $0x3F800000, v4  }
0x58: {  	[tilespmem:s25+$0xFFFFFFE0] =	vst v17  }
0x59: {  	v16 =	vld.idx.msk [tilespmem:v16+s24+$0x0], $0xffff;
	_ =	sdelay $0x5  }
0x5a: {  	vm6 =	veq.s32 v16, v2;
	vm7 =	veq.s32 v16, v3  }
0x5b: {  	vm6 =	vmor vm6, vm7;
	vm7 =	veq.s32 v16, v0;
	v16 =	vadd.s32 s26, v7  }
0x5c: {  	vm7 =	vmand vm4, vm7;
	vm6 =	vmand vm6, vm3  }
0x5d: {  	vm6 =	vmor vm6, vm7  }
0x5e: {  	v17 =	vsel vm6, $0x3F800000, v4  }
0x5f: {  	[tilespmem:s25+$0xFFFFFFF0] =	vst v17  }
0x60: {  	v16 =	vld.idx.msk [tilespmem:v16+s24+$0x0], $0xffff;
	_ =	sdelay $0x5  }
0x61: {  	vm6 =	veq.s32 v16, v2;
	vm7 =	veq.s32 v16, v3  }
0x62: {  	vm6 =	vmor vm6, vm7;
	vm7 =	veq.s32 v16, v0;
	v16 =	vadd.s32 s26, v8  }
0x63: {  	vm7 =	vmand vm4, vm7;
	vm6 =	vmand vm6, vm3  }
0x64: {  	vm6 =	vmor vm6, vm7  }
0x65: {  	v17 =	vsel vm6, $0x3F800000, v4  }
0x66: {  	[tilespmem:s25+$0x0] =	vst v17  }
0x67: {  	v16 =	vld.idx.msk [tilespmem:v16+s24+$0x0], $0xffff;
	_ =	sdelay $0x5  }
0x68: {  	vm6 =	veq.s32 v16, v2;
	vm7 =	veq.s32 v16, v3  }
0x69: {  	vm6 =	vmor vm6, vm7;
	vm7 =	veq.s32 v16, v0;
	v16 =	vadd.s32 s26, v9;
	s26 =	smov.u32 s28  }
0x6a: {  	vm7 =	vmand vm4, vm7;
	vm6 =	vmand vm6, vm3  }
0x6b: {  	vm6 =	vmor vm6, vm7  }
0x6c: {  	v17 =	vsel vm6, $0x3F800000, v4  }
0x6d: {  	[tilespmem:s25+$0x10] =	vst v17  }
0x6e: {  	v17 =	vld.idx.msk [tilespmem:v16+s24+$0x0], $0xffff;
	_ =	sdelay $0x2  }
.Ltmp0:
0x6f: {  	(pc) =	sbr.rel @p0 .LBB2_2-.Ltmp0, $3  }
0x70: {  	_ =	sdelay $0x1  }
0x71: {  	vm6 =	veq.s32 v17, v2;
	vm7 =	veq.s32 v17, v3  }
0x72: {  	s28 =	sadd.s32 $0x1, s28;
	v16 =	vadd.s32 s26, v1;
	vm6 =	vmor vm6, vm7;
	vm7 =	veq.s32 v17, v0  }
0x73: {  	vm7 =	vmand vm4, vm7;
	vm6 =	vmand vm6, vm3  }
0x74: {  	vm6 =	vmor vm6, vm7  }
0x75: {  	v17 =	vsel vm6, $0x3F800000, v4  }
0x76: {  	[tilespmem:s25+$0x20] =	vst v17  }
0x77: {  	v16 =	vld.idx.msk [tilespmem:v16+s24+$0x0], $0xffff;
	_ =	sdelay $0x4  }
0x78: {  	vm6 =	veq.s32 v16, v2;
	vm7 =	veq.s32 v16, v3  }
0x79: {  	vm6 =	vmor vm6, vm7;
	vm7 =	veq.s32 v16, v0  }
0x7a: {  	v16 =	vadd.s32 s26, v5;
	vm6 =	vmand vm6, vm0;
	vm7 =	vmand vm1, vm7  }
0x7b: {  	vm6 =	vmor vm6, vm7  }
0x7c: {  	v17 =	vsel vm6, $0x3F800000, v4  }
0x7d: {  	s31 =	sadd.s32 $0x80, s25;
	v17 =	vsel vm2, $0x3F800000, v17  }
0x7e: {  	[tilespmem:s31+$0xFFFFFFD0] =	vst v17  }
0x7f: {  	v16 =	vld.idx.msk [tilespmem:v16+s24+$0x0], $0xffff;
	_ =	sdelay $0x4  }
0x80: {  	vm6 =	veq.s32 v16, v2;
	vm7 =	veq.s32 v16, v3  }
0x81: {  	vm6 =	vmor vm6, vm7;
	vm7 =	veq.s32 v16, v0;
	v16 =	vadd.s32 s26, v6  }
0x82: {  	vm7 =	vmand vm4, vm7;
	vm6 =	vmand vm6, vm3  }
0x83: {  	vm6 =	vmor vm6, vm7  }
0x84: {  	v17 =	vsel vm6, $0x3F800000, v4  }
0x85: {  	[tilespmem:s31+$0xFFFFFFE0] =	vst v17  }
0x86: {  	v16 =	vld.idx.msk [tilespmem:v16+s24+$0x0], $0xffff;
	_ =	sdelay $0x4  }
0x87: {  	vm6 =	veq.s32 v16, v2;
	vm7 =	veq.s32 v16, v3  }
0x88: {  	vm6 =	vmor vm6, vm7;
	vm7 =	veq.s32 v16, v0;
	v16 =	vadd.s32 s26, v7  }
0x89: {  	vm7 =	vmand vm4, vm7;
	vm6 =	vmand vm6, vm3  }
0x8a: {  	vm6 =	vmor vm6, vm7  }
0x8b: {  	v17 =	vsel vm6, $0x3F800000, v4  }
0x8c: {  	[tilespmem:s31+$0xFFFFFFF0] =	vst v17  }
0x8d: {  	v16 =	vld.idx.msk [tilespmem:v16+s24+$0x0], $0xffff;
	_ =	sdelay $0x4  }
0x8e: {  	vm6 =	veq.s32 v16, v2;
	vm7 =	veq.s32 v16, v3  }
0x8f: {  	vm6 =	vmor vm6, vm7;
	vm7 =	veq.s32 v16, v0;
	v16 =	vadd.s32 s26, v8  }
0x90: {  	vm7 =	vmand vm4, vm7;
	vm6 =	vmand vm6, vm3  }
0x91: {  	vm6 =	vmor vm6, vm7  }
0x92: {  	v17 =	vsel vm6, $0x3F800000, v4  }
0x93: {  	[tilespmem:s31+$0x0] =	vst v17  }
0x94: {  	v16 =	vld.idx.msk [tilespmem:v16+s24+$0x0], $0xffff;
	_ =	sdelay $0x4  }
0x95: {  	vm6 =	veq.s32 v16, v2;
	vm7 =	veq.s32 v16, v3  }
0x96: {  	vm6 =	vmor vm6, vm7;
	vm7 =	veq.s32 v16, v0;
	v16 =	vadd.s32 s26, v9  }
0x97: {  	vm7 =	vmand vm4, vm7;
	vm6 =	vmand vm6, vm3  }
0x98: {  	vm6 =	vmor vm6, vm7  }
0x99: {  	v17 =	vsel vm6, $0x3F800000, v4  }
0x9a: {  	[tilespmem:s31+$0x10] =	vst v17  }
0x9b: {  	v16 =	vld.idx.msk [tilespmem:v16+s24+$0x0], $0xffff;
	_ =	sdelay $0x4  }
0x9c: {  	vm6 =	veq.s32 v16, v2;
	vm7 =	veq.s32 v16, v3  }
0x9d: {  	vm6 =	vmor vm6, vm7;
	vm7 =	veq.s32 v16, v0  }
0x9e: {  	vm7 =	vmand vm4, vm7;
	vm6 =	vmand vm6, vm3  }
0x9f: {  	vm6 =	vmor vm6, vm7  }
0xa0: {  	v16 =	vsel vm6, $0x3F800000, v4  }
0xa1: {  	[tilespmem:s31+$0x20] =	vst v16  }
.LBB2_4:
0xa2: {  	s25 =	sshll.u32 s24, $0x1  }
0xa3: {  	s26 =	sor.u32 s4, s25  }
0xa4: {  	v16 =	vadd.s32 s26, v10;
	_ =	sdelay $0x1  }
0xa5: {  	v17 =	vadd.s32 s26, v11  }
0xa6: {  	v19 =	vadd.s32 s26, v13;
	_ =	sdelay $0x1  }
0xa7: {  	v16 =	vld.idx.msk [tilespmem:v16+s2+$0x0], $0xffff  }
0xa8: {  	v18 =	vadd.s32 s26, v12  }
0xa9: {  	v17 =	vld.idx.msk [tilespmem:v17+s2+$0x0], $0xffff  }
0xaa: {  	v19 =	vld.idx.msk [tilespmem:v19+s2+$0x0], $0xffff;
	_ =	sdelay $0x1  }
0xab: {  	vm6 =	veq.s32 v16, v2  }
0xac: {  	vm7 =	veq.s32 v16, v3;
	vm8 =	veq.s32 v16, v0;
	v16 =	vld.idx.msk [tilespmem:v18+s2+$0x0], $0xffff;
	v18 =	vadd.s32 s26, v14  }
0xad: {  	v20 =	vadd.s32 s26, v15;
	vm15 =	veq.s32 v17, v2  }
0xae: {  	vm9 =	veq.s32 v17, v3;
	vm14 =	veq.s32 v19, v2;
	vm6 =	vmor vm6, vm7  }
0xaf: {  	vm10 =	veq.s32 v19, v3;
	vm7 =	vmand vm8, vm3;
	vm6 =	vmand vm4, vm6  }
0xb0: {  	vm11 =	veq.s32 v19, v0;
	vm6 =	vmor vm7, vm6;
	vm7 =	veq.s32 v17, v0  }
0xb1: {  	v21 =	vsel vm6, $0x3F800000, v4;
	vm6 =	vmor vm15, vm9;
	vm7 =	vmand vm7, vm3;
	v17 =	vld.idx.msk [tilespmem:v18+s2+$0x0], $0xffff  }
0xb2: {  	vm9 =	vmor vm14, vm10;
	vm15 =	vmand vm11, vm3;
	vm6 =	vmand vm4, vm6;
	v18 =	vld.idx.msk [tilespmem:v20+s2+$0x0], $0xffff  }
0xb3: {  	vm12 =	veq.s32 v16, v2;
	vm13 =	veq.s32 v16, v3;
	vm9 =	vmand vm4, vm9  }
0xb4: {  	vm6 =	vmor vm7, vm6;
	vm7 =	veq.s32 v16, v0;
	vm8 =	vmor vm12, vm13  }
0xb5: {  	vm7 =	vmand vm7, vm3;
	vm8 =	vmand vm4, vm8;
	v16 =	vsel vm6, $0x3F800000, v4  }
0xb6: {  	vm7 =	vmor vm7, vm8;
	vm8 =	vmor vm15, vm9;
	vm12 =	veq.s32 v17, v2  }
0xb7: {  	p1 =	por $0x1, $0x1;
	vm13 =	veq.s32 v17, v3;
	vm14 =	veq.s32 v18, v2;
	vm15 =	veq.s32 v18, v3  }
.Ltmp1:
0xb8: {  	p0 =	seq.s32 s24, $0x0;
	vm6 =	veq.s32 v17, v0;
	v17 =	vsel vm7, $0x3F800000, v4;
	vm7 =	veq.s32 v18, v0;
	(pc) =	sbr.rel @!p1 .LBB2_6-.Ltmp1, $4  }
0xb9: {  	s25 =	simm.s32 @!p0 $0x1;
	vm9 =	vmor vm12, vm13;
	vm10 =	vmor vm14, vm15;
	vm6 =	vmand vm6, vm3  }
0xba: {  	_ =	swait.ge @!p0 [sflag:s25], $0x8000;
	vm7 =	vmand vm7, vm3;
	vm9 =	vmand vm4, vm9;
	vm10 =	vmand vm4, vm10  }
0xbb: {  	v20 =	vnsel vm5, $0x3F800000, v21;
	[sflag:s25] =	ssyncset.done @!p0 $0x0;
	vm6 =	vmor vm6, vm9;
	vm7 =	vmor vm7, vm10  }
0xbc: {  	s28 =	simm.s32 $0x0;
	[sflag:s25] =	ssyncadd.s32 @!p0 $0xFFFF8000;
	s25 =	simm.s32 $0x2000;
	v19 =	vsel vm8, $0x3F800000, v4;
	v18 =	vsel vm6, $0x3F800000, v4;
	v21 =	vsel vm7, $0x3F800000, v4  }
.LBB2_5:
0xbd: {  	p1 =	sne.s32 s25, $0x1E000;
	[tilespmem:s28+$0xB950] =	vst v21  }
0xbe: {  	[tilespmem:s28+$0xB180] =	vst v20  }
0xbf: {  	[tilespmem:s28+$0xB190] =	vst v16  }
0xc0: {  	[tilespmem:s28+$0xB1A0] =	vst v17  }
0xc1: {  	[tilespmem:s28+$0xB1B0] =	vst v19  }
0xc2: {  	[tilespmem:s28+$0xB1C0] =	vst v18  }
0xc3: {  	[tilespmem:s28+$0xB1D0] =	vst v21  }
0xc4: {  	[tilespmem:s28+$0xB200] =	vst v20  }
0xc5: {  	[tilespmem:s28+$0xB210] =	vst v16  }
0xc6: {  	[tilespmem:s28+$0xB220] =	vst v17  }
0xc7: {  	[tilespmem:s28+$0xB230] =	vst v19  }
0xc8: {  	[tilespmem:s28+$0xB240] =	vst v18  }
0xc9: {  	[tilespmem:s28+$0xB250] =	vst v21  }
0xca: {  	[tilespmem:s28+$0xB280] =	vst v20  }
0xcb: {  	[tilespmem:s28+$0xB290] =	vst v16  }
0xcc: {  	[tilespmem:s28+$0xB2A0] =	vst v17  }
0xcd: {  	[tilespmem:s28+$0xB2B0] =	vst v19  }
0xce: {  	[tilespmem:s28+$0xB2C0] =	vst v18  }
0xcf: {  	[tilespmem:s28+$0xB2D0] =	vst v21  }
0xd0: {  	[tilespmem:s28+$0xB300] =	vst v20  }
0xd1: {  	[tilespmem:s28+$0xB310] =	vst v16  }
0xd2: {  	[tilespmem:s28+$0xB320] =	vst v17  }
0xd3: {  	[tilespmem:s28+$0xB330] =	vst v19  }
0xd4: {  	[tilespmem:s28+$0xB340] =	vst v18  }
0xd5: {  	[tilespmem:s28+$0xB350] =	vst v21  }
0xd6: {  	[tilespmem:s28+$0xB380] =	vst v20  }
0xd7: {  	[tilespmem:s28+$0xB390] =	vst v16  }
0xd8: {  	[tilespmem:s28+$0xB3A0] =	vst v17  }
0xd9: {  	[tilespmem:s28+$0xB3B0] =	vst v19  }
0xda: {  	[tilespmem:s28+$0xB3C0] =	vst v18  }
0xdb: {  	[tilespmem:s28+$0xB3D0] =	vst v21  }
0xdc: {  	[tilespmem:s28+$0xB400] =	vst v20  }
0xdd: {  	[tilespmem:s28+$0xB410] =	vst v16  }
0xde: {  	[tilespmem:s28+$0xB420] =	vst v17  }
0xdf: {  	[tilespmem:s28+$0xB430] =	vst v19  }
0xe0: {  	[tilespmem:s28+$0xB440] =	vst v18  }
0xe1: {  	[tilespmem:s28+$0xB450] =	vst v21  }
0xe2: {  	[tilespmem:s28+$0xB480] =	vst v20  }
0xe3: {  	[tilespmem:s28+$0xB490] =	vst v16  }
0xe4: {  	[tilespmem:s28+$0xB4A0] =	vst v17  }
0xe5: {  	[tilespmem:s28+$0xB4B0] =	vst v19  }
0xe6: {  	[tilespmem:s28+$0xB4C0] =	vst v18  }
0xe7: {  	[tilespmem:s28+$0xB4D0] =	vst v21  }
0xe8: {  	[tilespmem:s28+$0xB500] =	vst v20  }
0xe9: {  	[tilespmem:s28+$0xB510] =	vst v16  }
0xea: {  	[tilespmem:s28+$0xB520] =	vst v17  }
0xeb: {  	[tilespmem:s28+$0xB530] =	vst v19  }
0xec: {  	[tilespmem:s28+$0xB540] =	vst v18  }
0xed: {  	[tilespmem:s28+$0xB550] =	vst v21  }
0xee: {  	[tilespmem:s28+$0xB580] =	vst v20  }
0xef: {  	[tilespmem:s28+$0xB590] =	vst v16  }
0xf0: {  	[tilespmem:s28+$0xB5A0] =	vst v17  }
0xf1: {  	[tilespmem:s28+$0xB5B0] =	vst v19  }
0xf2: {  	[tilespmem:s28+$0xB5C0] =	vst v18  }
0xf3: {  	[tilespmem:s28+$0xB5D0] =	vst v21  }
0xf4: {  	[tilespmem:s28+$0xB600] =	vst v20  }
0xf5: {  	[tilespmem:s28+$0xB610] =	vst v16  }
0xf6: {  	[tilespmem:s28+$0xB620] =	vst v17  }
0xf7: {  	[tilespmem:s28+$0xB630] =	vst v19  }
0xf8: {  	[tilespmem:s28+$0xB640] =	vst v18  }
0xf9: {  	[tilespmem:s28+$0xB650] =	vst v21  }
0xfa: {  	[tilespmem:s28+$0xB680] =	vst v20  }
0xfb: {  	[tilespmem:s28+$0xB690] =	vst v16  }
0xfc: {  	[tilespmem:s28+$0xB6A0] =	vst v17  }
0xfd: {  	[tilespmem:s28+$0xB6B0] =	vst v19  }
0xfe: {  	[tilespmem:s28+$0xB6C0] =	vst v18  }
0xff: {  	[tilespmem:s28+$0xB6D0] =	vst v21  }
0x100: {  	[tilespmem:s28+$0xB700] =	vst v20  }
0x101: {  	[tilespmem:s28+$0xB710] =	vst v16  }
0x102: {  	[tilespmem:s28+$0xB720] =	vst v17  }
0x103: {  	[tilespmem:s28+$0xB730] =	vst v19  }
0x104: {  	[tilespmem:s28+$0xB740] =	vst v18  }
0x105: {  	[tilespmem:s28+$0xB750] =	vst v21  }
0x106: {  	[tilespmem:s28+$0xB780] =	vst v20  }
0x107: {  	[tilespmem:s28+$0xB790] =	vst v16  }
0x108: {  	[tilespmem:s28+$0xB7A0] =	vst v17  }
0x109: {  	[tilespmem:s28+$0xB7B0] =	vst v19  }
0x10a: {  	[tilespmem:s28+$0xB7C0] =	vst v18  }
0x10b: {  	[tilespmem:s28+$0xB7D0] =	vst v21  }
0x10c: {  	[tilespmem:s28+$0xB800] =	vst v20  }
0x10d: {  	[tilespmem:s28+$0xB810] =	vst v16  }
0x10e: {  	[tilespmem:s28+$0xB820] =	vst v17  }
0x10f: {  	[tilespmem:s28+$0xB830] =	vst v19  }
0x110: {  	[tilespmem:s28+$0xB840] =	vst v18  }
0x111: {  	[tilespmem:s28+$0xB850] =	vst v21  }
0x112: {  	[tilespmem:s28+$0xB880] =	vst v20  }
0x113: {  	[tilespmem:s28+$0xB890] =	vst v16  }
0x114: {  	[tilespmem:s28+$0xB8A0] =	vst v17  }
0x115: {  	[tilespmem:s28+$0xB8B0] =	vst v19  }
0x116: {  	[tilespmem:s28+$0xB8C0] =	vst v18  }
0x117: {  	[tilespmem:s28+$0xB8D0] =	vst v21  }
.Ltmp2:
0x118: {  	[tilespmem:s28+$0xB900] =	vst v20;
	(pc) =	sbr.rel @p1 .LBB2_5-.Ltmp2, $4  }
0x119: {  	[tilespmem:s28+$0xB910] =	vst v16  }
0x11a: {  	[tilespmem:s28+$0xB920] =	vst v17  }
0x11b: {  	[tilespmem:s28+$0xB930] =	vst v19  }
0x11c: {  	[tilespmem:s28+$0xB940] =	vst v18;
	s28 =	sshra.s32 s25, $0x2;
	s25 =	sadd.s32 $0x2000, s25  }
.LBB2_6:
0x11d: {  	[tilespmem:s28+$0xB950] =	vst v21  }
0x11e: {  	[tilespmem:s28+$0xB180] =	vst v20  }
0x11f: {  	[tilespmem:s28+$0xB190] =	vst v16  }
0x120: {  	[tilespmem:s28+$0xB1A0] =	vst v17  }
0x121: {  	[tilespmem:s28+$0xB1B0] =	vst v19  }
0x122: {  	[tilespmem:s28+$0xB1C0] =	vst v18  }
0x123: {  	[tilespmem:s28+$0xB1D0] =	vst v21  }
0x124: {  	[tilespmem:s28+$0xB200] =	vst v20  }
0x125: {  	[tilespmem:s28+$0xB210] =	vst v16  }
0x126: {  	[tilespmem:s28+$0xB220] =	vst v17  }
0x127: {  	[tilespmem:s28+$0xB230] =	vst v19  }
0x128: {  	[tilespmem:s28+$0xB240] =	vst v18  }
0x129: {  	[tilespmem:s28+$0xB250] =	vst v21  }
0x12a: {  	[tilespmem:s28+$0xB280] =	vst v20  }
0x12b: {  	[tilespmem:s28+$0xB290] =	vst v16  }
0x12c: {  	[tilespmem:s28+$0xB2A0] =	vst v17  }
0x12d: {  	[tilespmem:s28+$0xB2B0] =	vst v19  }
0x12e: {  	[tilespmem:s28+$0xB2C0] =	vst v18  }
0x12f: {  	[tilespmem:s28+$0xB2D0] =	vst v21  }
0x130: {  	[tilespmem:s28+$0xB300] =	vst v20  }
0x131: {  	[tilespmem:s28+$0xB310] =	vst v16  }
0x132: {  	[tilespmem:s28+$0xB320] =	vst v17  }
0x133: {  	[tilespmem:s28+$0xB330] =	vst v19  }
0x134: {  	[tilespmem:s28+$0xB340] =	vst v18  }
0x135: {  	[tilespmem:s28+$0xB350] =	vst v21  }
0x136: {  	[tilespmem:s28+$0xB380] =	vst v20  }
0x137: {  	[tilespmem:s28+$0xB390] =	vst v16  }
0x138: {  	[tilespmem:s28+$0xB3A0] =	vst v17  }
0x139: {  	[tilespmem:s28+$0xB3B0] =	vst v19  }
0x13a: {  	[tilespmem:s28+$0xB3C0] =	vst v18  }
0x13b: {  	[tilespmem:s28+$0xB3D0] =	vst v21  }
0x13c: {  	[tilespmem:s28+$0xB400] =	vst v20  }
0x13d: {  	[tilespmem:s28+$0xB410] =	vst v16  }
0x13e: {  	[tilespmem:s28+$0xB420] =	vst v17  }
0x13f: {  	[tilespmem:s28+$0xB430] =	vst v19  }
0x140: {  	[tilespmem:s28+$0xB440] =	vst v18  }
0x141: {  	[tilespmem:s28+$0xB450] =	vst v21  }
0x142: {  	[tilespmem:s28+$0xB480] =	vst v20  }
0x143: {  	[tilespmem:s28+$0xB490] =	vst v16  }
0x144: {  	[tilespmem:s28+$0xB4A0] =	vst v17  }
0x145: {  	[tilespmem:s28+$0xB4B0] =	vst v19  }
0x146: {  	[tilespmem:s28+$0xB4C0] =	vst v18  }
0x147: {  	[tilespmem:s28+$0xB4D0] =	vst v21  }
0x148: {  	[tilespmem:s28+$0xB500] =	vst v20  }
0x149: {  	[tilespmem:s28+$0xB510] =	vst v16  }
0x14a: {  	[tilespmem:s28+$0xB520] =	vst v17  }
0x14b: {  	[tilespmem:s28+$0xB530] =	vst v19  }
0x14c: {  	[tilespmem:s28+$0xB540] =	vst v18  }
0x14d: {  	[tilespmem:s28+$0xB550] =	vst v21  }
0x14e: {  	[tilespmem:s28+$0xB580] =	vst v20  }
0x14f: {  	[tilespmem:s28+$0xB590] =	vst v16  }
0x150: {  	[tilespmem:s28+$0xB5A0] =	vst v17  }
0x151: {  	[tilespmem:s28+$0xB5B0] =	vst v19  }
0x152: {  	[tilespmem:s28+$0xB5C0] =	vst v18  }
0x153: {  	[tilespmem:s28+$0xB5D0] =	vst v21  }
0x154: {  	[tilespmem:s28+$0xB600] =	vst v20  }
0x155: {  	[tilespmem:s28+$0xB610] =	vst v16  }
0x156: {  	[tilespmem:s28+$0xB620] =	vst v17  }
0x157: {  	[tilespmem:s28+$0xB630] =	vst v19  }
0x158: {  	[tilespmem:s28+$0xB640] =	vst v18  }
0x159: {  	[tilespmem:s28+$0xB650] =	vst v21  }
0x15a: {  	[tilespmem:s28+$0xB680] =	vst v20  }
0x15b: {  	[tilespmem:s28+$0xB690] =	vst v16  }
0x15c: {  	[tilespmem:s28+$0xB6A0] =	vst v17  }
0x15d: {  	[tilespmem:s28+$0xB6B0] =	vst v19  }
0x15e: {  	[tilespmem:s28+$0xB6C0] =	vst v18  }
0x15f: {  	[tilespmem:s28+$0xB6D0] =	vst v21  }
0x160: {  	[tilespmem:s28+$0xB700] =	vst v20  }
0x161: {  	[tilespmem:s28+$0xB710] =	vst v16  }
0x162: {  	[tilespmem:s28+$0xB720] =	vst v17  }
0x163: {  	[tilespmem:s28+$0xB730] =	vst v19  }
0x164: {  	[tilespmem:s28+$0xB740] =	vst v18  }
0x165: {  	[tilespmem:s28+$0xB750] =	vst v21  }
0x166: {  	[tilespmem:s28+$0xB780] =	vst v20  }
0x167: {  	[tilespmem:s28+$0xB790] =	vst v16  }
0x168: {  	[tilespmem:s28+$0xB7A0] =	vst v17  }
0x169: {  	[tilespmem:s28+$0xB7B0] =	vst v19  }
0x16a: {  	[tilespmem:s28+$0xB7C0] =	vst v18  }
0x16b: {  	[tilespmem:s28+$0xB7D0] =	vst v21  }
0x16c: {  	[tilespmem:s28+$0xB800] =	vst v20  }
0x16d: {  	[tilespmem:s28+$0xB810] =	vst v16  }
0x16e: {  	[tilespmem:s28+$0xB820] =	vst v17  }
0x16f: {  	[tilespmem:s28+$0xB830] =	vst v19  }
0x170: {  	[tilespmem:s28+$0xB840] =	vst v18  }
0x171: {  	[tilespmem:s28+$0xB850] =	vst v21  }
0x172: {  	[tilespmem:s28+$0xB880] =	vst v20  }
0x173: {  	[tilespmem:s28+$0xB890] =	vst v16  }
0x174: {  	[tilespmem:s28+$0xB8A0] =	vst v17  }
0x175: {  	[tilespmem:s28+$0xB8B0] =	vst v19  }
0x176: {  	[tilespmem:s28+$0xB8C0] =	vst v18  }
0x177: {  	[tilespmem:s28+$0xB8D0] =	vst v21  }
0x178: {  	[tilespmem:s28+$0xB900] =	vst v20;
	s25 =	sor.u32 $0x1, s26  }
0x179: {  	[tilespmem:s28+$0xB910] =	vst v16;
	s31 =	sshll.u32 s26, $0xF;
	v16 =	vadd.s32 s25, v10  }
0x17a: {  	[tilespmem:s28+$0xB920] =	vst v17;
	s26 =	sadd.s32 s7, s31  }
0x17b: {  	[tilespmem:s28+$0xB930] =	vst v19;
	v17 =	vadd.s32 s25, v11;
	s26 =	sshrl.u32 s26, $0x3  }
0x17c: {  	[tilespmem:s28+$0xB940] =	vst v18;
	v19 =	vadd.s32 s25, v13;
	s26 =	sadd.s32 s3, s26  }
0x17d: {  	[hbm4b:s26+s2] =	stream.linear.scatter [tilespmem:s19], [sflag:$0x1], $0x8000, $0x38;
	[tilespmem:$0x1B180] =	vst v63  }
0x17e: {  	v16 =	vld.idx.msk [tilespmem:v16+s2+$0x0], $0xffff  }
0x17f: {  	v18 =	vadd.s32 s25, v12  }
0x180: {  	v17 =	vld.idx.msk [tilespmem:v17+s2+$0x0], $0xffff  }
0x181: {  	v19 =	vld.idx.msk [tilespmem:v19+s2+$0x0], $0xffff;
	_ =	sdelay $0x1  }
0x182: {  	vm6 =	veq.s32 v16, v2  }
0x183: {  	vm7 =	veq.s32 v16, v3;
	vm8 =	veq.s32 v16, v0;
	v16 =	vld.idx.msk [tilespmem:v18+s2+$0x0], $0xffff;
	v18 =	vadd.s32 s25, v14  }
0x184: {  	v20 =	vadd.s32 s25, v15;
	vm15 =	veq.s32 v17, v2  }
0x185: {  	vm9 =	veq.s32 v17, v3;
	vm14 =	veq.s32 v19, v2;
	vm6 =	vmor vm6, vm7  }
0x186: {  	vm10 =	veq.s32 v19, v3;
	vm7 =	vmand vm8, vm3;
	vm6 =	vmand vm4, vm6  }
0x187: {  	vm11 =	veq.s32 v19, v0;
	vm6 =	vmor vm7, vm6;
	vm7 =	veq.s32 v17, v0  }
0x188: {  	v21 =	vsel vm6, $0x3F800000, v4;
	vm6 =	vmor vm15, vm9;
	vm7 =	vmand vm7, vm3;
	v17 =	vld.idx.msk [tilespmem:v18+s2+$0x0], $0xffff  }
0x189: {  	vm9 =	vmor vm14, vm10;
	vm15 =	vmand vm11, vm3;
	vm6 =	vmand vm4, vm6;
	v18 =	vld.idx.msk [tilespmem:v20+s2+$0x0], $0xffff  }
0x18a: {  	vm12 =	veq.s32 v16, v2;
	vm13 =	veq.s32 v16, v3;
	vm9 =	vmand vm4, vm9  }
0x18b: {  	vm6 =	vmor vm7, vm6;
	vm7 =	veq.s32 v16, v0;
	vm8 =	vmor vm12, vm13  }
0x18c: {  	vm7 =	vmand vm7, vm3;
	vm8 =	vmand vm4, vm8;
	v16 =	vsel vm6, $0x3F800000, v4  }
0x18d: {  	vm7 =	vmor vm7, vm8;
	vm8 =	vmor vm15, vm9;
	vm12 =	veq.s32 v17, v2  }
0x18e: {  	vm13 =	veq.s32 v17, v3;
	vm14 =	veq.s32 v18, v2;
	vm15 =	veq.s32 v18, v3  }
0x18f: {  	vm6 =	veq.s32 v17, v0;
	v17 =	vsel vm7, $0x3F800000, v4;
	vm7 =	veq.s32 v18, v0  }
0x190: {  	s26 =	simm.s32 @!p0 $0x2;
	vm9 =	vmor vm12, vm13;
	vm10 =	vmor vm14, vm15;
	vm6 =	vmand vm6, vm3  }
0x191: {  	_ =	swait.ge @!p0 [sflag:s26], $0x8000;
	vm7 =	vmand vm7, vm3;
	vm9 =	vmand vm4, vm9;
	vm10 =	vmand vm4, vm10  }
0x192: {  	v20 =	vnsel vm5, $0x3F800000, v21;
	[sflag:s26] =	ssyncset.done @!p0 $0x0;
	vm6 =	vmor vm6, vm9;
	vm7 =	vmor vm7, vm10  }
0x193: {  	s28 =	simm.s32 $0x2000;
	[sflag:s26] =	ssyncadd.s32 @!p0 $0xFFFF8000;
	s26 =	simm.s32 $0x0;
	v19 =	vsel vm8, $0x3F800000, v4;
	v18 =	vsel vm6, $0x3F800000, v4;
	v21 =	vsel vm7, $0x3F800000, v4  }
.LBB2_7:
0x194: {  	p0 =	sne.s32 s28, $0x1E000;
	[tilespmem:s26+$0x13950] =	vst v21  }
0x195: {  	[tilespmem:s26+$0x13180] =	vst v20  }
0x196: {  	[tilespmem:s26+$0x13190] =	vst v16  }
0x197: {  	[tilespmem:s26+$0x131A0] =	vst v17  }
0x198: {  	[tilespmem:s26+$0x131B0] =	vst v19  }
0x199: {  	[tilespmem:s26+$0x131C0] =	vst v18  }
0x19a: {  	[tilespmem:s26+$0x131D0] =	vst v21  }
0x19b: {  	[tilespmem:s26+$0x13200] =	vst v20  }
0x19c: {  	[tilespmem:s26+$0x13210] =	vst v16  }
0x19d: {  	[tilespmem:s26+$0x13220] =	vst v17  }
0x19e: {  	[tilespmem:s26+$0x13230] =	vst v19  }
0x19f: {  	[tilespmem:s26+$0x13240] =	vst v18  }
0x1a0: {  	[tilespmem:s26+$0x13250] =	vst v21  }
0x1a1: {  	[tilespmem:s26+$0x13280] =	vst v20  }
0x1a2: {  	[tilespmem:s26+$0x13290] =	vst v16  }
0x1a3: {  	[tilespmem:s26+$0x132A0] =	vst v17  }
0x1a4: {  	[tilespmem:s26+$0x132B0] =	vst v19  }
0x1a5: {  	[tilespmem:s26+$0x132C0] =	vst v18  }
0x1a6: {  	[tilespmem:s26+$0x132D0] =	vst v21  }
0x1a7: {  	[tilespmem:s26+$0x13300] =	vst v20  }
0x1a8: {  	[tilespmem:s26+$0x13310] =	vst v16  }
0x1a9: {  	[tilespmem:s26+$0x13320] =	vst v17  }
0x1aa: {  	[tilespmem:s26+$0x13330] =	vst v19  }
0x1ab: {  	[tilespmem:s26+$0x13340] =	vst v18  }
0x1ac: {  	[tilespmem:s26+$0x13350] =	vst v21  }
0x1ad: {  	[tilespmem:s26+$0x13380] =	vst v20  }
0x1ae: {  	[tilespmem:s26+$0x13390] =	vst v16  }
0x1af: {  	[tilespmem:s26+$0x133A0] =	vst v17  }
0x1b0: {  	[tilespmem:s26+$0x133B0] =	vst v19  }
0x1b1: {  	[tilespmem:s26+$0x133C0] =	vst v18  }
0x1b2: {  	[tilespmem:s26+$0x133D0] =	vst v21  }
0x1b3: {  	[tilespmem:s26+$0x13400] =	vst v20  }
0x1b4: {  	[tilespmem:s26+$0x13410] =	vst v16  }
0x1b5: {  	[tilespmem:s26+$0x13420] =	vst v17  }
0x1b6: {  	[tilespmem:s26+$0x13430] =	vst v19  }
0x1b7: {  	[tilespmem:s26+$0x13440] =	vst v18  }
0x1b8: {  	[tilespmem:s26+$0x13450] =	vst v21  }
0x1b9: {  	[tilespmem:s26+$0x13480] =	vst v20  }
0x1ba: {  	[tilespmem:s26+$0x13490] =	vst v16  }
0x1bb: {  	[tilespmem:s26+$0x134A0] =	vst v17  }
0x1bc: {  	[tilespmem:s26+$0x134B0] =	vst v19  }
0x1bd: {  	[tilespmem:s26+$0x134C0] =	vst v18  }
0x1be: {  	[tilespmem:s26+$0x134D0] =	vst v21  }
0x1bf: {  	[tilespmem:s26+$0x13500] =	vst v20  }
0x1c0: {  	[tilespmem:s26+$0x13510] =	vst v16  }
0x1c1: {  	[tilespmem:s26+$0x13520] =	vst v17  }
0x1c2: {  	[tilespmem:s26+$0x13530] =	vst v19  }
0x1c3: {  	[tilespmem:s26+$0x13540] =	vst v18  }
0x1c4: {  	[tilespmem:s26+$0x13550] =	vst v21  }
0x1c5: {  	[tilespmem:s26+$0x13580] =	vst v20  }
0x1c6: {  	[tilespmem:s26+$0x13590] =	vst v16  }
0x1c7: {  	[tilespmem:s26+$0x135A0] =	vst v17  }
0x1c8: {  	[tilespmem:s26+$0x135B0] =	vst v19  }
0x1c9: {  	[tilespmem:s26+$0x135C0] =	vst v18  }
0x1ca: {  	[tilespmem:s26+$0x135D0] =	vst v21  }
0x1cb: {  	[tilespmem:s26+$0x13600] =	vst v20  }
0x1cc: {  	[tilespmem:s26+$0x13610] =	vst v16  }
0x1cd: {  	[tilespmem:s26+$0x13620] =	vst v17  }
0x1ce: {  	[tilespmem:s26+$0x13630] =	vst v19  }
0x1cf: {  	[tilespmem:s26+$0x13640] =	vst v18  }
0x1d0: {  	[tilespmem:s26+$0x13650] =	vst v21  }
0x1d1: {  	[tilespmem:s26+$0x13680] =	vst v20  }
0x1d2: {  	[tilespmem:s26+$0x13690] =	vst v16  }
0x1d3: {  	[tilespmem:s26+$0x136A0] =	vst v17  }
0x1d4: {  	[tilespmem:s26+$0x136B0] =	vst v19  }
0x1d5: {  	[tilespmem:s26+$0x136C0] =	vst v18  }
0x1d6: {  	[tilespmem:s26+$0x136D0] =	vst v21  }
0x1d7: {  	[tilespmem:s26+$0x13700] =	vst v20  }
0x1d8: {  	[tilespmem:s26+$0x13710] =	vst v16  }
0x1d9: {  	[tilespmem:s26+$0x13720] =	vst v17  }
0x1da: {  	[tilespmem:s26+$0x13730] =	vst v19  }
0x1db: {  	[tilespmem:s26+$0x13740] =	vst v18  }
0x1dc: {  	[tilespmem:s26+$0x13750] =	vst v21  }
0x1dd: {  	[tilespmem:s26+$0x13780] =	vst v20  }
0x1de: {  	[tilespmem:s26+$0x13790] =	vst v16  }
0x1df: {  	[tilespmem:s26+$0x137A0] =	vst v17  }
0x1e0: {  	[tilespmem:s26+$0x137B0] =	vst v19  }
0x1e1: {  	[tilespmem:s26+$0x137C0] =	vst v18  }
0x1e2: {  	[tilespmem:s26+$0x137D0] =	vst v21  }
0x1e3: {  	[tilespmem:s26+$0x13800] =	vst v20  }
0x1e4: {  	[tilespmem:s26+$0x13810] =	vst v16  }
0x1e5: {  	[tilespmem:s26+$0x13820] =	vst v17  }
0x1e6: {  	[tilespmem:s26+$0x13830] =	vst v19  }
0x1e7: {  	[tilespmem:s26+$0x13840] =	vst v18  }
0x1e8: {  	[tilespmem:s26+$0x13850] =	vst v21  }
0x1e9: {  	[tilespmem:s26+$0x13880] =	vst v20  }
0x1ea: {  	[tilespmem:s26+$0x13890] =	vst v16  }
0x1eb: {  	[tilespmem:s26+$0x138A0] =	vst v17  }
0x1ec: {  	[tilespmem:s26+$0x138B0] =	vst v19  }
0x1ed: {  	[tilespmem:s26+$0x138C0] =	vst v18  }
0x1ee: {  	[tilespmem:s26+$0x138D0] =	vst v21  }
.Ltmp3:
0x1ef: {  	[tilespmem:s26+$0x13900] =	vst v20;
	(pc) =	sbr.rel @p0 .LBB2_7-.Ltmp3, $4  }
0x1f0: {  	[tilespmem:s26+$0x13910] =	vst v16  }
0x1f1: {  	[tilespmem:s26+$0x13920] =	vst v17  }
0x1f2: {  	[tilespmem:s26+$0x13930] =	vst v19  }
0x1f3: {  	[tilespmem:s26+$0x13940] =	vst v18;
	s26 =	sshra.s32 s28, $0x2;
	s28 =	sadd.s32 $0x2000, s28  }
0x1f4: {  	[tilespmem:s26+$0x13950] =	vst v21  }
0x1f5: {  	[tilespmem:s26+$0x13180] =	vst v20  }
0x1f6: {  	[tilespmem:s26+$0x13190] =	vst v16  }
0x1f7: {  	[tilespmem:s26+$0x131A0] =	vst v17  }
0x1f8: {  	[tilespmem:s26+$0x131B0] =	vst v19  }
0x1f9: {  	[tilespmem:s26+$0x131C0] =	vst v18  }
0x1fa: {  	[tilespmem:s26+$0x131D0] =	vst v21  }
0x1fb: {  	[tilespmem:s26+$0x13200] =	vst v20  }
0x1fc: {  	[tilespmem:s26+$0x13210] =	vst v16  }
0x1fd: {  	[tilespmem:s26+$0x13220] =	vst v17  }
0x1fe: {  	[tilespmem:s26+$0x13230] =	vst v19  }
0x1ff: {  	[tilespmem:s26+$0x13240] =	vst v18  }
0x200: {  	[tilespmem:s26+$0x13250] =	vst v21  }
0x201: {  	[tilespmem:s26+$0x13280] =	vst v20  }
0x202: {  	[tilespmem:s26+$0x13290] =	vst v16  }
0x203: {  	[tilespmem:s26+$0x132A0] =	vst v17  }
0x204: {  	[tilespmem:s26+$0x132B0] =	vst v19  }
0x205: {  	[tilespmem:s26+$0x132C0] =	vst v18  }
0x206: {  	[tilespmem:s26+$0x132D0] =	vst v21  }
0x207: {  	[tilespmem:s26+$0x13300] =	vst v20  }
0x208: {  	[tilespmem:s26+$0x13310] =	vst v16  }
0x209: {  	[tilespmem:s26+$0x13320] =	vst v17  }
0x20a: {  	[tilespmem:s26+$0x13330] =	vst v19  }
0x20b: {  	[tilespmem:s26+$0x13340] =	vst v18  }
0x20c: {  	[tilespmem:s26+$0x13350] =	vst v21  }
0x20d: {  	[tilespmem:s26+$0x13380] =	vst v20  }
0x20e: {  	[tilespmem:s26+$0x13390] =	vst v16  }
0x20f: {  	[tilespmem:s26+$0x133A0] =	vst v17  }
0x210: {  	[tilespmem:s26+$0x133B0] =	vst v19  }
0x211: {  	[tilespmem:s26+$0x133C0] =	vst v18  }
0x212: {  	[tilespmem:s26+$0x133D0] =	vst v21  }
0x213: {  	[tilespmem:s26+$0x13400] =	vst v20  }
0x214: {  	[tilespmem:s26+$0x13410] =	vst v16  }
0x215: {  	[tilespmem:s26+$0x13420] =	vst v17  }
0x216: {  	[tilespmem:s26+$0x13430] =	vst v19  }
0x217: {  	[tilespmem:s26+$0x13440] =	vst v18  }
0x218: {  	[tilespmem:s26+$0x13450] =	vst v21  }
0x219: {  	[tilespmem:s26+$0x13480] =	vst v20  }
0x21a: {  	[tilespmem:s26+$0x13490] =	vst v16  }
0x21b: {  	[tilespmem:s26+$0x134A0] =	vst v17  }
0x21c: {  	[tilespmem:s26+$0x134B0] =	vst v19  }
0x21d: {  	[tilespmem:s26+$0x134C0] =	vst v18  }
0x21e: {  	[tilespmem:s26+$0x134D0] =	vst v21  }
0x21f: {  	[tilespmem:s26+$0x13500] =	vst v20  }
0x220: {  	[tilespmem:s26+$0x13510] =	vst v16  }
0x221: {  	[tilespmem:s26+$0x13520] =	vst v17  }
0x222: {  	[tilespmem:s26+$0x13530] =	vst v19  }
0x223: {  	[tilespmem:s26+$0x13540] =	vst v18  }
0x224: {  	[tilespmem:s26+$0x13550] =	vst v21  }
0x225: {  	[tilespmem:s26+$0x13580] =	vst v20  }
0x226: {  	[tilespmem:s26+$0x13590] =	vst v16  }
0x227: {  	[tilespmem:s26+$0x135A0] =	vst v17  }
0x228: {  	[tilespmem:s26+$0x135B0] =	vst v19  }
0x229: {  	[tilespmem:s26+$0x135C0] =	vst v18  }
0x22a: {  	[tilespmem:s26+$0x135D0] =	vst v21  }
0x22b: {  	[tilespmem:s26+$0x13600] =	vst v20  }
0x22c: {  	[tilespmem:s26+$0x13610] =	vst v16  }
0x22d: {  	[tilespmem:s26+$0x13620] =	vst v17  }
0x22e: {  	[tilespmem:s26+$0x13630] =	vst v19  }
0x22f: {  	[tilespmem:s26+$0x13640] =	vst v18  }
0x230: {  	[tilespmem:s26+$0x13650] =	vst v21  }
0x231: {  	[tilespmem:s26+$0x13680] =	vst v20  }
0x232: {  	[tilespmem:s26+$0x13690] =	vst v16  }
0x233: {  	[tilespmem:s26+$0x136A0] =	vst v17  }
0x234: {  	[tilespmem:s26+$0x136B0] =	vst v19  }
0x235: {  	[tilespmem:s26+$0x136C0] =	vst v18  }
0x236: {  	[tilespmem:s26+$0x136D0] =	vst v21  }
0x237: {  	[tilespmem:s26+$0x13700] =	vst v20  }
0x238: {  	[tilespmem:s26+$0x13710] =	vst v16  }
0x239: {  	[tilespmem:s26+$0x13720] =	vst v17  }
0x23a: {  	[tilespmem:s26+$0x13730] =	vst v19  }
0x23b: {  	[tilespmem:s26+$0x13740] =	vst v18  }
0x23c: {  	[tilespmem:s26+$0x13750] =	vst v21  }
0x23d: {  	[tilespmem:s26+$0x13780] =	vst v20  }
0x23e: {  	[tilespmem:s26+$0x13790] =	vst v16  }
0x23f: {  	[tilespmem:s26+$0x137A0] =	vst v17  }
0x240: {  	[tilespmem:s26+$0x137B0] =	vst v19  }
0x241: {  	[tilespmem:s26+$0x137C0] =	vst v18  }
0x242: {  	[tilespmem:s26+$0x137D0] =	vst v21  }
0x243: {  	[tilespmem:s26+$0x13800] =	vst v20  }
0x244: {  	[tilespmem:s26+$0x13810] =	vst v16  }
0x245: {  	[tilespmem:s26+$0x13820] =	vst v17  }
0x246: {  	[tilespmem:s26+$0x13830] =	vst v19  }
0x247: {  	[tilespmem:s26+$0x13840] =	vst v18  }
0x248: {  	[tilespmem:s26+$0x13850] =	vst v21  }
0x249: {  	[tilespmem:s26+$0x13880] =	vst v20  }
0x24a: {  	[tilespmem:s26+$0x13890] =	vst v16  }
0x24b: {  	[tilespmem:s26+$0x138A0] =	vst v17  }
0x24c: {  	[tilespmem:s26+$0x138B0] =	vst v19  }
0x24d: {  	[tilespmem:s26+$0x138C0] =	vst v18  }
0x24e: {  	[tilespmem:s26+$0x138D0] =	vst v21;
	s24 =	sadd.s32 $0x1, s24  }
0x24f: {  	[tilespmem:s26+$0x13900] =	vst v20;
	p0 =	sne.s32 s24, $0x10  }
.Ltmp4:
0x250: {  	[tilespmem:s26+$0x13910] =	vst v16;
	s25 =	sshll.u32 s25, $0xF;
	(pc) =	sbr.rel @p0 .LBB2_4-.Ltmp4, $4  }
0x251: {  	[tilespmem:s26+$0x13920] =	vst v17;
	s25 =	sadd.s32 s7, s25  }
0x252: {  	[tilespmem:s26+$0x13930] =	vst v19;
	s25 =	sshrl.u32 s25, $0x3  }
0x253: {  	[tilespmem:s26+$0x13940] =	vst v18;
	s25 =	sadd.s32 s3, s25  }
0x254: {  	[hbm4b:s25+s2] =	stream.linear.scatter [tilespmem:s20], [sflag:$0x2], $0x8000, $0x38;
	[tilespmem:$0x1B180] =	vst v63  }
0x255: {  	s23 =	sadd.s32 $0x1, s23  }
0x256: {  	_ =	swait.ge [sflag:s21], $0x8000;
	p0 =	sne.s32 s23, s8  }
.Ltmp5:
0x257: {  	[sflag:s21] =	ssyncset.done $0x0;
	(pc) =	sbr.rel @p0 .LBB2_1-.Ltmp5, $4  }
0x258: {  	[sflag:s21] =	ssyncadd.s32 $0xFFFF8000  }
0x259: {  	_ =	swait.ge [sflag:s22], $0x8000  }
0x25a: {  	[sflag:s22] =	ssyncset.done $0x0  }
0x25b: {  	[sflag:s22] =	ssyncadd.s32 $0xFFFF8000  }
0x25c: {  	_ =	sfence.sel $0x180000  }
0x25d: {  	[bflag:$0x0] =	sbarrier.arrive $0xFFFF  }
0x25e: {  	p0 =	sne.s32 s1, $0x0;
	_ =	strace $0x90000047  }
0x25f: {  	s0 =	sadd.s32 @!p0 $0x100000, s0;
	[bflag:$0x2] =	sbarrier.arrive $0xFFFF  }
0x260: {  	[sflag:s0] =	ssyncadd.tile.s32 @!p0 $0x1;
	_ =	shalt  }
.Lfunc_end2:
_tile_overlayer_lowered:
.L_overlay_start_2:
0x261: {  	(tag) =	ssettag $0x2  }
0x262: {  	s0 =	rddreg [dreg:$0x0];
	s2 =	stileid.u32  }
0x263: {  	s1 =	rddreg [dreg:$0x1];
	p0 =	sne.s32 s2, $0x0  }
0x264: {  	s3 =	rddreg [dreg:$0x2];
	[bflag:$0x3] =	sbarrier.arrive $0xFFFF;
	s2 =	simm.s32 @!p0 $0x1C03  }
0x265: {  	[timem:s3], [sflag:s2] =	dma.local @!p0 [hbm:s0], s1  }
0x266: {  	s0 =	simm.s32 @!p0 $0x3  }
0x267: {  	_ =	swait.ge @!p0 [sflag:s0], s1  }
0x268: {  	s1 =	ssub.s32 @!p0 $0x0, s1;
	[sflag:s0] =	ssyncset.done @!p0 $0x0  }
0x269: {  	[sflag:s0] =	ssyncadd.s32 @!p0 s1  }
0x26a: {  	[bflag:$0x3] =	sbarrier.arrive $0xFFFF  }
0x26b: {  	_ =	shalt  }

</sc_bundles>
